<compile_context>
chip_gen: v7x
topology: tpu7x:2x2x1
jax: 0.10.2.dev20260603
libtpu: 0.0.44.dev20260713+nightly
codegen_flags: <defaults>
</compile_context>

<pallas_src>
import functools

import jax
import jax.numpy as jnp
from jax.experimental import pallas as pl
from jax.experimental.pallas import tpu as pltpu

DIST_TH = 0.05
_HIGHEST = jax.lax.Precision.HIGHEST


def _dot(a, b):
    return jax.lax.dot_general(a, b, (((1,), (0,)), ((), ())),
                               preferred_element_type=jnp.float32)


def _dot_tl(a, b):
    return jax.lax.dot_general(a, b, (((0,), (0,)), ((), ())),
                               preferred_element_type=jnp.float32)


def _split(x):
    hi = x.astype(jnp.bfloat16)
    lo = (x - hi.astype(jnp.float32)).astype(jnp.bfloat16)
    return hi, lo


def _wsplit(w):
    hi, lo = _split(w)
    return jnp.concatenate([hi, lo], axis=0)


def _gdot(oh, t2):
    th, tl = t2
    return _dot(oh, th) + _dot(oh, tl)


def _gdot_tl(oh, g):
    gh, gl = _split(g)
    return _dot_tl(oh, gh) + _dot_tl(oh, gl)


def _vdot(a, wcat):
    k = a.shape[-1]
    wh, wl = wcat[:k], wcat[k:]
    ah, al = _split(a)
    return _dot(ah, wh) + (_dot(ah, wl) + _dot(al, wh))


def _vdot2(a, wcat):
    k = a.shape[-1]
    wh, wl = wcat[:k], wcat[k:]
    ah = a.astype(jnp.bfloat16)
    return _dot(ah, wh) + _dot(ah, wl)


def _gn_rows(x, w, b, eps=1e-5):
    mu = jnp.mean(x, axis=-1, keepdims=True)
    var = jnp.mean((x - mu) ** 2, axis=-1, keepdims=True)
    return (x - mu) / jnp.sqrt(var + eps) * w + b


def _prep_body(agents_ref, w1c0_ref, w1c1_ref, cb0_ref, cb1_ref):
    a = agents_ref[...]
    cb0_ref[...] = _vdot(a, w1c0_ref[...])
    cb1_ref[...] = _vdot(a, w1c1_ref[...])


def _att_layer(x, ctrs_v, b, offs_ref, edges_ref, ebuf, esem, actrs, cb,
               qwT, w1qT, w1dT, dw2T, cw2T, agtT, linT, dw1, vec,
               BN, T, A_pad):
    dgw2, dgb2 = vec[0:1, :], vec[1:2, :]
    qgw, qgb = vec[2:3, :], vec[3:4, :]
    cgw1, cgb1 = vec[4:5, :], vec[5:6, :]
    ngw, ngb = vec[6:7, :], vec[7:8, :]
    lgw, lgb = vec[8:9, :], vec[9:10, :]
    db1 = vec[10:11, :]

    res = x
    qb = jax.nn.relu(_gn_rows(_vdot(x, qwT), qgw, qgb))
    qb = _vdot(qb, w1qT)
    xa = _vdot(x, agtT)
    qb2 = _split(qb)
    cb2 = _split(cb)
    ctrs2 = _split(ctrs_v)
    actrs2 = _split(actrs)

    s = offs_ref[b]
    e = offs_ref[b + 1]
    n_ch = (e - s + T - 1) // T

    def _start(k, slot):
        pltpu.make_async_copy(
            edges_ref.at[pl.ds(s + k * T, T), :],
            ebuf.at[slot], esem.at[slot]).start()

    @pl.when(n_ch > 0)
    def _():
        _start(0, 0)

    def chunk_body(k, acc):
        slot = jax.lax.rem(k, 2)

        @pl.when(k + 1 < n_ch)
        def _():
            _start(k + 1, jax.lax.rem(k + 1, 2))

        pltpu.make_async_copy(
            edges_ref.at[pl.ds(s + k * T, T), :],
            ebuf.at[slot], esem.at[slot]).wait()

        eb = ebuf[slot]
        lhi = (eb[:, 0:1] - b * BN).astype(jnp.int16)
        wia = eb[:, 1:2].astype(jnp.int16)
        oh = (lhi == jax.lax.broadcasted_iota(jnp.int16, (T, BN), 1)
              ).astype(jnp.bfloat16)
        oha = (wia == jax.lax.broadcasted_iota(jnp.int16, (T, A_pad), 1)
               ).astype(jnp.bfloat16)
        hc = _gdot(oh, ctrs2)
        ac = _gdot(oha, actrs2)
        delta = hc - ac
        d1 = jax.nn.relu(delta[:, 0:1] * dw1[0:1, :]
                         + delta[:, 1:2] * dw1[1:2, :] + db1)
        d3 = jax.nn.relu(_gn_rows(_vdot2(d1, dw2T), dgw2, dgb2))
        eact = _vdot2(d3, w1dT) + _gdot(oh, qb2) + _gdot(oha, cb2)
        g = jax.nn.relu(_gn_rows(eact, cgw1, cgb1))
        return acc + _gdot_tl(oh, g)

    acc = jax.lax.fori_loop(0, n_ch, chunk_body,
                            jnp.zeros((BN, 128), jnp.float32))
    y = xa + _vdot(acc, cw2T)
    y = jax.nn.relu(_gn_rows(y, ngw, ngb))
    y = _gn_rows(_vdot(y, linT), lgw, lgb)
    return jax.nn.relu(y + res)


def _main_body(offs_ref, edges_ref, feat_ref, meta4_ref, ctrs_ref,
               actrs_ref, mWf_ref, mWm_ref, mvec_ref,
               l0_refs, l1_refs, out_ref, ebuf, esem, *, BN, T, A_pad):
    b = pl.program_id(0)
    mvec = mvec_ref[...]
    x = (_vdot(feat_ref[...], mWf_ref[...])
         + _vdot(meta4_ref[...], mWm_ref[...]))
    x = jax.nn.relu(_gn_rows(x, mvec[0:1, :], mvec[1:2, :]))
    ctrs_v = ctrs_ref[...]
    for refs in (l0_refs, l1_refs):
        (cb_ref, qwT, w1qT, w1dT, dw2T, cw2T, agtT, linT, dw1, vec) = refs
        x = _att_layer(x, ctrs_v, b, offs_ref, edges_ref, ebuf, esem,
                       actrs_ref[...], cb_ref[...],
                       qwT[...], w1qT[...], w1dT[...], dw2T[...],
                       cw2T[...], agtT[...], linT[...], dw1[...],
                       vec[...], BN, T, A_pad)
    out_ref[...] = x


def _body_flat(offs_ref, edges_ref, feat_ref, meta4_ref, ctrs_ref,
               actrs_ref, mWf_ref, mWm_ref, mvec_ref, *rest, BN, T, A_pad):
    l0 = rest[0:10]
    l1 = rest[10:20]
    out_ref, ebuf, esem = rest[20], rest[21], rest[22]
    _main_body(offs_ref, edges_ref, feat_ref, meta4_ref, ctrs_ref,
               actrs_ref, mWf_ref, mWm_ref, mvec_ref, l0, l1,
               out_ref, ebuf, esem, BN=BN, T=T, A_pad=A_pad)


def _layer_weights(p, agents_pad, cb):
    vec = jnp.stack([
        p['dist_gw2'], p['dist_gb2'], p['query_gw'], p['query_gb'],
        p['ctx_gw1'], p['ctx_gb1'], p['norm_gw'], p['norm_gb'],
        p['lin_gw'], p['lin_gb'], p['dist_b1'],
        jnp.zeros_like(p['dist_b1']),
        jnp.zeros_like(p['dist_b1']),
        jnp.zeros_like(p['dist_b1']),
        jnp.zeros_like(p['dist_b1']),
        jnp.zeros_like(p['dist_b1']),
    ])
    return (cb,
            _wsplit(p['query_w'].T), _wsplit(p['ctx_w1'][:, 128:256].T),
            _wsplit(p['ctx_w1'][:, :128].T), _wsplit(p['dist_w2'].T),
            _wsplit(p['ctx_w2'].T), _wsplit(p['agt_w'].T),
            _wsplit(p['lin_w'].T), p['dist_w1'].T, vec)


def kernel(feat, turn, control, intersect, ctrs, agents, agent_ctrs, params):
    N, C = feat.shape
    A = agents.shape[0]
    BN, T = 256, 1024
    nblocks = (N + BN - 1) // BN
    N_pad = nblocks * BN
    A_pad = ((A + 127) // 128) * 128
    E_MAX = 524288 if N == 50000 else max(T, ((N * A) // T) * T)

    c2s = jnp.sum(ctrs ** 2, axis=1)
    a2s = jnp.sum(agent_ctrs ** 2, axis=1)
    d2 = (c2s[:, None] + a2s[None, :]
          - 2.0 * jnp.dot(ctrs, agent_ctrs.T, precision=_HIGHEST))
    mask = jnp.sqrt(jnp.maximum(d2, 0.0)) <= DIST_TH
    hi, wi = jnp.nonzero(mask, size=E_MAX, fill_value=(N_pad, 0))
    hi = hi.astype(jnp.int32)
    wi = wi.astype(jnp.int32)
    offs = jnp.searchsorted(
        hi, jnp.arange(nblocks + 1, dtype=jnp.int32) * BN,
        side='left').astype(jnp.int32)
    pad_tail = jnp.concatenate(
        [jnp.full((T, 1), N_pad, jnp.int32), jnp.zeros((T, 1), jnp.int32)], 1)
    edges = jnp.concatenate(
        [jnp.concatenate([hi[:, None], wi[:, None]], 1), pad_tail], 0)

    fp = jnp.pad(feat, ((0, N_pad - N), (0, 0)))
    meta4 = jnp.pad(
        jnp.concatenate([turn, control[:, None], intersect[:, None]], 1),
        ((0, N_pad - N), (0, 0)))
    cp = jnp.pad(ctrs, ((0, N_pad - N), (0, 0)))
    ap = jnp.pad(agents, ((0, A_pad - A), (0, 0)))
    acp = jnp.pad(agent_ctrs, ((0, A_pad - A), (0, 0)))

    p0, p1 = params['att0'], params['att1']
    cb0, cb1 = pl.pallas_call(
        _prep_body,
        out_shape=(jax.ShapeDtypeStruct((A_pad, C), jnp.float32),
                   jax.ShapeDtypeStruct((A_pad, C), jnp.float32)),
    )(ap, _wsplit(p0['ctx_w1'][:, 256:384].T),
      _wsplit(p1['ctx_w1'][:, 256:384].T))

    mWf = _wsplit(params['meta_w'][:, :C].T)
    mWm = _wsplit(params['meta_w'][:, C:].T)
    mvec = jnp.stack([params['meta_gw'], params['meta_gb']] +
                     [jnp.zeros_like(params['meta_gw'])] * 6)

    w0 = _layer_weights(p0, ap, cb0)
    w1 = _layer_weights(p1, ap, cb1)

    whole = lambda shp: pl.BlockSpec(shp, lambda b, offs: (0,) * len(shp))
    wspecs = [whole(x.shape) for x in w0]

    grid_spec = pltpu.PrefetchScalarGridSpec(
        num_scalar_prefetch=1,
        grid=(nblocks,),
        in_specs=[
            pl.BlockSpec(memory_space=pltpu.MemorySpace.HBM),
            pl.BlockSpec((BN, C), lambda b, offs: (b, 0)),
            pl.BlockSpec((BN, 4), lambda b, offs: (b, 0)),
            pl.BlockSpec((BN, 2), lambda b, offs: (b, 0)),
            whole((A_pad, 2)),
            whole((2 * C, C)), whole((8, C)), whole((8, C)),
        ] + wspecs + wspecs,
        out_specs=pl.BlockSpec((BN, C), lambda b, offs: (b, 0)),
        scratch_shapes=[
            pltpu.VMEM((2, T, 2), jnp.int32),
            pltpu.SemaphoreType.DMA((2,)),
        ],
    )

    out = pl.pallas_call(
        functools.partial(_body_flat, BN=BN, T=T, A_pad=A_pad),
        grid_spec=grid_spec,
        out_shape=jax.ShapeDtypeStruct((N_pad, C), jnp.float32),
    )(offs, edges, fp, meta4, cp, acp, mWf, mWm, mvec, *w0, *w1)
    return out[:N, :]

# --- scband reference (transcript-rebuilt; emitter-appended) ---
"""Pipeline reference for scband-a2-m-32882269618302 (READ-ONLY COPY).

The authoritative reference and input builder live on the scoring server;
editing this copy changes nothing except your own understanding.
"""

import jax, jax.numpy as jnp
import numpy as np

N_NODES = 50000
N_AGENTS = 1000
N_MAP = 128
N_AGENT = 128
DIST_TH = 0.05
E_MAX = 524288


def _gn(x, w, b, eps=1e-5):
    # torch nn.GroupNorm(1, C) on [N, C]: normalize over all channels per row (biased var)
    mu = jnp.mean(x, axis=-1, keepdims=True)
    var = jnp.mean((x - mu) ** 2, axis=-1, keepdims=True)
    return (x - mu) / jnp.sqrt(var + eps) * w + b


def _lin_block(x, W, gw, gb, act=True):
    # custom Linear: nn.Linear(bias=False) -> GroupNorm(1, n_out) -> optional ReLU
    out = x @ W.T
    out = _gn(out, gw, gb)
    if act:
        out = jax.nn.relu(out)
    return out


def _att_params(key, n_agt, n_ctx):
    ks = jax.random.split(key, 8)
    s = 0.05
    return {
        'dist_w1': jax.random.normal(ks[0], (n_ctx, 2), dtype=jnp.float32) * s,
        'dist_b1': jnp.zeros((n_ctx,), dtype=jnp.float32),
        'dist_w2': jax.random.normal(ks[1], (n_ctx, n_ctx), dtype=jnp.float32) * s,
        'dist_gw2': jnp.ones((n_ctx,), dtype=jnp.float32),
        'dist_gb2': jnp.zeros((n_ctx,), dtype=jnp.float32),
        'query_w': jax.random.normal(ks[2], (n_ctx, n_agt), dtype=jnp.float32) * s,
        'query_gw': jnp.ones((n_ctx,), dtype=jnp.float32),
        'query_gb': jnp.zeros((n_ctx,), dtype=jnp.float32),
        'ctx_w1': jax.random.normal(ks[3], (n_agt, 3 * n_ctx), dtype=jnp.float32) * s,
        'ctx_gw1': jnp.ones((n_agt,), dtype=jnp.float32),
        'ctx_gb1': jnp.zeros((n_agt,), dtype=jnp.float32),
        'ctx_w2': jax.random.normal(ks[4], (n_agt, n_agt), dtype=jnp.float32) * s,
        'agt_w': jax.random.normal(ks[5], (n_agt, n_agt), dtype=jnp.float32) * s,
        'norm_gw': jnp.ones((n_agt,), dtype=jnp.float32),
        'norm_gb': jnp.zeros((n_agt,), dtype=jnp.float32),
        'lin_w': jax.random.normal(ks[6], (n_agt, n_agt), dtype=jnp.float32) * s,
        'lin_gw': jnp.ones((n_agt,), dtype=jnp.float32),
        'lin_gb': jnp.zeros((n_agt,), dtype=jnp.float32),
    }


def setup_inputs(seed: int = 0) -> dict:
    key = jax.random.key(seed)
    ks = jax.random.split(key, 10)
    feat = jax.random.normal(ks[0], (N_NODES, N_MAP), dtype=jnp.float32)
    turn = jax.random.uniform(ks[1], (N_NODES, 2), dtype=jnp.float32)
    control = jax.random.uniform(ks[2], (N_NODES,), dtype=jnp.float32)
    intersect = jax.random.uniform(ks[3], (N_NODES,), dtype=jnp.float32)
    ctrs = jax.random.uniform(ks[4], (N_NODES, 2), dtype=jnp.float32)
    agents = jax.random.normal(ks[5], (N_AGENTS, N_AGENT), dtype=jnp.float32)
    agent_ctrs = jax.random.uniform(ks[6], (N_AGENTS, 2), dtype=jnp.float32)
    params = {
        'meta_w': jax.random.normal(ks[7], (N_MAP, N_MAP + 4), dtype=jnp.float32) * 0.05,
        'meta_gw': jnp.ones((N_MAP,), dtype=jnp.float32),
        'meta_gb': jnp.zeros((N_MAP,), dtype=jnp.float32),
        'att0': _att_params(ks[8], N_MAP, N_AGENT),
        'att1': _att_params(ks[9], N_MAP, N_AGENT),
    }
    return {'feat': feat, 'turn': turn, 'control': control, 'intersect': intersect,
            'ctrs': ctrs, 'agents': agents, 'agent_ctrs': agent_ctrs, 'params': params}


def _edges(ctrs, agent_ctrs):
    # batch_size == 1: single dense distance mask, same as torch loop body
    d2 = ((ctrs ** 2).sum(1)[:, None] + (agent_ctrs ** 2).sum(1)[None, :]
          - 2.0 * jnp.dot(ctrs, agent_ctrs.T, precision=jax.lax.Precision.HIGHEST))
    dist = jnp.sqrt(jnp.maximum(d2, 0.0))
    mask = dist <= DIST_TH
    n_edges = jnp.sum(mask)
    hi, wi = jnp.nonzero(mask, size=E_MAX, fill_value=0)
    valid = jnp.arange(E_MAX) < n_edges
    return hi.astype(jnp.int32), wi.astype(jnp.int32), valid


def _att(p, agts, agt_ctrs, ctx_feats, ctx_ctrs, hi, wi, valid):
    res = agts
    d = agt_ctrs[hi] - ctx_ctrs[wi]
    d = jax.nn.relu(d @ p['dist_w1'].T + p['dist_b1'])
    d = _lin_block(d, p['dist_w2'], p['dist_gw2'], p['dist_gb2'])
    q = _lin_block(agts[hi], p['query_w'], p['query_gw'], p['query_gb'])
    c = ctx_feats[wi]
    c = jnp.concatenate([d, q, c], axis=1)
    c = _lin_block(c, p['ctx_w1'], p['ctx_gw1'], p['ctx_gb1'])
    c = c @ p['ctx_w2'].T
    c = jnp.where(valid[:, None], c, 0.0)
    agts = agts @ p['agt_w'].T
    agts = agts.at[hi].add(c)  # index_add_
    agts = jax.nn.relu(_gn(agts, p['norm_gw'], p['norm_gb']))
    agts = _lin_block(agts, p['lin_w'], p['lin_gw'], p['lin_gb'], act=False)
    return jax.nn.relu(agts + res)


def reference(feat, turn, control, intersect, ctrs, agents, agent_ctrs, params):
    meta = jnp.concatenate([turn, control[:, None], intersect[:, None]], axis=1)
    x = _lin_block(jnp.concatenate([feat, meta], axis=1),
                   params['meta_w'], params['meta_gw'], params['meta_gb'])
    hi, wi, valid = _edges(ctrs, agent_ctrs)
    for name in ('att0', 'att1'):
        x = _att(params[name], x, ctrs, agents, agent_ctrs, hi, wi, valid)
    return x

if __name__ == "__main__":
    import jax
    _d = setup_inputs()
    print(jax.jit(kernel)(*tuple(_d.values())))

</pallas_src>

<mosaic_0001>
module attributes {stable_mosaic.version = 14 : i64} {
  func.func @_prep_body(%arg0: memref<1024x128xf32, #tpu.memory_space<vmem>>, %arg1: memref<256x128xbf16, #tpu.memory_space<vmem>>, %arg2: memref<256x128xbf16, #tpu.memory_space<vmem>>, %arg3: memref<1024x128xf32, #tpu.memory_space<vmem>>, %arg4: memref<1024x128xf32, #tpu.memory_space<vmem>>) attributes {dimension_semantics = [], scalar_prefetch = 0 : i64, scratch_operands = 0 : i64, tpu.core_type = #tpu.core_type<tc>} {
    %get3A = arith.constant 0 : index
    %get3A_0 = arith.constant 0 : index
    %get3A_1 = vector.load %arg0[%get3A, %get3A_0] : memref<1024x128xf32, #tpu.memory_space<vmem>>, vector<1024x128xf32>
    %get3A_2 = arith.constant 0 : index
    %get3A_3 = arith.constant 0 : index
    %get3A_4 = vector.load %arg1[%get3A_2, %get3A_3] : memref<256x128xbf16, #tpu.memory_space<vmem>>, vector<256x128xbf16>
    %slice3A = vector.extract_strided_slice %get3A_4 {offsets = [0, 0], sizes = [128, 128], strides = [1, 1]} : vector<256x128xbf16> to vector<128x128xbf16>
    %slice3A_5 = vector.extract_strided_slice %get3A_4 {offsets = [128, 0], sizes = [128, 128], strides = [1, 1]} : vector<256x128xbf16> to vector<128x128xbf16>
    %convert_element_type3A = arith.truncf %get3A_1 : vector<1024x128xf32> to vector<1024x128xbf16>
    %convert_element_type3A_6 = arith.extf %convert_element_type3A : vector<1024x128xbf16> to vector<1024x128xf32>
    %sub3A = arith.subf %get3A_1, %convert_element_type3A_6 : vector<1024x128xf32>
    %convert_element_type3A_7 = arith.truncf %sub3A : vector<1024x128xf32> to vector<1024x128xbf16>
    %dot_general3A = arith.constant dense<0.000000e+00> : vector<1024x128xf32>
    %dot_general3A_8 = tpu.matmul %convert_element_type3A, %slice3A, %dot_general3A {dimension_numbers = #tpu.dot_dimension_numbers<[1], [0], [0], [1], [0, 0, 1, 1], [], []>, transpose_lhs_hint = false} : vector<1024x128xbf16>, vector<128x128xbf16>, vector<1024x128xf32> -> vector<1024x128xf32>
    %dot_general3A_9 = arith.constant dense<0.000000e+00> : vector<1024x128xf32>
    %dot_general3A_10 = tpu.matmul %convert_element_type3A, %slice3A_5, %dot_general3A_9 {dimension_numbers = #tpu.dot_dimension_numbers<[1], [0], [0], [1], [0, 0, 1, 1], [], []>, transpose_lhs_hint = false} : vector<1024x128xbf16>, vector<128x128xbf16>, vector<1024x128xf32> -> vector<1024x128xf32>
    %dot_general3A_11 = arith.constant dense<0.000000e+00> : vector<1024x128xf32>
    %dot_general3A_12 = tpu.matmul %convert_element_type3A_7, %slice3A, %dot_general3A_11 {dimension_numbers = #tpu.dot_dimension_numbers<[1], [0], [0], [1], [0, 0, 1, 1], [], []>, transpose_lhs_hint = false} : vector<1024x128xbf16>, vector<128x128xbf16>, vector<1024x128xf32> -> vector<1024x128xf32>
    %add3A = arith.addf %dot_general3A_10, %dot_general3A_12 : vector<1024x128xf32>
    %add3A_13 = arith.addf %dot_general3A_8, %add3A : vector<1024x128xf32>
    %swap3A = arith.constant 0 : index
    %swap3A_14 = arith.constant 0 : index
    %swap3A_15 = vector.load %arg3[%swap3A, %swap3A_14] : memref<1024x128xf32, #tpu.memory_space<vmem>>, vector<1024x128xf32>
    tpu.vector_store %arg3[%swap3A, %swap3A_14], %add3A_13 {strides = array<i32>} : memref<1024x128xf32, #tpu.memory_space<vmem>>, vector<1024x128xf32>,
    %get3A_16 = arith.constant 0 : index
    %get3A_17 = arith.constant 0 : index
    %get3A_18 = vector.load %arg2[%get3A_16, %get3A_17] : memref<256x128xbf16, #tpu.memory_space<vmem>>, vector<256x128xbf16>
    %slice3A_19 = vector.extract_strided_slice %get3A_18 {offsets = [0, 0], sizes = [128, 128], strides = [1, 1]} : vector<256x128xbf16> to vector<128x128xbf16>
    %slice3A_20 = vector.extract_strided_slice %get3A_18 {offsets = [128, 0], sizes = [128, 128], strides = [1, 1]} : vector<256x128xbf16> to vector<128x128xbf16>
    %convert_element_type3A_21 = arith.truncf %get3A_1 : vector<1024x128xf32> to vector<1024x128xbf16>
    %convert_element_type3A_22 = arith.extf %convert_element_type3A_21 : vector<1024x128xbf16> to vector<1024x128xf32>
    %sub3A_23 = arith.subf %get3A_1, %convert_element_type3A_22 : vector<1024x128xf32>
    %convert_element_type3A_24 = arith.truncf %sub3A_23 : vector<1024x128xf32> to vector<1024x128xbf16>
    %dot_general3A_25 = arith.constant dense<0.000000e+00> : vector<1024x128xf32>
    %dot_general3A_26 = tpu.matmul %convert_element_type3A_21, %slice3A_19, %dot_general3A_25 {dimension_numbers = #tpu.dot_dimension_numbers<[1], [0], [0], [1], [0, 0, 1, 1], [], []>, transpose_lhs_hint = false} : vector<1024x128xbf16>, vector<128x128xbf16>, vector<1024x128xf32> -> vector<1024x128xf32>
    %dot_general3A_27 = arith.constant dense<0.000000e+00> : vector<1024x128xf32>
    %dot_general3A_28 = tpu.matmul %convert_element_type3A_21, %slice3A_20, %dot_general3A_27 {dimension_numbers = #tpu.dot_dimension_numbers<[1], [0], [0], [1], [0, 0, 1, 1], [], []>, transpose_lhs_hint = false} : vector<1024x128xbf16>, vector<128x128xbf16>, vector<1024x128xf32> -> vector<1024x128xf32>
    %dot_general3A_29 = arith.constant dense<0.000000e+00> : vector<1024x128xf32>
    %dot_general3A_30 = tpu.matmul %convert_element_type3A_24, %slice3A_19, %dot_general3A_29 {dimension_numbers = #tpu.dot_dimension_numbers<[1], [0], [0], [1], [0, 0, 1, 1], [], []>, transpose_lhs_hint = false} : vector<1024x128xbf16>, vector<128x128xbf16>, vector<1024x128xf32> -> vector<1024x128xf32>
    %add3A_31 = arith.addf %dot_general3A_28, %dot_general3A_30 : vector<1024x128xf32>
    %add3A_32 = arith.addf %dot_general3A_26, %add3A_31 : vector<1024x128xf32>
    %swap3A_33 = arith.constant 0 : index
    %swap3A_34 = arith.constant 0 : index
    %swap3A_35 = vector.load %arg4[%swap3A_33, %swap3A_34] : memref<1024x128xf32, #tpu.memory_space<vmem>>, vector<1024x128xf32>
    tpu.vector_store %arg4[%swap3A_33, %swap3A_34], %add3A_32 {strides = array<i32>} : memref<1024x128xf32, #tpu.memory_space<vmem>>, vector<1024x128xf32>,
    return
  }
}

module attributes {stable_mosaic.version = 14 : i64} {
  func.func @_body_flat(%arg0: i32, %arg1: memref<197xi32, #tpu.memory_space<smem>>, %arg2: memref<525312x2xi32, #tpu.memory_space<hbm>>, %arg3: memref<256x128xf32, #tpu.memory_space<vmem>>, %arg4: memref<256x4xf32, #tpu.memory_space<vmem>>, %arg5: memref<256x2xf32, #tpu.memory_space<vmem>>, %arg6: memref<1024x2xf32, #tpu.memory_space<vmem>>, %arg7: memref<256x128xbf16, #tpu.memory_space<vmem>>, %arg8: memref<8x128xbf16, #tpu.memory_space<vmem>>, %arg9: memref<8x128xf32, #tpu.memory_space<vmem>>, %arg10: memref<1024x128xf32, #tpu.memory_space<vmem>>, %arg11: memref<256x128xbf16, #tpu.memory_space<vmem>>, %arg12: memref<256x128xbf16, #tpu.memory_space<vmem>>, %arg13: memref<256x128xbf16, #tpu.memory_space<vmem>>, %arg14: memref<256x128xbf16, #tpu.memory_space<vmem>>, %arg15: memref<256x128xbf16, #tpu.memory_space<vmem>>, %arg16: memref<256x128xbf16, #tpu.memory_space<vmem>>, %arg17: memref<256x128xbf16, #tpu.memory_space<vmem>>, %arg18: memref<2x128xf32, #tpu.memory_space<vmem>>, %arg19: memref<16x128xf32, #tpu.memory_space<vmem>>, %arg20: memref<1024x128xf32, #tpu.memory_space<vmem>>, %arg21: memref<256x128xbf16, #tpu.memory_space<vmem>>, %arg22: memref<256x128xbf16, #tpu.memory_space<vmem>>, %arg23: memref<256x128xbf16, #tpu.memory_space<vmem>>, %arg24: memref<256x128xbf16, #tpu.memory_space<vmem>>, %arg25: memref<256x128xbf16, #tpu.memory_space<vmem>>, %arg26: memref<256x128xbf16, #tpu.memory_space<vmem>>, %arg27: memref<256x128xbf16, #tpu.memory_space<vmem>>, %arg28: memref<2x128xf32, #tpu.memory_space<vmem>>, %arg29: memref<16x128xf32, #tpu.memory_space<vmem>>, %arg30: memref<256x128xf32, #tpu.memory_space<vmem>>, %arg31: memref<2x1024x2xi32, #tpu.memory_space<vmem>>, %arg32: memref<2x!tpu.dma_semaphore, #tpu.memory_space<semaphore_mem>>) attributes {dimension_semantics = [#tpu.dimension_semantics<arbitrary>], iteration_bounds = array<i64: 196>, scalar_prefetch = 1 : i64, scratch_operands = 2 : i64, tpu.core_type = #tpu.core_type<tc>, window_params = [{}, {transform_indices = @transform_1, window_bounds = array<i64: 256, 128>}, {transform_indices = @transform_2, window_bounds = array<i64: 256, 4>}, {transform_indices = @transform_3, window_bounds = array<i64: 256, 2>}, {pipeline_mode = #tpu.pipeline_mode<synchronous>, transform_indices = @transform_4, window_bounds = array<i64: 1024, 2>}, {pipeline_mode = #tpu.pipeline_mode<synchronous>, transform_indices = @transform_5, window_bounds = array<i64: 256, 128>}, {pipeline_mode = #tpu.pipeline_mode<synchronous>, transform_indices = @transform_6, window_bounds = array<i64: 8, 128>}, {pipeline_mode = #tpu.pipeline_mode<synchronous>, transform_indices = @transform_7, window_bounds = array<i64: 8, 128>}, {pipeline_mode = #tpu.pipeline_mode<synchronous>, transform_indices = @transform_8, window_bounds = array<i64: 1024, 128>}, {pipeline_mode = #tpu.pipeline_mode<synchronous>, transform_indices = @transform_9, window_bounds = array<i64: 256, 128>}, {pipeline_mode = #tpu.pipeline_mode<synchronous>, transform_indices = @transform_10, window_bounds = array<i64: 256, 128>}, {pipeline_mode = #tpu.pipeline_mode<synchronous>, transform_indices = @transform_11, window_bounds = array<i64: 256, 128>}, {pipeline_mode = #tpu.pipeline_mode<synchronous>, transform_indices = @transform_12, window_bounds = array<i64: 256, 128>}, {pipeline_mode = #tpu.pipeline_mode<synchronous>, transform_indices = @transform_13, window_bounds = array<i64: 256, 128>}, {pipeline_mode = #tpu.pipeline_mode<synchronous>, transform_indices = @transform_14, window_bounds = array<i64: 256, 128>}, {pipeline_mode = #tpu.pipeline_mode<synchronous>, transform_indices = @transform_15, window_bounds = array<i64: 256, 128>}, {pipeline_mode = #tpu.pipeline_mode<synchronous>, transform_indices = @transform_16, window_bounds = array<i64: 2, 128>}, {pipeline_mode = #tpu.pipeline_mode<synchronous>, transform_indices = @transform_17, window_bounds = array<i64: 16, 128>}, {pipeline_mode = #tpu.pipeline_mode<synchronous>, transform_indices = @transform_18, window_bounds = array<i64: 1024, 128>}, {pipeline_mode = #tpu.pipeline_mode<synchronous>, transform_indices = @transform_19, window_bounds = array<i64: 256, 128>}, {pipeline_mode = #tpu.pipeline_mode<synchronous>, transform_indices = @transform_20, window_bounds = array<i64: 256, 128>}, {pipeline_mode = #tpu.pipeline_mode<synchronous>, transform_indices = @transform_21, window_bounds = array<i64: 256, 128>}, {pipeline_mode = #tpu.pipeline_mode<synchronous>, transform_indices = @transform_22, window_bounds = array<i64: 256, 128>}, {pipeline_mode = #tpu.pipeline_mode<synchronous>, transform_indices = @transform_23, window_bounds = array<i64: 256, 128>}, {pipeline_mode = #tpu.pipeline_mode<synchronous>, transform_indices = @transform_24, window_bounds = array<i64: 256, 128>}, {pipeline_mode = #tpu.pipeline_mode<synchronous>, transform_indices = @transform_25, window_bounds = array<i64: 256, 128>}, {pipeline_mode = #tpu.pipeline_mode<synchronous>, transform_indices = @transform_26, window_bounds = array<i64: 2, 128>}, {pipeline_mode = #tpu.pipeline_mode<synchronous>, transform_indices = @transform_27, window_bounds = array<i64: 16, 128>}, {transform_indices = @transform_28, window_bounds = array<i64: 256, 128>}]} {
    %get3A = arith.constant 0 : index
    %get3A_0 = arith.constant 0 : index
    %get3A_1 = vector.load %arg9[%get3A, %get3A_0] : memref<8x128xf32, #tpu.memory_space<vmem>>, vector<8x128xf32>
    %get3A_2 = arith.constant 0 : index
    %get3A_3 = arith.constant 0 : index
    %get3A_4 = vector.load %arg3[%get3A_2, %get3A_3] : memref<256x128xf32, #tpu.memory_space<vmem>>, vector<256x128xf32>
    %get3A_5 = arith.constant 0 : index
    %get3A_6 = arith.constant 0 : index
    %get3A_7 = vector.load %arg7[%get3A_5, %get3A_6] : memref<256x128xbf16, #tpu.memory_space<vmem>>, vector<256x128xbf16>
    %slice3A = vector.extract_strided_slice %get3A_7 {offsets = [0, 0], sizes = [128, 128], strides = [1, 1]} : vector<256x128xbf16> to vector<128x128xbf16>
    %slice3A_8 = vector.extract_strided_slice %get3A_7 {offsets = [128, 0], sizes = [128, 128], strides = [1, 1]} : vector<256x128xbf16> to vector<128x128xbf16>
    %convert_element_type3A = arith.truncf %get3A_4 : vector<256x128xf32> to vector<256x128xbf16>
    %convert_element_type3A_9 = arith.extf %convert_element_type3A : vector<256x128xbf16> to vector<256x128xf32>
    %sub3A = arith.subf %get3A_4, %convert_element_type3A_9 : vector<256x128xf32>
    %convert_element_type3A_10 = arith.truncf %sub3A : vector<256x128xf32> to vector<256x128xbf16>
    %dot_general3A = arith.constant dense<0.000000e+00> : vector<256x128xf32>
    %dot_general3A_11 = tpu.matmul %convert_element_type3A, %slice3A, %dot_general3A {dimension_numbers = #tpu.dot_dimension_numbers<[1], [0], [0], [1], [0, 0, 1, 1], [], []>, transpose_lhs_hint = false} : vector<256x128xbf16>, vector<128x128xbf16>, vector<256x128xf32> -> vector<256x128xf32>
    %dot_general3A_12 = arith.constant dense<0.000000e+00> : vector<256x128xf32>
    %dot_general3A_13 = tpu.matmul %convert_element_type3A, %slice3A_8, %dot_general3A_12 {dimension_numbers = #tpu.dot_dimension_numbers<[1], [0], [0], [1], [0, 0, 1, 1], [], []>, transpose_lhs_hint = false} : vector<256x128xbf16>, vector<128x128xbf16>, vector<256x128xf32> -> vector<256x128xf32>
    %dot_general3A_14 = arith.constant dense<0.000000e+00> : vector<256x128xf32>
    %dot_general3A_15 = tpu.matmul %convert_element_type3A_10, %slice3A, %dot_general3A_14 {dimension_numbers = #tpu.dot_dimension_numbers<[1], [0], [0], [1], [0, 0, 1, 1], [], []>, transpose_lhs_hint = false} : vector<256x128xbf16>, vector<128x128xbf16>, vector<256x128xf32> -> vector<256x128xf32>
    %add3A = arith.addf %dot_general3A_13, %dot_general3A_15 : vector<256x128xf32>
    %add3A_16 = arith.addf %dot_general3A_11, %add3A : vector<256x128xf32>
    %get3A_17 = arith.constant 0 : index
    %get3A_18 = arith.constant 0 : index
    %get3A_19 = vector.load %arg4[%get3A_17, %get3A_18] : memref<256x4xf32, #tpu.memory_space<vmem>>, vector<256x4xf32>
    %get3A_20 = arith.constant 0 : index
    %get3A_21 = arith.constant 0 : index
    %get3A_22 = vector.load %arg8[%get3A_20, %get3A_21] : memref<8x128xbf16, #tpu.memory_space<vmem>>, vector<8x128xbf16>
    %slice3A_23 = vector.extract_strided_slice %get3A_22 {offsets = [0, 0], sizes = [4, 128], strides = [1, 1]} : vector<8x128xbf16> to vector<4x128xbf16>
    %slice3A_24 = vector.extract_strided_slice %get3A_22 {offsets = [4, 0], sizes = [4, 128], strides = [1, 1]} : vector<8x128xbf16> to vector<4x128xbf16>
    %convert_element_type3A_25 = arith.truncf %get3A_19 : vector<256x4xf32> to vector<256x4xbf16>
    %convert_element_type3A_26 = arith.extf %convert_element_type3A_25 : vector<256x4xbf16> to vector<256x4xf32>
    %sub3A_27 = arith.subf %get3A_19, %convert_element_type3A_26 : vector<256x4xf32>
    %convert_element_type3A_28 = arith.truncf %sub3A_27 : vector<256x4xf32> to vector<256x4xbf16>
    %dot_general3A_29 = arith.constant dense<0.000000e+00> : vector<256x128xf32>
    %dot_general3A_30 = tpu.matmul %convert_element_type3A_25, %slice3A_23, %dot_general3A_29 {dimension_numbers = #tpu.dot_dimension_numbers<[1], [0], [0], [1], [0, 0, 1, 1], [], []>, transpose_lhs_hint = false} : vector<256x4xbf16>, vector<4x128xbf16>, vector<256x128xf32> -> vector<256x128xf32>
    %dot_general3A_31 = arith.constant dense<0.000000e+00> : vector<256x128xf32>
    %dot_general3A_32 = tpu.matmul %convert_element_type3A_25, %slice3A_24, %dot_general3A_31 {dimension_numbers = #tpu.dot_dimension_numbers<[1], [0], [0], [1], [0, 0, 1, 1], [], []>, transpose_lhs_hint = false} : vector<256x4xbf16>, vector<4x128xbf16>, vector<256x128xf32> -> vector<256x128xf32>
    %dot_general3A_33 = arith.constant dense<0.000000e+00> : vector<256x128xf32>
    %dot_general3A_34 = tpu.matmul %convert_element_type3A_28, %slice3A_23, %dot_general3A_33 {dimension_numbers = #tpu.dot_dimension_numbers<[1], [0], [0], [1], [0, 0, 1, 1], [], []>, transpose_lhs_hint = false} : vector<256x4xbf16>, vector<4x128xbf16>, vector<256x128xf32> -> vector<256x128xf32>
    %add3A_35 = arith.addf %dot_general3A_32, %dot_general3A_34 : vector<256x128xf32>
    %add3A_36 = arith.addf %dot_general3A_30, %add3A_35 : vector<256x128xf32>
    %add3A_37 = arith.addf %add3A_16, %add3A_36 : vector<256x128xf32>
    %slice3A_38 = vector.extract_strided_slice %get3A_1 {offsets = [0, 0], sizes = [1, 128], strides = [1, 1]} : vector<8x128xf32> to vector<1x128xf32>
    %slice3A_39 = vector.extract_strided_slice %get3A_1 {offsets = [1, 0], sizes = [1, 128], strides = [1, 1]} : vector<8x128xf32> to vector<1x128xf32>
    %reduce_sum3A = arith.constant dense<0.000000e+00> : vector<256xf32>
    %reduce_sum3A_40 = vector.multi_reduction <add>, %add3A_37, %reduce_sum3A [1] : vector<256x128xf32> to vector<256xf32>
    %broadcast_in_dim3A = vector.shape_cast %reduce_sum3A_40 : vector<256xf32> to vector<256x1xf32>
    %div3A = arith.constant 1.280000e+02 : f32
    %div3A_41 = vector.broadcast %div3A : f32 to vector<256x1xf32>
    %div3A_42 = arith.divf %broadcast_in_dim3A, %div3A_41 : vector<256x1xf32>
    %sub3A_43 = vector.broadcast %div3A_42 : vector<256x1xf32> to vector<256x128xf32>
    %sub3A_44 = arith.subf %add3A_37, %sub3A_43 : vector<256x128xf32>
    %integer_pow3A = arith.mulf %sub3A_44, %sub3A_44 : vector<256x128xf32>
    %reduce_sum3A_45 = arith.constant dense<0.000000e+00> : vector<256xf32>
    %reduce_sum3A_46 = vector.multi_reduction <add>, %integer_pow3A, %reduce_sum3A_45 [1] : vector<256x128xf32> to vector<256xf32>
    %broadcast_in_dim3A_47 = vector.shape_cast %reduce_sum3A_46 : vector<256xf32> to vector<256x1xf32>
    %div3A_48 = arith.constant 1.280000e+02 : f32
    %div3A_49 = vector.broadcast %div3A_48 : f32 to vector<256x1xf32>
    %div3A_50 = arith.divf %broadcast_in_dim3A_47, %div3A_49 : vector<256x1xf32>
    %sub3A_51 = vector.broadcast %div3A_42 : vector<256x1xf32> to vector<256x128xf32>
    %sub3A_52 = arith.subf %add3A_37, %sub3A_51 : vector<256x128xf32>
    %add3A_53 = arith.constant 9.99999974E-6 : f32
    %add3A_54 = vector.broadcast %add3A_53 : f32 to vector<256x1xf32>
    %add3A_55 = arith.addf %div3A_50, %add3A_54 : vector<256x1xf32>
    %sqrt3A = math.sqrt %add3A_55 : vector<256x1xf32>
    %div3A_56 = vector.broadcast %sqrt3A : vector<256x1xf32> to vector<256x128xf32>
    %div3A_57 = arith.divf %sub3A_52, %div3A_56 : vector<256x128xf32>
    %mul3A = vector.broadcast %slice3A_38 : vector<1x128xf32> to vector<256x128xf32>
    %mul3A_58 = arith.mulf %div3A_57, %mul3A : vector<256x128xf32>
    %add3A_59 = vector.broadcast %slice3A_39 : vector<1x128xf32> to vector<256x128xf32>
    %add3A_60 = arith.addf %mul3A_58, %add3A_59 : vector<256x128xf32>
    %max3A = arith.constant 0.000000e+00 : f32
    %max3A_61 = vector.broadcast %max3A : f32 to vector<256x128xf32>
    %max3A_62 = arith.maximumf %add3A_60, %max3A_61 : vector<256x128xf32>
    %get3A_63 = arith.constant 0 : index
    %get3A_64 = arith.constant 0 : index
    %get3A_65 = vector.load %arg5[%get3A_63, %get3A_64] : memref<256x2xf32, #tpu.memory_space<vmem>>, vector<256x2xf32>
    %get3A_66 = arith.constant 0 : index
    %get3A_67 = arith.constant 0 : index
    %get3A_68 = vector.load %arg6[%get3A_66, %get3A_67] : memref<1024x2xf32, #tpu.memory_space<vmem>>, vector<1024x2xf32>
    %get3A_69 = arith.constant 0 : index
    %get3A_70 = arith.constant 0 : index
    %get3A_71 = vector.load %arg10[%get3A_69, %get3A_70] : memref<1024x128xf32, #tpu.memory_space<vmem>>, vector<1024x128xf32>
    %get3A_72 = arith.constant 0 : index
    %get3A_73 = arith.constant 0 : index
    %get3A_74 = vector.load %arg11[%get3A_72, %get3A_73] : memref<256x128xbf16, #tpu.memory_space<vmem>>, vector<256x128xbf16>
    %get3A_75 = arith.constant 0 : index
    %get3A_76 = arith.constant 0 : index
    %get3A_77 = vector.load %arg12[%get3A_75, %get3A_76] : memref<256x128xbf16, #tpu.memory_space<vmem>>, vector<256x128xbf16>
    %get3A_78 = arith.constant 0 : index
    %get3A_79 = arith.constant 0 : index
    %get3A_80 = vector.load %arg13[%get3A_78, %get3A_79] : memref<256x128xbf16, #tpu.memory_space<vmem>>, vector<256x128xbf16>
    %get3A_81 = arith.constant 0 : index
    %get3A_82 = arith.constant 0 : index
    %get3A_83 = vector.load %arg14[%get3A_81, %get3A_82] : memref<256x128xbf16, #tpu.memory_space<vmem>>, vector<256x128xbf16>
    %get3A_84 = arith.constant 0 : index
    %get3A_85 = arith.constant 0 : index
    %get3A_86 = vector.load %arg15[%get3A_84, %get3A_85] : memref<256x128xbf16, #tpu.memory_space<vmem>>, vector<256x128xbf16>
    %get3A_87 = arith.constant 0 : index
    %get3A_88 = arith.constant 0 : index
    %get3A_89 = vector.load %arg16[%get3A_87, %get3A_88] : memref<256x128xbf16, #tpu.memory_space<vmem>>, vector<256x128xbf16>
    %get3A_90 = arith.constant 0 : index
    %get3A_91 = arith.constant 0 : index
    %get3A_92 = vector.load %arg17[%get3A_90, %get3A_91] : memref<256x128xbf16, #tpu.memory_space<vmem>>, vector<256x128xbf16>
    %get3A_93 = arith.constant 0 : index
    %get3A_94 = arith.constant 0 : index
    %get3A_95 = vector.load %arg18[%get3A_93, %get3A_94] : memref<2x128xf32, #tpu.memory_space<vmem>>, vector<2x128xf32>
    %get3A_96 = arith.constant 0 : index
    %get3A_97 = arith.constant 0 : index
    %get3A_98 = vector.load %arg19[%get3A_96, %get3A_97] : memref<16x128xf32, #tpu.memory_space<vmem>>, vector<16x128xf32>
    %slice3A_99 = vector.extract_strided_slice %get3A_98 {offsets = [0, 0], sizes = [1, 128], strides = [1, 1]} : vector<16x128xf32> to vector<1x128xf32>
    %slice3A_100 = vector.extract_strided_slice %get3A_98 {offsets = [1, 0], sizes = [1, 128], strides = [1, 1]} : vector<16x128xf32> to vector<1x128xf32>
    %slice3A_101 = vector.extract_strided_slice %get3A_98 {offsets = [2, 0], sizes = [1, 128], strides = [1, 1]} : vector<16x128xf32> to vector<1x128xf32>
    %slice3A_102 = vector.extract_strided_slice %get3A_98 {offsets = [3, 0], sizes = [1, 128], strides = [1, 1]} : vector<16x128xf32> to vector<1x128xf32>
    %slice3A_103 = vector.extract_strided_slice %get3A_98 {offsets = [4, 0], sizes = [1, 128], strides = [1, 1]} : vector<16x128xf32> to vector<1x128xf32>
    %slice3A_104 = vector.extract_strided_slice %get3A_98 {offsets = [5, 0], sizes = [1, 128], strides = [1, 1]} : vector<16x128xf32> to vector<1x128xf32>
    %slice3A_105 = vector.extract_strided_slice %get3A_98 {offsets = [6, 0], sizes = [1, 128], strides = [1, 1]} : vector<16x128xf32> to vector<1x128xf32>
    %slice3A_106 = vector.extract_strided_slice %get3A_98 {offsets = [7, 0], sizes = [1, 128], strides = [1, 1]} : vector<16x128xf32> to vector<1x128xf32>
    %slice3A_107 = vector.extract_strided_slice %get3A_98 {offsets = [8, 0], sizes = [1, 128], strides = [1, 1]} : vector<16x128xf32> to vector<1x128xf32>
    %slice3A_108 = vector.extract_strided_slice %get3A_98 {offsets = [9, 0], sizes = [1, 128], strides = [1, 1]} : vector<16x128xf32> to vector<1x128xf32>
    %slice3A_109 = vector.extract_strided_slice %get3A_98 {offsets = [10, 0], sizes = [1, 128], strides = [1, 1]} : vector<16x128xf32> to vector<1x128xf32>
    %slice3A_110 = vector.extract_strided_slice %get3A_74 {offsets = [0, 0], sizes = [128, 128], strides = [1, 1]} : vector<256x128xbf16> to vector<128x128xbf16>
    %slice3A_111 = vector.extract_strided_slice %get3A_74 {offsets = [128, 0], sizes = [128, 128], strides = [1, 1]} : vector<256x128xbf16> to vector<128x128xbf16>
    %convert_element_type3A_112 = arith.truncf %max3A_62 : vector<256x128xf32> to vector<256x128xbf16>
    %convert_element_type3A_113 = arith.extf %convert_element_type3A_112 : vector<256x128xbf16> to vector<256x128xf32>
    %sub3A_114 = arith.subf %max3A_62, %convert_element_type3A_113 : vector<256x128xf32>
    %convert_element_type3A_115 = arith.truncf %sub3A_114 : vector<256x128xf32> to vector<256x128xbf16>
    %dot_general3A_116 = arith.constant dense<0.000000e+00> : vector<256x128xf32>
    %dot_general3A_117 = tpu.matmul %convert_element_type3A_112, %slice3A_110, %dot_general3A_116 {dimension_numbers = #tpu.dot_dimension_numbers<[1], [0], [0], [1], [0, 0, 1, 1], [], []>, transpose_lhs_hint = false} : vector<256x128xbf16>, vector<128x128xbf16>, vector<256x128xf32> -> vector<256x128xf32>
    %dot_general3A_118 = arith.constant dense<0.000000e+00> : vector<256x128xf32>
    %dot_general3A_119 = tpu.matmul %convert_element_type3A_112, %slice3A_111, %dot_general3A_118 {dimension_numbers = #tpu.dot_dimension_numbers<[1], [0], [0], [1], [0, 0, 1, 1], [], []>, transpose_lhs_hint = false} : vector<256x128xbf16>, vector<128x128xbf16>, vector<256x128xf32> -> vector<256x128xf32>
    %dot_general3A_120 = arith.constant dense<0.000000e+00> : vector<256x128xf32>
    %dot_general3A_121 = tpu.matmul %convert_element_type3A_115, %slice3A_110, %dot_general3A_120 {dimension_numbers = #tpu.dot_dimension_numbers<[1], [0], [0], [1], [0, 0, 1, 1], [], []>, transpose_lhs_hint = false} : vector<256x128xbf16>, vector<128x128xbf16>, vector<256x128xf32> -> vector<256x128xf32>
    %add3A_122 = arith.addf %dot_general3A_119, %dot_general3A_121 : vector<256x128xf32>
    %add3A_123 = arith.addf %dot_general3A_117, %add3A_122 : vector<256x128xf32>
    %reduce_sum3A_124 = arith.constant dense<0.000000e+00> : vector<256xf32>
    %reduce_sum3A_125 = vector.multi_reduction <add>, %add3A_123, %reduce_sum3A_124 [1] : vector<256x128xf32> to vector<256xf32>
    %broadcast_in_dim3A_126 = vector.shape_cast %reduce_sum3A_125 : vector<256xf32> to vector<256x1xf32>
    %div3A_127 = arith.constant 1.280000e+02 : f32
    %div3A_128 = vector.broadcast %div3A_127 : f32 to vector<256x1xf32>
    %div3A_129 = arith.divf %broadcast_in_dim3A_126, %div3A_128 : vector<256x1xf32>
    %sub3A_130 = vector.broadcast %div3A_129 : vector<256x1xf32> to vector<256x128xf32>
    %sub3A_131 = arith.subf %add3A_123, %sub3A_130 : vector<256x128xf32>
    %integer_pow3A_132 = arith.mulf %sub3A_131, %sub3A_131 : vector<256x128xf32>
    %reduce_sum3A_133 = arith.constant dense<0.000000e+00> : vector<256xf32>
    %reduce_sum3A_134 = vector.multi_reduction <add>, %integer_pow3A_132, %reduce_sum3A_133 [1] : vector<256x128xf32> to vector<256xf32>
    %broadcast_in_dim3A_135 = vector.shape_cast %reduce_sum3A_134 : vector<256xf32> to vector<256x1xf32>
    %div3A_136 = arith.constant 1.280000e+02 : f32
    %div3A_137 = vector.broadcast %div3A_136 : f32 to vector<256x1xf32>
    %div3A_138 = arith.divf %broadcast_in_dim3A_135, %div3A_137 : vector<256x1xf32>
    %sub3A_139 = vector.broadcast %div3A_129 : vector<256x1xf32> to vector<256x128xf32>
    %sub3A_140 = arith.subf %add3A_123, %sub3A_139 : vector<256x128xf32>
    %add3A_141 = arith.constant 9.99999974E-6 : f32
    %add3A_142 = vector.broadcast %add3A_141 : f32 to vector<256x1xf32>
    %add3A_143 = arith.addf %div3A_138, %add3A_142 : vector<256x1xf32>
    %sqrt3A_144 = math.sqrt %add3A_143 : vector<256x1xf32>
    %div3A_145 = vector.broadcast %sqrt3A_144 : vector<256x1xf32> to vector<256x128xf32>
    %div3A_146 = arith.divf %sub3A_140, %div3A_145 : vector<256x128xf32>
    %mul3A_147 = vector.broadcast %slice3A_101 : vector<1x128xf32> to vector<256x128xf32>
    %mul3A_148 = arith.mulf %div3A_146, %mul3A_147 : vector<256x128xf32>
    %add3A_149 = vector.broadcast %slice3A_102 : vector<1x128xf32> to vector<256x128xf32>
    %add3A_150 = arith.addf %mul3A_148, %add3A_149 : vector<256x128xf32>
    %max3A_151 = arith.constant 0.000000e+00 : f32
    %max3A_152 = vector.broadcast %max3A_151 : f32 to vector<256x128xf32>
    %max3A_153 = arith.maximumf %add3A_150, %max3A_152 : vector<256x128xf32>
    %slice3A_154 = vector.extract_strided_slice %get3A_77 {offsets = [0, 0], sizes = [128, 128], strides = [1, 1]} : vector<256x128xbf16> to vector<128x128xbf16>
    %slice3A_155 = vector.extract_strided_slice %get3A_77 {offsets = [128, 0], sizes = [128, 128], strides = [1, 1]} : vector<256x128xbf16> to vector<128x128xbf16>
    %convert_element_type3A_156 = arith.truncf %max3A_153 : vector<256x128xf32> to vector<256x128xbf16>
    %convert_element_type3A_157 = arith.extf %convert_element_type3A_156 : vector<256x128xbf16> to vector<256x128xf32>
    %sub3A_158 = arith.subf %max3A_153, %convert_element_type3A_157 : vector<256x128xf32>
    %convert_element_type3A_159 = arith.truncf %sub3A_158 : vector<256x128xf32> to vector<256x128xbf16>
    %dot_general3A_160 = arith.constant dense<0.000000e+00> : vector<256x128xf32>
    %dot_general3A_161 = tpu.matmul %convert_element_type3A_156, %slice3A_154, %dot_general3A_160 {dimension_numbers = #tpu.dot_dimension_numbers<[1], [0], [0], [1], [0, 0, 1, 1], [], []>, transpose_lhs_hint = false} : vector<256x128xbf16>, vector<128x128xbf16>, vector<256x128xf32> -> vector<256x128xf32>
    %dot_general3A_162 = arith.constant dense<0.000000e+00> : vector<256x128xf32>
    %dot_general3A_163 = tpu.matmul %convert_element_type3A_156, %slice3A_155, %dot_general3A_162 {dimension_numbers = #tpu.dot_dimension_numbers<[1], [0], [0], [1], [0, 0, 1, 1], [], []>, transpose_lhs_hint = false} : vector<256x128xbf16>, vector<128x128xbf16>, vector<256x128xf32> -> vector<256x128xf32>
    %dot_general3A_164 = arith.constant dense<0.000000e+00> : vector<256x128xf32>
    %dot_general3A_165 = tpu.matmul %convert_element_type3A_159, %slice3A_154, %dot_general3A_164 {dimension_numbers = #tpu.dot_dimension_numbers<[1], [0], [0], [1], [0, 0, 1, 1], [], []>, transpose_lhs_hint = false} : vector<256x128xbf16>, vector<128x128xbf16>, vector<256x128xf32> -> vector<256x128xf32>
    %add3A_166 = arith.addf %dot_general3A_163, %dot_general3A_165 : vector<256x128xf32>
    %add3A_167 = arith.addf %dot_general3A_161, %add3A_166 : vector<256x128xf32>
    %slice3A_168 = vector.extract_strided_slice %get3A_89 {offsets = [0, 0], sizes = [128, 128], strides = [1, 1]} : vector<256x128xbf16> to vector<128x128xbf16>
    %slice3A_169 = vector.extract_strided_slice %get3A_89 {offsets = [128, 0], sizes = [128, 128], strides = [1, 1]} : vector<256x128xbf16> to vector<128x128xbf16>
    %convert_element_type3A_170 = arith.truncf %max3A_62 : vector<256x128xf32> to vector<256x128xbf16>
    %convert_element_type3A_171 = arith.extf %convert_element_type3A_170 : vector<256x128xbf16> to vector<256x128xf32>
    %sub3A_172 = arith.subf %max3A_62, %convert_element_type3A_171 : vector<256x128xf32>
    %convert_element_type3A_173 = arith.truncf %sub3A_172 : vector<256x128xf32> to vector<256x128xbf16>
    %dot_general3A_174 = arith.constant dense<0.000000e+00> : vector<256x128xf32>
    %dot_general3A_175 = tpu.matmul %convert_element_type3A_170, %slice3A_168, %dot_general3A_174 {dimension_numbers = #tpu.dot_dimension_numbers<[1], [0], [0], [1], [0, 0, 1, 1], [], []>, transpose_lhs_hint = false} : vector<256x128xbf16>, vector<128x128xbf16>, vector<256x128xf32> -> vector<256x128xf32>
    %dot_general3A_176 = arith.constant dense<0.000000e+00> : vector<256x128xf32>
    %dot_general3A_177 = tpu.matmul %convert_element_type3A_170, %slice3A_169, %dot_general3A_176 {dimension_numbers = #tpu.dot_dimension_numbers<[1], [0], [0], [1], [0, 0, 1, 1], [], []>, transpose_lhs_hint = false} : vector<256x128xbf16>, vector<128x128xbf16>, vector<256x128xf32> -> vector<256x128xf32>
    %dot_general3A_178 = arith.constant dense<0.000000e+00> : vector<256x128xf32>
    %dot_general3A_179 = tpu.matmul %convert_element_type3A_173, %slice3A_168, %dot_general3A_178 {dimension_numbers = #tpu.dot_dimension_numbers<[1], [0], [0], [1], [0, 0, 1, 1], [], []>, transpose_lhs_hint = false} : vector<256x128xbf16>, vector<128x128xbf16>, vector<256x128xf32> -> vector<256x128xf32>
    %add3A_180 = arith.addf %dot_general3A_177, %dot_general3A_179 : vector<256x128xf32>
    %add3A_181 = arith.addf %dot_general3A_175, %add3A_180 : vector<256x128xf32>
    %convert_element_type3A_182 = arith.truncf %add3A_167 : vector<256x128xf32> to vector<256x128xbf16>
    %convert_element_type3A_183 = arith.extf %convert_element_type3A_182 : vector<256x128xbf16> to vector<256x128xf32>
    %sub3A_184 = arith.subf %add3A_167, %convert_element_type3A_183 : vector<256x128xf32>
    %convert_element_type3A_185 = arith.truncf %sub3A_184 : vector<256x128xf32> to vector<256x128xbf16>
    %convert_element_type3A_186 = arith.truncf %get3A_71 : vector<1024x128xf32> to vector<1024x128xbf16>
    %convert_element_type3A_187 = arith.extf %convert_element_type3A_186 : vector<1024x128xbf16> to vector<1024x128xf32>
    %sub3A_188 = arith.subf %get3A_71, %convert_element_type3A_187 : vector<1024x128xf32>
    %convert_element_type3A_189 = arith.truncf %sub3A_188 : vector<1024x128xf32> to vector<1024x128xbf16>
    %convert_element_type3A_190 = arith.truncf %get3A_65 : vector<256x2xf32> to vector<256x2xbf16>
    %convert_element_type3A_191 = arith.extf %convert_element_type3A_190 : vector<256x2xbf16> to vector<256x2xf32>
    %sub3A_192 = arith.subf %get3A_65, %convert_element_type3A_191 : vector<256x2xf32>
    %convert_element_type3A_193 = arith.truncf %sub3A_192 : vector<256x2xf32> to vector<256x2xbf16>
    %convert_element_type3A_194 = arith.truncf %get3A_68 : vector<1024x2xf32> to vector<1024x2xbf16>
    %convert_element_type3A_195 = arith.extf %convert_element_type3A_194 : vector<1024x2xbf16> to vector<1024x2xf32>
    %sub3A_196 = arith.subf %get3A_68, %convert_element_type3A_195 : vector<1024x2xf32>
    %convert_element_type3A_197 = arith.truncf %sub3A_196 : vector<1024x2xf32> to vector<1024x2xbf16>
    %get3A_198 = arith.index_cast %arg0 : i32 to index
    %get3A_199 = memref.load %arg1[%get3A_198] : memref<197xi32, #tpu.memory_space<smem>>
    %add3A_200 = arith.constant 1 : i32
    %add3A_201 = arith.addi %arg0, %add3A_200 : i32
    %get3A_202 = arith.index_cast %add3A_201 : i32 to index
    %get3A_203 = memref.load %arg1[%get3A_202] : memref<197xi32, #tpu.memory_space<smem>>
    %sub3A_204 = arith.subi %get3A_203, %get3A_199 : i32
    %add3A_205 = arith.constant 1024 : i32
    %add3A_206 = arith.addi %sub3A_204, %add3A_205 : i32
    %sub3A_207 = arith.constant 1 : i32
    %sub3A_208 = arith.subi %add3A_206, %sub3A_207 : i32
    %jit3A = arith.constant 1024 : i32
    %div3A_209 = arith.divsi %sub3A_208, %jit3A : i32
    %sign3A = arith.constant 0 : i32
    %sign3A_210 = arith.cmpi sgt, %sub3A_208, %sign3A : i32
    %sign3A_211 = arith.extui %sign3A_210 : i1 to i32
    %sign3A_212 = arith.constant 0 : i32
    %sign3A_213 = arith.cmpi slt, %sub3A_208, %sign3A_212 : i32
    %sign3A_214 = arith.extui %sign3A_213 : i1 to i32
    %sign3A_215 = arith.subi %sign3A_211, %sign3A_214 : i32
    %sign3A_216 = arith.constant 0 : i32
    %sign3A_217 = arith.cmpi sgt, %jit3A, %sign3A_216 : i32
    %sign3A_218 = arith.extui %sign3A_217 : i1 to i32
    %sign3A_219 = arith.constant 0 : i32
    %sign3A_220 = arith.cmpi slt, %jit3A, %sign3A_219 : i32
    %sign3A_221 = arith.extui %sign3A_220 : i1 to i32
    %sign3A_222 = arith.subi %sign3A_218, %sign3A_221 : i32
    %ne3A = arith.cmpi ne, %sign3A_215, %sign3A_222 : i32
    %rem3A = arith.remsi %sub3A_208, %jit3A : i32
    %ne3A_223 = arith.constant 0 : i32
    %ne3A_224 = arith.cmpi ne, %rem3A, %ne3A_223 : i32
    %and3A = arith.andi %ne3A, %ne3A_224 : i1
    %sub3A_225 = arith.constant 1 : i32
    %sub3A_226 = arith.subi %div3A_209, %sub3A_225 : i32
    %select_n3A = arith.select %and3A, %sub3A_226, %div3A_209 : i32
    %gt3A = arith.constant 0 : i32
    %gt3A_227 = arith.cmpi sgt, %select_n3A, %gt3A : i32
    %convert_element_type3A_228 = arith.extui %gt3A_227 : i1 to i32
    %cond3A = arith.constant 0 : i32
    %cond3A_229 = arith.cmpi ne, %convert_element_type3A_228, %cond3A : i32
    scf.if %cond3A_229 {
      %add3A_609 = arith.constant 0 : i32
      %add3A_610 = arith.addi %get3A_199, %add3A_609 : i32
      %dma_start3A = arith.constant 0 : i32
      %dma_start3A_611 = arith.constant 0 : i32
      %dma_start3A_612 = tpu.memref_slice %arg32[%dma_start3A_611] : memref<2x!tpu.dma_semaphore, #tpu.memory_space<semaphore_mem>> -> memref<1x!tpu.dma_semaphore, #tpu.memory_space<semaphore_mem>>
      %dma_start3A_613 = tpu.memref_squeeze %dma_start3A_612 : memref<1x!tpu.dma_semaphore, #tpu.memory_space<semaphore_mem>> -> memref<!tpu.dma_semaphore, #tpu.memory_space<semaphore_mem>>
      %dma_start3A_614 = arith.constant 0 : i32
      %dma_start3A_615 = arith.constant 0 : i32
      %dma_start3A_616 = tpu.memref_slice %arg31[%dma_start3A, %dma_start3A_614, %dma_start3A_615] : memref<2x1024x2xi32, #tpu.memory_space<vmem>> -> memref<1x1024x2xi32, #tpu.memory_space<vmem>>
      %dma_start3A_617 = tpu.memref_squeeze %dma_start3A_616 : memref<1x1024x2xi32, #tpu.memory_space<vmem>> -> memref<1024x2xi32, #tpu.memory_space<vmem>>
      %dma_start3A_618 = arith.constant 0 : i32
      %dma_start3A_619 = tpu.memref_slice %arg2[%add3A_610, %dma_start3A_618] : memref<525312x2xi32, #tpu.memory_space<hbm>> -> memref<1024x2xi32, #tpu.memory_space<hbm>>
      tpu.enqueue_dma source(%dma_start3A_619 : memref<1024x2xi32, #tpu.memory_space<hbm>>) target(%dma_start3A_617 : memref<1024x2xi32, #tpu.memory_space<vmem>>) target_semaphore(%dma_start3A_613 : memref<!tpu.dma_semaphore, #tpu.memory_space<semaphore_mem>>)
    } else {
    }
    %broadcast_in_dim3A_230 = arith.constant 0.000000e+00 : f32
    %broadcast_in_dim3A_231 = vector.broadcast %broadcast_in_dim3A_230 : f32 to vector<256x128xf32>
    %while3A = arith.constant 0 : i32
    %while3A_232 = arith.subi %select_n3A, %while3A : i32
    %while3A_233 = arith.addi %while3A, %while3A_232 : i32
    %while3A_234 = arith.constant 1 : i32
    %while3A_235 = arith.divsi %while3A_232, %while3A_234 : i32
    %while3A_236 = arith.muli %while3A_235, %while3A_234 : i32
    %while3A_237 = arith.addi %while3A, %while3A_236 : i32
    %while3A_238 = arith.constant 1 : i32
    %while3A_239 = scf.for %while3A_609 = %while3A to %while3A_237 step %while3A_238 iter_args(%while3A_610 = %broadcast_in_dim3A_231) -> (vector<256x128xf32>)  : i32 {
      %rem3A_611 = arith.constant 2 : i32
      %rem3A_612 = arith.remsi %while3A_609, %rem3A_611 : i32
      %add3A_613 = arith.constant 1 : i32
      %add3A_614 = arith.addi %while3A_609, %add3A_613 : i32
      %lt3A = arith.cmpi slt, %add3A_614, %select_n3A : i32
      %convert_element_type3A_615 = arith.extui %lt3A : i1 to i32
      %cond3A_616 = arith.constant 0 : i32
      %cond3A_617 = arith.cmpi ne, %convert_element_type3A_615, %cond3A_616 : i32
      scf.if %cond3A_617 {
        %add3A_776 = arith.constant 1 : i32
        %add3A_777 = arith.addi %while3A_609, %add3A_776 : i32
        %add3A_778 = arith.constant 1 : i32
        %add3A_779 = arith.addi %while3A_609, %add3A_778 : i32
        %rem3A_780 = arith.constant 2 : i32
        %rem3A_781 = arith.remsi %add3A_779, %rem3A_780 : i32
        %mul3A_782 = arith.constant 1024 : i32
        %mul3A_783 = arith.muli %add3A_777, %mul3A_782 : i32
        %add3A_784 = arith.addi %get3A_199, %mul3A_783 : i32
        %dma_start3A = tpu.memref_slice %arg32[%rem3A_781] : memref<2x!tpu.dma_semaphore, #tpu.memory_space<semaphore_mem>> -> memref<1x!tpu.dma_semaphore, #tpu.memory_space<semaphore_mem>>
        %dma_start3A_785 = tpu.memref_squeeze %dma_start3A : memref<1x!tpu.dma_semaphore, #tpu.memory_space<semaphore_mem>> -> memref<!tpu.dma_semaphore, #tpu.memory_space<semaphore_mem>>
        %dma_start3A_786 = arith.constant 0 : i32
        %dma_start3A_787 = arith.constant 0 : i32
        %dma_start3A_788 = tpu.memref_slice %arg31[%rem3A_781, %dma_start3A_786, %dma_start3A_787] : memref<2x1024x2xi32, #tpu.memory_space<vmem>> -> memref<1x1024x2xi32, #tpu.memory_space<vmem>>
        %dma_start3A_789 = tpu.memref_squeeze %dma_start3A_788 : memref<1x1024x2xi32, #tpu.memory_space<vmem>> -> memref<1024x2xi32, #tpu.memory_space<vmem>>
        %dma_start3A_790 = arith.constant 0 : i32
        %dma_start3A_791 = tpu.memref_slice %arg2[%add3A_784, %dma_start3A_790] : memref<525312x2xi32, #tpu.memory_space<hbm>> -> memref<1024x2xi32, #tpu.memory_space<hbm>>
        tpu.enqueue_dma source(%dma_start3A_791 : memref<1024x2xi32, #tpu.memory_space<hbm>>) target(%dma_start3A_789 : memref<1024x2xi32, #tpu.memory_space<vmem>>) target_semaphore(%dma_start3A_785 : memref<!tpu.dma_semaphore, #tpu.memory_space<semaphore_mem>>)
      } else {
      }
      %mul3A_618 = arith.constant 1024 : i32
      %mul3A_619 = arith.muli %while3A_609, %mul3A_618 : i32
      %add3A_620 = arith.addi %get3A_199, %mul3A_619 : i32
      %dma_wait3A = tpu.memref_slice %arg32[%rem3A_612] : memref<2x!tpu.dma_semaphore, #tpu.memory_space<semaphore_mem>> -> memref<1x!tpu.dma_semaphore, #tpu.memory_space<semaphore_mem>>
      %dma_wait3A_621 = tpu.memref_squeeze %dma_wait3A : memref<1x!tpu.dma_semaphore, #tpu.memory_space<semaphore_mem>> -> memref<!tpu.dma_semaphore, #tpu.memory_space<semaphore_mem>>
      %dma_wait3A_622 = arith.constant 0 : i32
      %dma_wait3A_623 = arith.constant 0 : i32
      %dma_wait3A_624 = tpu.memref_slice %arg31[%rem3A_612, %dma_wait3A_622, %dma_wait3A_623] : memref<2x1024x2xi32, #tpu.memory_space<vmem>> -> memref<1x1024x2xi32, #tpu.memory_space<vmem>>
      %dma_wait3A_625 = tpu.memref_squeeze %dma_wait3A_624 : memref<1x1024x2xi32, #tpu.memory_space<vmem>> -> memref<1024x2xi32, #tpu.memory_space<vmem>>
      %dma_wait3A_626 = arith.constant 0 : i32
      %dma_wait3A_627 = tpu.memref_slice %arg2[%add3A_620, %dma_wait3A_626] : memref<525312x2xi32, #tpu.memory_space<hbm>> -> memref<1024x2xi32, #tpu.memory_space<hbm>>
      tpu.wait_dma2 semaphore(%dma_wait3A_621 : memref<!tpu.dma_semaphore, #tpu.memory_space<semaphore_mem>>) src(%dma_wait3A_627 : memref<1024x2xi32, #tpu.memory_space<hbm>>) dst(%dma_wait3A_625 : memref<1024x2xi32, #tpu.memory_space<vmem>>)
      %get3A_628 = arith.index_cast %rem3A_612 : i32 to index
      %get3A_629 = arith.constant 0 : index
      %get3A_630 = arith.constant 0 : index
      %get3A_631 = vector.load %arg31[%get3A_628, %get3A_629, %get3A_630] : memref<2x1024x2xi32, #tpu.memory_space<vmem>>, vector<1x1024x2xi32>
      %get3A_632 = vector.shape_cast %get3A_631 : vector<1x1024x2xi32> to vector<1024x2xi32>
      %slice3A_633 = vector.extract_strided_slice %get3A_632 {offsets = [0, 0], sizes = [1024, 1], strides = [1, 1]} : vector<1024x2xi32> to vector<1024x1xi32>
      %mul3A_634 = arith.constant 256 : i32
      %mul3A_635 = arith.muli %arg0, %mul3A_634 : i32
      %sub3A_636 = vector.broadcast %mul3A_635 : i32 to vector<1024x1xi32>
      %sub3A_637 = arith.subi %slice3A_633, %sub3A_636 : vector<1024x1xi32>
      %convert_element_type3A_638 = arith.trunci %sub3A_637 : vector<1024x1xi32> to vector<1024x1xi16>
      %slice3A_639 = vector.extract_strided_slice %get3A_632 {offsets = [0, 1], sizes = [1024, 1], strides = [1, 1]} : vector<1024x2xi32> to vector<1024x1xi32>
      %convert_element_type3A_640 = arith.trunci %slice3A_639 : vector<1024x1xi32> to vector<1024x1xi16>
      %iota3A = tpu.iota {dimensions = array<i32: 1>} : vector<1024x256xi16>
      %eq3A = vector.broadcast %convert_element_type3A_638 : vector<1024x1xi16> to vector<1024x256xi16>
      %eq3A_641 = arith.cmpi eq, %eq3A, %iota3A : vector<1024x256xi16>
      %convert_element_type3A_642 = arith.extui %eq3A_641 : vector<1024x256xi1> to vector<1024x256xi32>
      %convert_element_type3A_643 = arith.sitofp %convert_element_type3A_642 : vector<1024x256xi32> to vector<1024x256xf32>
      %convert_element_type3A_644 = arith.truncf %convert_element_type3A_643 : vector<1024x256xf32> to vector<1024x256xbf16>
      %iota3A_645 = tpu.iota {dimensions = array<i32: 1>} : vector<1024x1024xi16>
      %eq3A_646 = vector.broadcast %convert_element_type3A_640 : vector<1024x1xi16> to vector<1024x1024xi16>
      %eq3A_647 = arith.cmpi eq, %eq3A_646, %iota3A_645 : vector<1024x1024xi16>
      %convert_element_type3A_648 = arith.extui %eq3A_647 : vector<1024x1024xi1> to vector<1024x1024xi32>
      %convert_element_type3A_649 = arith.sitofp %convert_element_type3A_648 : vector<1024x1024xi32> to vector<1024x1024xf32>
      %convert_element_type3A_650 = arith.truncf %convert_element_type3A_649 : vector<1024x1024xf32> to vector<1024x1024xbf16>
      %dot_general3A_651 = arith.constant dense<0.000000e+00> : vector<1024x2xf32>
      %dot_general3A_652 = tpu.matmul %convert_element_type3A_644, %convert_element_type3A_190, %dot_general3A_651 {dimension_numbers = #tpu.dot_dimension_numbers<[1], [0], [0], [1], [0, 0, 1, 1], [], []>, transpose_lhs_hint = false} : vector<1024x256xbf16>, vector<256x2xbf16>, vector<1024x2xf32> -> vector<1024x2xf32>
      %dot_general3A_653 = arith.constant dense<0.000000e+00> : vector<1024x2xf32>
      %dot_general3A_654 = tpu.matmul %convert_element_type3A_644, %convert_element_type3A_193, %dot_general3A_653 {dimension_numbers = #tpu.dot_dimension_numbers<[1], [0], [0], [1], [0, 0, 1, 1], [], []>, transpose_lhs_hint = false} : vector<1024x256xbf16>, vector<256x2xbf16>, vector<1024x2xf32> -> vector<1024x2xf32>
      %add3A_655 = arith.addf %dot_general3A_652, %dot_general3A_654 : vector<1024x2xf32>
      %dot_general3A_656 = arith.constant dense<0.000000e+00> : vector<1024x2xf32>
      %dot_general3A_657 = tpu.matmul %convert_element_type3A_650, %convert_element_type3A_194, %dot_general3A_656 {dimension_numbers = #tpu.dot_dimension_numbers<[1], [0], [0], [1], [0, 0, 1, 1], [], []>, transpose_lhs_hint = false} : vector<1024x1024xbf16>, vector<1024x2xbf16>, vector<1024x2xf32> -> vector<1024x2xf32>
      %dot_general3A_658 = arith.constant dense<0.000000e+00> : vector<1024x2xf32>
      %dot_general3A_659 = tpu.matmul %convert_element_type3A_650, %convert_element_type3A_197, %dot_general3A_658 {dimension_numbers = #tpu.dot_dimension_numbers<[1], [0], [0], [1], [0, 0, 1, 1], [], []>, transpose_lhs_hint = false} : vector<1024x1024xbf16>, vector<1024x2xbf16>, vector<1024x2xf32> -> vector<1024x2xf32>
      %add3A_660 = arith.addf %dot_general3A_657, %dot_general3A_659 : vector<1024x2xf32>
      %sub3A_661 = arith.subf %add3A_655, %add3A_660 : vector<1024x2xf32>
      %slice3A_662 = vector.extract_strided_slice %sub3A_661 {offsets = [0, 0], sizes = [1024, 1], strides = [1, 1]} : vector<1024x2xf32> to vector<1024x1xf32>
      %slice3A_663 = vector.extract_strided_slice %get3A_95 {offsets = [0, 0], sizes = [1, 128], strides = [1, 1]} : vector<2x128xf32> to vector<1x128xf32>
      %mul3A_664 = vector.broadcast %slice3A_662 : vector<1024x1xf32> to vector<1024x128xf32>
      %mul3A_665 = vector.broadcast %slice3A_663 : vector<1x128xf32> to vector<1024x128xf32>
      %mul3A_666 = arith.mulf %mul3A_664, %mul3A_665 : vector<1024x128xf32>
      %slice3A_667 = vector.extract_strided_slice %sub3A_661 {offsets = [0, 1], sizes = [1024, 1], strides = [1, 1]} : vector<1024x2xf32> to vector<1024x1xf32>
      %slice3A_668 = vector.extract_strided_slice %get3A_95 {offsets = [1, 0], sizes = [1, 128], strides = [1, 1]} : vector<2x128xf32> to vector<1x128xf32>
      %mul3A_669 = vector.broadcast %slice3A_667 : vector<1024x1xf32> to vector<1024x128xf32>
      %mul3A_670 = vector.broadcast %slice3A_668 : vector<1x128xf32> to vector<1024x128xf32>
      %mul3A_671 = arith.mulf %mul3A_669, %mul3A_670 : vector<1024x128xf32>
      %add3A_672 = arith.addf %mul3A_666, %mul3A_671 : vector<1024x128xf32>
      %add3A_673 = vector.broadcast %slice3A_109 : vector<1x128xf32> to vector<1024x128xf32>
      %add3A_674 = arith.addf %add3A_672, %add3A_673 : vector<1024x128xf32>
      %max3A_675 = arith.constant 0.000000e+00 : f32
      %max3A_676 = vector.broadcast %max3A_675 : f32 to vector<1024x128xf32>
      %max3A_677 = arith.maximumf %add3A_674, %max3A_676 : vector<1024x128xf32>
      %slice3A_678 = vector.extract_strided_slice %get3A_83 {offsets = [0, 0], sizes = [128, 128], strides = [1, 1]} : vector<256x128xbf16> to vector<128x128xbf16>
      %slice3A_679 = vector.extract_strided_slice %get3A_83 {offsets = [128, 0], sizes = [128, 128], strides = [1, 1]} : vector<256x128xbf16> to vector<128x128xbf16>
      %convert_element_type3A_680 = arith.truncf %max3A_677 : vector<1024x128xf32> to vector<1024x128xbf16>
      %dot_general3A_681 = arith.constant dense<0.000000e+00> : vector<1024x128xf32>
      %dot_general3A_682 = tpu.matmul %convert_element_type3A_680, %slice3A_678, %dot_general3A_681 {dimension_numbers = #tpu.dot_dimension_numbers<[1], [0], [0], [1], [0, 0, 1, 1], [], []>, transpose_lhs_hint = false} : vector<1024x128xbf16>, vector<128x128xbf16>, vector<1024x128xf32> -> vector<1024x128xf32>
      %dot_general3A_683 = arith.constant dense<0.000000e+00> : vector<1024x128xf32>
      %dot_general3A_684 = tpu.matmul %convert_element_type3A_680, %slice3A_679, %dot_general3A_683 {dimension_numbers = #tpu.dot_dimension_numbers<[1], [0], [0], [1], [0, 0, 1, 1], [], []>, transpose_lhs_hint = false} : vector<1024x128xbf16>, vector<128x128xbf16>, vector<1024x128xf32> -> vector<1024x128xf32>
      %add3A_685 = arith.addf %dot_general3A_682, %dot_general3A_684 : vector<1024x128xf32>
      %reduce_sum3A_686 = arith.constant dense<0.000000e+00> : vector<1024xf32>
      %reduce_sum3A_687 = vector.multi_reduction <add>, %add3A_685, %reduce_sum3A_686 [1] : vector<1024x128xf32> to vector<1024xf32>
      %broadcast_in_dim3A_688 = vector.shape_cast %reduce_sum3A_687 : vector<1024xf32> to vector<1024x1xf32>
      %div3A_689 = arith.constant 1.280000e+02 : f32
      %div3A_690 = vector.broadcast %div3A_689 : f32 to vector<1024x1xf32>
      %div3A_691 = arith.divf %broadcast_in_dim3A_688, %div3A_690 : vector<1024x1xf32>
      %sub3A_692 = vector.broadcast %div3A_691 : vector<1024x1xf32> to vector<1024x128xf32>
      %sub3A_693 = arith.subf %add3A_685, %sub3A_692 : vector<1024x128xf32>
      %integer_pow3A_694 = arith.mulf %sub3A_693, %sub3A_693 : vector<1024x128xf32>
      %reduce_sum3A_695 = arith.constant dense<0.000000e+00> : vector<1024xf32>
      %reduce_sum3A_696 = vector.multi_reduction <add>, %integer_pow3A_694, %reduce_sum3A_695 [1] : vector<1024x128xf32> to vector<1024xf32>
      %broadcast_in_dim3A_697 = vector.shape_cast %reduce_sum3A_696 : vector<1024xf32> to vector<1024x1xf32>
      %div3A_698 = arith.constant 1.280000e+02 : f32
      %div3A_699 = vector.broadcast %div3A_698 : f32 to vector<1024x1xf32>
      %div3A_700 = arith.divf %broadcast_in_dim3A_697, %div3A_699 : vector<1024x1xf32>
      %sub3A_701 = vector.broadcast %div3A_691 : vector<1024x1xf32> to vector<1024x128xf32>
      %sub3A_702 = arith.subf %add3A_685, %sub3A_701 : vector<1024x128xf32>
      %add3A_703 = arith.constant 9.99999974E-6 : f32
      %add3A_704 = vector.broadcast %add3A_703 : f32 to vector<1024x1xf32>
      %add3A_705 = arith.addf %div3A_700, %add3A_704 : vector<1024x1xf32>
      %sqrt3A_706 = math.sqrt %add3A_705 : vector<1024x1xf32>
      %div3A_707 = vector.broadcast %sqrt3A_706 : vector<1024x1xf32> to vector<1024x128xf32>
      %div3A_708 = arith.divf %sub3A_702, %div3A_707 : vector<1024x128xf32>
      %mul3A_709 = vector.broadcast %slice3A_99 : vector<1x128xf32> to vector<1024x128xf32>
      %mul3A_710 = arith.mulf %div3A_708, %mul3A_709 : vector<1024x128xf32>
      %add3A_711 = vector.broadcast %slice3A_100 : vector<1x128xf32> to vector<1024x128xf32>
      %add3A_712 = arith.addf %mul3A_710, %add3A_711 : vector<1024x128xf32>
      %max3A_713 = arith.constant 0.000000e+00 : f32
      %max3A_714 = vector.broadcast %max3A_713 : f32 to vector<1024x128xf32>
      %max3A_715 = arith.maximumf %add3A_712, %max3A_714 : vector<1024x128xf32>
      %slice3A_716 = vector.extract_strided_slice %get3A_80 {offsets = [0, 0], sizes = [128, 128], strides = [1, 1]} : vector<256x128xbf16> to vector<128x128xbf16>
      %slice3A_717 = vector.extract_strided_slice %get3A_80 {offsets = [128, 0], sizes = [128, 128], strides = [1, 1]} : vector<256x128xbf16> to vector<128x128xbf16>
      %convert_element_type3A_718 = arith.truncf %max3A_715 : vector<1024x128xf32> to vector<1024x128xbf16>
      %dot_general3A_719 = arith.constant dense<0.000000e+00> : vector<1024x128xf32>
      %dot_general3A_720 = tpu.matmul %convert_element_type3A_718, %slice3A_716, %dot_general3A_719 {dimension_numbers = #tpu.dot_dimension_numbers<[1], [0], [0], [1], [0, 0, 1, 1], [], []>, transpose_lhs_hint = false} : vector<1024x128xbf16>, vector<128x128xbf16>, vector<1024x128xf32> -> vector<1024x128xf32>
      %dot_general3A_721 = arith.constant dense<0.000000e+00> : vector<1024x128xf32>
      %dot_general3A_722 = tpu.matmul %convert_element_type3A_718, %slice3A_717, %dot_general3A_721 {dimension_numbers = #tpu.dot_dimension_numbers<[1], [0], [0], [1], [0, 0, 1, 1], [], []>, transpose_lhs_hint = false} : vector<1024x128xbf16>, vector<128x128xbf16>, vector<1024x128xf32> -> vector<1024x128xf32>
      %add3A_723 = arith.addf %dot_general3A_720, %dot_general3A_722 : vector<1024x128xf32>
      %dot_general3A_724 = arith.constant dense<0.000000e+00> : vector<1024x128xf32>
      %dot_general3A_725 = tpu.matmul %convert_element_type3A_644, %convert_element_type3A_182, %dot_general3A_724 {dimension_numbers = #tpu.dot_dimension_numbers<[1], [0], [0], [1], [0, 0, 1, 1], [], []>, transpose_lhs_hint = false} : vector<1024x256xbf16>, vector<256x128xbf16>, vector<1024x128xf32> -> vector<1024x128xf32>
      %dot_general3A_726 = arith.constant dense<0.000000e+00> : vector<1024x128xf32>
      %dot_general3A_727 = tpu.matmul %convert_element_type3A_644, %convert_element_type3A_185, %dot_general3A_726 {dimension_numbers = #tpu.dot_dimension_numbers<[1], [0], [0], [1], [0, 0, 1, 1], [], []>, transpose_lhs_hint = false} : vector<1024x256xbf16>, vector<256x128xbf16>, vector<1024x128xf32> -> vector<1024x128xf32>
      %add3A_728 = arith.addf %dot_general3A_725, %dot_general3A_727 : vector<1024x128xf32>
      %add3A_729 = arith.addf %add3A_723, %add3A_728 : vector<1024x128xf32>
      %dot_general3A_730 = arith.constant dense<0.000000e+00> : vector<1024x128xf32>
      %dot_general3A_731 = tpu.matmul %convert_element_type3A_650, %convert_element_type3A_186, %dot_general3A_730 {dimension_numbers = #tpu.dot_dimension_numbers<[1], [0], [0], [1], [0, 0, 1, 1], [], []>, transpose_lhs_hint = false} : vector<1024x1024xbf16>, vector<1024x128xbf16>, vector<1024x128xf32> -> vector<1024x128xf32>
      %dot_general3A_732 = arith.constant dense<0.000000e+00> : vector<1024x128xf32>
      %dot_general3A_733 = tpu.matmul %convert_element_type3A_650, %convert_element_type3A_189, %dot_general3A_732 {dimension_numbers = #tpu.dot_dimension_numbers<[1], [0], [0], [1], [0, 0, 1, 1], [], []>, transpose_lhs_hint = false} : vector<1024x1024xbf16>, vector<1024x128xbf16>, vector<1024x128xf32> -> vector<1024x128xf32>
      %add3A_734 = arith.addf %dot_general3A_731, %dot_general3A_733 : vector<1024x128xf32>
      %add3A_735 = arith.addf %add3A_729, %add3A_734 : vector<1024x128xf32>
      %reduce_sum3A_736 = arith.constant dense<0.000000e+00> : vector<1024xf32>
      %reduce_sum3A_737 = vector.multi_reduction <add>, %add3A_735, %reduce_sum3A_736 [1] : vector<1024x128xf32> to vector<1024xf32>
      %broadcast_in_dim3A_738 = vector.shape_cast %reduce_sum3A_737 : vector<1024xf32> to vector<1024x1xf32>
      %div3A_739 = arith.constant 1.280000e+02 : f32
      %div3A_740 = vector.broadcast %div3A_739 : f32 to vector<1024x1xf32>
      %div3A_741 = arith.divf %broadcast_in_dim3A_738, %div3A_740 : vector<1024x1xf32>
      %sub3A_742 = vector.broadcast %div3A_741 : vector<1024x1xf32> to vector<1024x128xf32>
      %sub3A_743 = arith.subf %add3A_735, %sub3A_742 : vector<1024x128xf32>
      %integer_pow3A_744 = arith.mulf %sub3A_743, %sub3A_743 : vector<1024x128xf32>
      %reduce_sum3A_745 = arith.constant dense<0.000000e+00> : vector<1024xf32>
      %reduce_sum3A_746 = vector.multi_reduction <add>, %integer_pow3A_744, %reduce_sum3A_745 [1] : vector<1024x128xf32> to vector<1024xf32>
      %broadcast_in_dim3A_747 = vector.shape_cast %reduce_sum3A_746 : vector<1024xf32> to vector<1024x1xf32>
      %div3A_748 = arith.constant 1.280000e+02 : f32
      %div3A_749 = vector.broadcast %div3A_748 : f32 to vector<1024x1xf32>
      %div3A_750 = arith.divf %broadcast_in_dim3A_747, %div3A_749 : vector<1024x1xf32>
      %sub3A_751 = vector.broadcast %div3A_741 : vector<1024x1xf32> to vector<1024x128xf32>
      %sub3A_752 = arith.subf %add3A_735, %sub3A_751 : vector<1024x128xf32>
      %add3A_753 = arith.constant 9.99999974E-6 : f32
      %add3A_754 = vector.broadcast %add3A_753 : f32 to vector<1024x1xf32>
      %add3A_755 = arith.addf %div3A_750, %add3A_754 : vector<1024x1xf32>
      %sqrt3A_756 = math.sqrt %add3A_755 : vector<1024x1xf32>
      %div3A_757 = vector.broadcast %sqrt3A_756 : vector<1024x1xf32> to vector<1024x128xf32>
      %div3A_758 = arith.divf %sub3A_752, %div3A_757 : vector<1024x128xf32>
      %mul3A_759 = vector.broadcast %slice3A_103 : vector<1x128xf32> to vector<1024x128xf32>
      %mul3A_760 = arith.mulf %div3A_758, %mul3A_759 : vector<1024x128xf32>
      %add3A_761 = vector.broadcast %slice3A_104 : vector<1x128xf32> to vector<1024x128xf32>
      %add3A_762 = arith.addf %mul3A_760, %add3A_761 : vector<1024x128xf32>
      %max3A_763 = arith.constant 0.000000e+00 : f32
      %max3A_764 = vector.broadcast %max3A_763 : f32 to vector<1024x128xf32>
      %max3A_765 = arith.maximumf %add3A_762, %max3A_764 : vector<1024x128xf32>
      %convert_element_type3A_766 = arith.truncf %max3A_765 : vector<1024x128xf32> to vector<1024x128xbf16>
      %convert_element_type3A_767 = arith.extf %convert_element_type3A_766 : vector<1024x128xbf16> to vector<1024x128xf32>
      %sub3A_768 = arith.subf %max3A_765, %convert_element_type3A_767 : vector<1024x128xf32>
      %convert_element_type3A_769 = arith.truncf %sub3A_768 : vector<1024x128xf32> to vector<1024x128xbf16>
      %dot_general3A_770 = arith.constant dense<0.000000e+00> : vector<256x128xf32>
      %dot_general3A_771 = tpu.matmul %convert_element_type3A_644, %convert_element_type3A_766, %dot_general3A_770 {dimension_numbers = #tpu.dot_dimension_numbers<[0], [0], [1], [1], [0, 1, 1, 1], [], []>, transpose_lhs_hint = false} : vector<1024x256xbf16>, vector<1024x128xbf16>, vector<256x128xf32> -> vector<256x128xf32>
      %dot_general3A_772 = arith.constant dense<0.000000e+00> : vector<256x128xf32>
      %dot_general3A_773 = tpu.matmul %convert_element_type3A_644, %convert_element_type3A_769, %dot_general3A_772 {dimension_numbers = #tpu.dot_dimension_numbers<[0], [0], [1], [1], [0, 1, 1, 1], [], []>, transpose_lhs_hint = false} : vector<1024x256xbf16>, vector<1024x128xbf16>, vector<256x128xf32> -> vector<256x128xf32>
      %add3A_774 = arith.addf %dot_general3A_771, %dot_general3A_773 : vector<256x128xf32>
      %add3A_775 = arith.addf %while3A_610, %add3A_774 : vector<256x128xf32>
      scf.yield %add3A_775 : vector<256x128xf32>
    }
    %while3A_240 = arith.constant 1 : i32
    %while3A_241 = scf.for %while3A_609 = %while3A_237 to %while3A_233 step %while3A_240 iter_args(%while3A_610 = %while3A_239) -> (vector<256x128xf32>)  : i32 {
      %rem3A_611 = arith.constant 2 : i32
      %rem3A_612 = arith.remsi %while3A_609, %rem3A_611 : i32
      %add3A_613 = arith.constant 1 : i32
      %add3A_614 = arith.addi %while3A_609, %add3A_613 : i32
      %lt3A = arith.cmpi slt, %add3A_614, %select_n3A : i32
      %convert_element_type3A_615 = arith.extui %lt3A : i1 to i32
      %cond3A_616 = arith.constant 0 : i32
      %cond3A_617 = arith.cmpi ne, %convert_element_type3A_615, %cond3A_616 : i32
      scf.if %cond3A_617 {
        %add3A_776 = arith.constant 1 : i32
        %add3A_777 = arith.addi %while3A_609, %add3A_776 : i32
        %add3A_778 = arith.constant 1 : i32
        %add3A_779 = arith.addi %while3A_609, %add3A_778 : i32
        %rem3A_780 = arith.constant 2 : i32
        %rem3A_781 = arith.remsi %add3A_779, %rem3A_780 : i32
        %mul3A_782 = arith.constant 1024 : i32
        %mul3A_783 = arith.muli %add3A_777, %mul3A_782 : i32
        %add3A_784 = arith.addi %get3A_199, %mul3A_783 : i32
        %dma_start3A = tpu.memref_slice %arg32[%rem3A_781] : memref<2x!tpu.dma_semaphore, #tpu.memory_space<semaphore_mem>> -> memref<1x!tpu.dma_semaphore, #tpu.memory_space<semaphore_mem>>
        %dma_start3A_785 = tpu.memref_squeeze %dma_start3A : memref<1x!tpu.dma_semaphore, #tpu.memory_space<semaphore_mem>> -> memref<!tpu.dma_semaphore, #tpu.memory_space<semaphore_mem>>
        %dma_start3A_786 = arith.constant 0 : i32
        %dma_start3A_787 = arith.constant 0 : i32
        %dma_start3A_788 = tpu.memref_slice %arg31[%rem3A_781, %dma_start3A_786, %dma_start3A_787] : memref<2x1024x2xi32, #tpu.memory_space<vmem>> -> memref<1x1024x2xi32, #tpu.memory_space<vmem>>
        %dma_start3A_789 = tpu.memref_squeeze %dma_start3A_788 : memref<1x1024x2xi32, #tpu.memory_space<vmem>> -> memref<1024x2xi32, #tpu.memory_space<vmem>>
        %dma_start3A_790 = arith.constant 0 : i32
        %dma_start3A_791 = tpu.memref_slice %arg2[%add3A_784, %dma_start3A_790] : memref<525312x2xi32, #tpu.memory_space<hbm>> -> memref<1024x2xi32, #tpu.memory_space<hbm>>
        tpu.enqueue_dma source(%dma_start3A_791 : memref<1024x2xi32, #tpu.memory_space<hbm>>) target(%dma_start3A_789 : memref<1024x2xi32, #tpu.memory_space<vmem>>) target_semaphore(%dma_start3A_785 : memref<!tpu.dma_semaphore, #tpu.memory_space<semaphore_mem>>)
      } else {
      }
      %mul3A_618 = arith.constant 1024 : i32
      %mul3A_619 = arith.muli %while3A_609, %mul3A_618 : i32
      %add3A_620 = arith.addi %get3A_199, %mul3A_619 : i32
      %dma_wait3A = tpu.memref_slice %arg32[%rem3A_612] : memref<2x!tpu.dma_semaphore, #tpu.memory_space<semaphore_mem>> -> memref<1x!tpu.dma_semaphore, #tpu.memory_space<semaphore_mem>>
      %dma_wait3A_621 = tpu.memref_squeeze %dma_wait3A : memref<1x!tpu.dma_semaphore, #tpu.memory_space<semaphore_mem>> -> memref<!tpu.dma_semaphore, #tpu.memory_space<semaphore_mem>>
      %dma_wait3A_622 = arith.constant 0 : i32
      %dma_wait3A_623 = arith.constant 0 : i32
      %dma_wait3A_624 = tpu.memref_slice %arg31[%rem3A_612, %dma_wait3A_622, %dma_wait3A_623] : memref<2x1024x2xi32, #tpu.memory_space<vmem>> -> memref<1x1024x2xi32, #tpu.memory_space<vmem>>
      %dma_wait3A_625 = tpu.memref_squeeze %dma_wait3A_624 : memref<1x1024x2xi32, #tpu.memory_space<vmem>> -> memref<1024x2xi32, #tpu.memory_space<vmem>>
      %dma_wait3A_626 = arith.constant 0 : i32
      %dma_wait3A_627 = tpu.memref_slice %arg2[%add3A_620, %dma_wait3A_626] : memref<525312x2xi32, #tpu.memory_space<hbm>> -> memref<1024x2xi32, #tpu.memory_space<hbm>>
      tpu.wait_dma2 semaphore(%dma_wait3A_621 : memref<!tpu.dma_semaphore, #tpu.memory_space<semaphore_mem>>) src(%dma_wait3A_627 : memref<1024x2xi32, #tpu.memory_space<hbm>>) dst(%dma_wait3A_625 : memref<1024x2xi32, #tpu.memory_space<vmem>>)
      %get3A_628 = arith.index_cast %rem3A_612 : i32 to index
      %get3A_629 = arith.constant 0 : index
      %get3A_630 = arith.constant 0 : index
      %get3A_631 = vector.load %arg31[%get3A_628, %get3A_629, %get3A_630] : memref<2x1024x2xi32, #tpu.memory_space<vmem>>, vector<1x1024x2xi32>
      %get3A_632 = vector.shape_cast %get3A_631 : vector<1x1024x2xi32> to vector<1024x2xi32>
      %slice3A_633 = vector.extract_strided_slice %get3A_632 {offsets = [0, 0], sizes = [1024, 1], strides = [1, 1]} : vector<1024x2xi32> to vector<1024x1xi32>
      %mul3A_634 = arith.constant 256 : i32
      %mul3A_635 = arith.muli %arg0, %mul3A_634 : i32
      %sub3A_636 = vector.broadcast %mul3A_635 : i32 to vector<1024x1xi32>
      %sub3A_637 = arith.subi %slice3A_633, %sub3A_636 : vector<1024x1xi32>
      %convert_element_type3A_638 = arith.trunci %sub3A_637 : vector<1024x1xi32> to vector<1024x1xi16>
      %slice3A_639 = vector.extract_strided_slice %get3A_632 {offsets = [0, 1], sizes = [1024, 1], strides = [1, 1]} : vector<1024x2xi32> to vector<1024x1xi32>
      %convert_element_type3A_640 = arith.trunci %slice3A_639 : vector<1024x1xi32> to vector<1024x1xi16>
      %iota3A = tpu.iota {dimensions = array<i32: 1>} : vector<1024x256xi16>
      %eq3A = vector.broadcast %convert_element_type3A_638 : vector<1024x1xi16> to vector<1024x256xi16>
      %eq3A_641 = arith.cmpi eq, %eq3A, %iota3A : vector<1024x256xi16>
      %convert_element_type3A_642 = arith.extui %eq3A_641 : vector<1024x256xi1> to vector<1024x256xi32>
      %convert_element_type3A_643 = arith.sitofp %convert_element_type3A_642 : vector<1024x256xi32> to vector<1024x256xf32>
      %convert_element_type3A_644 = arith.truncf %convert_element_type3A_643 : vector<1024x256xf32> to vector<1024x256xbf16>
      %iota3A_645 = tpu.iota {dimensions = array<i32: 1>} : vector<1024x1024xi16>
      %eq3A_646 = vector.broadcast %convert_element_type3A_640 : vector<1024x1xi16> to vector<1024x1024xi16>
      %eq3A_647 = arith.cmpi eq, %eq3A_646, %iota3A_645 : vector<1024x1024xi16>
      %convert_element_type3A_648 = arith.extui %eq3A_647 : vector<1024x1024xi1> to vector<1024x1024xi32>
      %convert_element_type3A_649 = arith.sitofp %convert_element_type3A_648 : vector<1024x1024xi32> to vector<1024x1024xf32>
      %convert_element_type3A_650 = arith.truncf %convert_element_type3A_649 : vector<1024x1024xf32> to vector<1024x1024xbf16>
      %dot_general3A_651 = arith.constant dense<0.000000e+00> : vector<1024x2xf32>
      %dot_general3A_652 = tpu.matmul %convert_element_type3A_644, %convert_element_type3A_190, %dot_general3A_651 {dimension_numbers = #tpu.dot_dimension_numbers<[1], [0], [0], [1], [0, 0, 1, 1], [], []>, transpose_lhs_hint = false} : vector<1024x256xbf16>, vector<256x2xbf16>, vector<1024x2xf32> -> vector<1024x2xf32>
      %dot_general3A_653 = arith.constant dense<0.000000e+00> : vector<1024x2xf32>
      %dot_general3A_654 = tpu.matmul %convert_element_type3A_644, %convert_element_type3A_193, %dot_general3A_653 {dimension_numbers = #tpu.dot_dimension_numbers<[1], [0], [0], [1], [0, 0, 1, 1], [], []>, transpose_lhs_hint = false} : vector<1024x256xbf16>, vector<256x2xbf16>, vector<1024x2xf32> -> vector<1024x2xf32>
      %add3A_655 = arith.addf %dot_general3A_652, %dot_general3A_654 : vector<1024x2xf32>
      %dot_general3A_656 = arith.constant dense<0.000000e+00> : vector<1024x2xf32>
      %dot_general3A_657 = tpu.matmul %convert_element_type3A_650, %convert_element_type3A_194, %dot_general3A_656 {dimension_numbers = #tpu.dot_dimension_numbers<[1], [0], [0], [1], [0, 0, 1, 1], [], []>, transpose_lhs_hint = false} : vector<1024x1024xbf16>, vector<1024x2xbf16>, vector<1024x2xf32> -> vector<1024x2xf32>
      %dot_general3A_658 = arith.constant dense<0.000000e+00> : vector<1024x2xf32>
      %dot_general3A_659 = tpu.matmul %convert_element_type3A_650, %convert_element_type3A_197, %dot_general3A_658 {dimension_numbers = #tpu.dot_dimension_numbers<[1], [0], [0], [1], [0, 0, 1, 1], [], []>, transpose_lhs_hint = false} : vector<1024x1024xbf16>, vector<1024x2xbf16>, vector<1024x2xf32> -> vector<1024x2xf32>
      %add3A_660 = arith.addf %dot_general3A_657, %dot_general3A_659 : vector<1024x2xf32>
      %sub3A_661 = arith.subf %add3A_655, %add3A_660 : vector<1024x2xf32>
      %slice3A_662 = vector.extract_strided_slice %sub3A_661 {offsets = [0, 0], sizes = [1024, 1], strides = [1, 1]} : vector<1024x2xf32> to vector<1024x1xf32>
      %slice3A_663 = vector.extract_strided_slice %get3A_95 {offsets = [0, 0], sizes = [1, 128], strides = [1, 1]} : vector<2x128xf32> to vector<1x128xf32>
      %mul3A_664 = vector.broadcast %slice3A_662 : vector<1024x1xf32> to vector<1024x128xf32>
      %mul3A_665 = vector.broadcast %slice3A_663 : vector<1x128xf32> to vector<1024x128xf32>
      %mul3A_666 = arith.mulf %mul3A_664, %mul3A_665 : vector<1024x128xf32>
      %slice3A_667 = vector.extract_strided_slice %sub3A_661 {offsets = [0, 1], sizes = [1024, 1], strides = [1, 1]} : vector<1024x2xf32> to vector<1024x1xf32>
      %slice3A_668 = vector.extract_strided_slice %get3A_95 {offsets = [1, 0], sizes = [1, 128], strides = [1, 1]} : vector<2x128xf32> to vector<1x128xf32>
      %mul3A_669 = vector.broadcast %slice3A_667 : vector<1024x1xf32> to vector<1024x128xf32>
      %mul3A_670 = vector.broadcast %slice3A_668 : vector<1x128xf32> to vector<1024x128xf32>
      %mul3A_671 = arith.mulf %mul3A_669, %mul3A_670 : vector<1024x128xf32>
      %add3A_672 = arith.addf %mul3A_666, %mul3A_671 : vector<1024x128xf32>
      %add3A_673 = vector.broadcast %slice3A_109 : vector<1x128xf32> to vector<1024x128xf32>
      %add3A_674 = arith.addf %add3A_672, %add3A_673 : vector<1024x128xf32>
      %max3A_675 = arith.constant 0.000000e+00 : f32
      %max3A_676 = vector.broadcast %max3A_675 : f32 to vector<1024x128xf32>
      %max3A_677 = arith.maximumf %add3A_674, %max3A_676 : vector<1024x128xf32>
      %slice3A_678 = vector.extract_strided_slice %get3A_83 {offsets = [0, 0], sizes = [128, 128], strides = [1, 1]} : vector<256x128xbf16> to vector<128x128xbf16>
      %slice3A_679 = vector.extract_strided_slice %get3A_83 {offsets = [128, 0], sizes = [128, 128], strides = [1, 1]} : vector<256x128xbf16> to vector<128x128xbf16>
      %convert_element_type3A_680 = arith.truncf %max3A_677 : vector<1024x128xf32> to vector<1024x128xbf16>
      %dot_general3A_681 = arith.constant dense<0.000000e+00> : vector<1024x128xf32>
      %dot_general3A_682 = tpu.matmul %convert_element_type3A_680, %slice3A_678, %dot_general3A_681 {dimension_numbers = #tpu.dot_dimension_numbers<[1], [0], [0], [1], [0, 0, 1, 1], [], []>, transpose_lhs_hint = false} : vector<1024x128xbf16>, vector<128x128xbf16>, vector<1024x128xf32> -> vector<1024x128xf32>
      %dot_general3A_683 = arith.constant dense<0.000000e+00> : vector<1024x128xf32>
      %dot_general3A_684 = tpu.matmul %convert_element_type3A_680, %slice3A_679, %dot_general3A_683 {dimension_numbers = #tpu.dot_dimension_numbers<[1], [0], [0], [1], [0, 0, 1, 1], [], []>, transpose_lhs_hint = false} : vector<1024x128xbf16>, vector<128x128xbf16>, vector<1024x128xf32> -> vector<1024x128xf32>
      %add3A_685 = arith.addf %dot_general3A_682, %dot_general3A_684 : vector<1024x128xf32>
      %reduce_sum3A_686 = arith.constant dense<0.000000e+00> : vector<1024xf32>
      %reduce_sum3A_687 = vector.multi_reduction <add>, %add3A_685, %reduce_sum3A_686 [1] : vector<1024x128xf32> to vector<1024xf32>
      %broadcast_in_dim3A_688 = vector.shape_cast %reduce_sum3A_687 : vector<1024xf32> to vector<1024x1xf32>
      %div3A_689 = arith.constant 1.280000e+02 : f32
      %div3A_690 = vector.broadcast %div3A_689 : f32 to vector<1024x1xf32>
      %div3A_691 = arith.divf %broadcast_in_dim3A_688, %div3A_690 : vector<1024x1xf32>
      %sub3A_692 = vector.broadcast %div3A_691 : vector<1024x1xf32> to vector<1024x128xf32>
      %sub3A_693 = arith.subf %add3A_685, %sub3A_692 : vector<1024x128xf32>
      %integer_pow3A_694 = arith.mulf %sub3A_693, %sub3A_693 : vector<1024x128xf32>
      %reduce_sum3A_695 = arith.constant dense<0.000000e+00> : vector<1024xf32>
      %reduce_sum3A_696 = vector.multi_reduction <add>, %integer_pow3A_694, %reduce_sum3A_695 [1] : vector<1024x128xf32> to vector<1024xf32>
      %broadcast_in_dim3A_697 = vector.shape_cast %reduce_sum3A_696 : vector<1024xf32> to vector<1024x1xf32>
      %div3A_698 = arith.constant 1.280000e+02 : f32
      %div3A_699 = vector.broadcast %div3A_698 : f32 to vector<1024x1xf32>
      %div3A_700 = arith.divf %broadcast_in_dim3A_697, %div3A_699 : vector<1024x1xf32>
      %sub3A_701 = vector.broadcast %div3A_691 : vector<1024x1xf32> to vector<1024x128xf32>
      %sub3A_702 = arith.subf %add3A_685, %sub3A_701 : vector<1024x128xf32>
      %add3A_703 = arith.constant 9.99999974E-6 : f32
      %add3A_704 = vector.broadcast %add3A_703 : f32 to vector<1024x1xf32>
      %add3A_705 = arith.addf %div3A_700, %add3A_704 : vector<1024x1xf32>
      %sqrt3A_706 = math.sqrt %add3A_705 : vector<1024x1xf32>
      %div3A_707 = vector.broadcast %sqrt3A_706 : vector<1024x1xf32> to vector<1024x128xf32>
      %div3A_708 = arith.divf %sub3A_702, %div3A_707 : vector<1024x128xf32>
      %mul3A_709 = vector.broadcast %slice3A_99 : vector<1x128xf32> to vector<1024x128xf32>
      %mul3A_710 = arith.mulf %div3A_708, %mul3A_709 : vector<1024x128xf32>
      %add3A_711 = vector.broadcast %slice3A_100 : vector<1x128xf32> to vector<1024x128xf32>
      %add3A_712 = arith.addf %mul3A_710, %add3A_711 : vector<1024x128xf32>
      %max3A_713 = arith.constant 0.000000e+00 : f32
      %max3A_714 = vector.broadcast %max3A_713 : f32 to vector<1024x128xf32>
      %max3A_715 = arith.maximumf %add3A_712, %max3A_714 : vector<1024x128xf32>
      %slice3A_716 = vector.extract_strided_slice %get3A_80 {offsets = [0, 0], sizes = [128, 128], strides = [1, 1]} : vector<256x128xbf16> to vector<128x128xbf16>
      %slice3A_717 = vector.extract_strided_slice %get3A_80 {offsets = [128, 0], sizes = [128, 128], strides = [1, 1]} : vector<256x128xbf16> to vector<128x128xbf16>
      %convert_element_type3A_718 = arith.truncf %max3A_715 : vector<1024x128xf32> to vector<1024x128xbf16>
      %dot_general3A_719 = arith.constant dense<0.000000e+00> : vector<1024x128xf32>
      %dot_general3A_720 = tpu.matmul %convert_element_type3A_718, %slice3A_716, %dot_general3A_719 {dimension_numbers = #tpu.dot_dimension_numbers<[1], [0], [0], [1], [0, 0, 1, 1], [], []>, transpose_lhs_hint = false} : vector<1024x128xbf16>, vector<128x128xbf16>, vector<1024x128xf32> -> vector<1024x128xf32>
      %dot_general3A_721 = arith.constant dense<0.000000e+00> : vector<1024x128xf32>
      %dot_general3A_722 = tpu.matmul %convert_element_type3A_718, %slice3A_717, %dot_general3A_721 {dimension_numbers = #tpu.dot_dimension_numbers<[1], [0], [0], [1], [0, 0, 1, 1], [], []>, transpose_lhs_hint = false} : vector<1024x128xbf16>, vector<128x128xbf16>, vector<1024x128xf32> -> vector<1024x128xf32>
      %add3A_723 = arith.addf %dot_general3A_720, %dot_general3A_722 : vector<1024x128xf32>
      %dot_general3A_724 = arith.constant dense<0.000000e+00> : vector<1024x128xf32>
      %dot_general3A_725 = tpu.matmul %convert_element_type3A_644, %convert_element_type3A_182, %dot_general3A_724 {dimension_numbers = #tpu.dot_dimension_numbers<[1], [0], [0], [1], [0, 0, 1, 1], [], []>, transpose_lhs_hint = false} : vector<1024x256xbf16>, vector<256x128xbf16>, vector<1024x128xf32> -> vector<1024x128xf32>
      %dot_general3A_726 = arith.constant dense<0.000000e+00> : vector<1024x128xf32>
      %dot_general3A_727 = tpu.matmul %convert_element_type3A_644, %convert_element_type3A_185, %dot_general3A_726 {dimension_numbers = #tpu.dot_dimension_numbers<[1], [0], [0], [1], [0, 0, 1, 1], [], []>, transpose_lhs_hint = false} : vector<1024x256xbf16>, vector<256x128xbf16>, vector<1024x128xf32> -> vector<1024x128xf32>
      %add3A_728 = arith.addf %dot_general3A_725, %dot_general3A_727 : vector<1024x128xf32>
      %add3A_729 = arith.addf %add3A_723, %add3A_728 : vector<1024x128xf32>
      %dot_general3A_730 = arith.constant dense<0.000000e+00> : vector<1024x128xf32>
      %dot_general3A_731 = tpu.matmul %convert_element_type3A_650, %convert_element_type3A_186, %dot_general3A_730 {dimension_numbers = #tpu.dot_dimension_numbers<[1], [0], [0], [1], [0, 0, 1, 1], [], []>, transpose_lhs_hint = false} : vector<1024x1024xbf16>, vector<1024x128xbf16>, vector<1024x128xf32> -> vector<1024x128xf32>
      %dot_general3A_732 = arith.constant dense<0.000000e+00> : vector<1024x128xf32>
      %dot_general3A_733 = tpu.matmul %convert_element_type3A_650, %convert_element_type3A_189, %dot_general3A_732 {dimension_numbers = #tpu.dot_dimension_numbers<[1], [0], [0], [1], [0, 0, 1, 1], [], []>, transpose_lhs_hint = false} : vector<1024x1024xbf16>, vector<1024x128xbf16>, vector<1024x128xf32> -> vector<1024x128xf32>
      %add3A_734 = arith.addf %dot_general3A_731, %dot_general3A_733 : vector<1024x128xf32>
      %add3A_735 = arith.addf %add3A_729, %add3A_734 : vector<1024x128xf32>
      %reduce_sum3A_736 = arith.constant dense<0.000000e+00> : vector<1024xf32>
      %reduce_sum3A_737 = vector.multi_reduction <add>, %add3A_735, %reduce_sum3A_736 [1] : vector<1024x128xf32> to vector<1024xf32>
      %broadcast_in_dim3A_738 = vector.shape_cast %reduce_sum3A_737 : vector<1024xf32> to vector<1024x1xf32>
      %div3A_739 = arith.constant 1.280000e+02 : f32
      %div3A_740 = vector.broadcast %div3A_739 : f32 to vector<1024x1xf32>
      %div3A_741 = arith.divf %broadcast_in_dim3A_738, %div3A_740 : vector<1024x1xf32>
      %sub3A_742 = vector.broadcast %div3A_741 : vector<1024x1xf32> to vector<1024x128xf32>
      %sub3A_743 = arith.subf %add3A_735, %sub3A_742 : vector<1024x128xf32>
      %integer_pow3A_744 = arith.mulf %sub3A_743, %sub3A_743 : vector<1024x128xf32>
      %reduce_sum3A_745 = arith.constant dense<0.000000e+00> : vector<1024xf32>
      %reduce_sum3A_746 = vector.multi_reduction <add>, %integer_pow3A_744, %reduce_sum3A_745 [1] : vector<1024x128xf32> to vector<1024xf32>
      %broadcast_in_dim3A_747 = vector.shape_cast %reduce_sum3A_746 : vector<1024xf32> to vector<1024x1xf32>
      %div3A_748 = arith.constant 1.280000e+02 : f32
      %div3A_749 = vector.broadcast %div3A_748 : f32 to vector<1024x1xf32>
      %div3A_750 = arith.divf %broadcast_in_dim3A_747, %div3A_749 : vector<1024x1xf32>
      %sub3A_751 = vector.broadcast %div3A_741 : vector<1024x1xf32> to vector<1024x128xf32>
      %sub3A_752 = arith.subf %add3A_735, %sub3A_751 : vector<1024x128xf32>
      %add3A_753 = arith.constant 9.99999974E-6 : f32
      %add3A_754 = vector.broadcast %add3A_753 : f32 to vector<1024x1xf32>
      %add3A_755 = arith.addf %div3A_750, %add3A_754 : vector<1024x1xf32>
      %sqrt3A_756 = math.sqrt %add3A_755 : vector<1024x1xf32>
      %div3A_757 = vector.broadcast %sqrt3A_756 : vector<1024x1xf32> to vector<1024x128xf32>
      %div3A_758 = arith.divf %sub3A_752, %div3A_757 : vector<1024x128xf32>
      %mul3A_759 = vector.broadcast %slice3A_103 : vector<1x128xf32> to vector<1024x128xf32>
      %mul3A_760 = arith.mulf %div3A_758, %mul3A_759 : vector<1024x128xf32>
      %add3A_761 = vector.broadcast %slice3A_104 : vector<1x128xf32> to vector<1024x128xf32>
      %add3A_762 = arith.addf %mul3A_760, %add3A_761 : vector<1024x128xf32>
      %max3A_763 = arith.constant 0.000000e+00 : f32
      %max3A_764 = vector.broadcast %max3A_763 : f32 to vector<1024x128xf32>
      %max3A_765 = arith.maximumf %add3A_762, %max3A_764 : vector<1024x128xf32>
      %convert_element_type3A_766 = arith.truncf %max3A_765 : vector<1024x128xf32> to vector<1024x128xbf16>
      %convert_element_type3A_767 = arith.extf %convert_element_type3A_766 : vector<1024x128xbf16> to vector<1024x128xf32>
      %sub3A_768 = arith.subf %max3A_765, %convert_element_type3A_767 : vector<1024x128xf32>
      %convert_element_type3A_769 = arith.truncf %sub3A_768 : vector<1024x128xf32> to vector<1024x128xbf16>
      %dot_general3A_770 = arith.constant dense<0.000000e+00> : vector<256x128xf32>
      %dot_general3A_771 = tpu.matmul %convert_element_type3A_644, %convert_element_type3A_766, %dot_general3A_770 {dimension_numbers = #tpu.dot_dimension_numbers<[0], [0], [1], [1], [0, 1, 1, 1], [], []>, transpose_lhs_hint = false} : vector<1024x256xbf16>, vector<1024x128xbf16>, vector<256x128xf32> -> vector<256x128xf32>
      %dot_general3A_772 = arith.constant dense<0.000000e+00> : vector<256x128xf32>
      %dot_general3A_773 = tpu.matmul %convert_element_type3A_644, %convert_element_type3A_769, %dot_general3A_772 {dimension_numbers = #tpu.dot_dimension_numbers<[0], [0], [1], [1], [0, 1, 1, 1], [], []>, transpose_lhs_hint = false} : vector<1024x256xbf16>, vector<1024x128xbf16>, vector<256x128xf32> -> vector<256x128xf32>
      %add3A_774 = arith.addf %dot_general3A_771, %dot_general3A_773 : vector<256x128xf32>
      %add3A_775 = arith.addf %while3A_610, %add3A_774 : vector<256x128xf32>
      scf.yield %add3A_775 : vector<256x128xf32>
    }
    %slice3A_242 = vector.extract_strided_slice %get3A_86 {offsets = [0, 0], sizes = [128, 128], strides = [1, 1]} : vector<256x128xbf16> to vector<128x128xbf16>
    %slice3A_243 = vector.extract_strided_slice %get3A_86 {offsets = [128, 0], sizes = [128, 128], strides = [1, 1]} : vector<256x128xbf16> to vector<128x128xbf16>
    %convert_element_type3A_244 = arith.truncf %while3A_241 : vector<256x128xf32> to vector<256x128xbf16>
    %convert_element_type3A_245 = arith.extf %convert_element_type3A_244 : vector<256x128xbf16> to vector<256x128xf32>
    %sub3A_246 = arith.subf %while3A_241, %convert_element_type3A_245 : vector<256x128xf32>
    %convert_element_type3A_247 = arith.truncf %sub3A_246 : vector<256x128xf32> to vector<256x128xbf16>
    %dot_general3A_248 = arith.constant dense<0.000000e+00> : vector<256x128xf32>
    %dot_general3A_249 = tpu.matmul %convert_element_type3A_244, %slice3A_242, %dot_general3A_248 {dimension_numbers = #tpu.dot_dimension_numbers<[1], [0], [0], [1], [0, 0, 1, 1], [], []>, transpose_lhs_hint = false} : vector<256x128xbf16>, vector<128x128xbf16>, vector<256x128xf32> -> vector<256x128xf32>
    %dot_general3A_250 = arith.constant dense<0.000000e+00> : vector<256x128xf32>
    %dot_general3A_251 = tpu.matmul %convert_element_type3A_244, %slice3A_243, %dot_general3A_250 {dimension_numbers = #tpu.dot_dimension_numbers<[1], [0], [0], [1], [0, 0, 1, 1], [], []>, transpose_lhs_hint = false} : vector<256x128xbf16>, vector<128x128xbf16>, vector<256x128xf32> -> vector<256x128xf32>
    %dot_general3A_252 = arith.constant dense<0.000000e+00> : vector<256x128xf32>
    %dot_general3A_253 = tpu.matmul %convert_element_type3A_247, %slice3A_242, %dot_general3A_252 {dimension_numbers = #tpu.dot_dimension_numbers<[1], [0], [0], [1], [0, 0, 1, 1], [], []>, transpose_lhs_hint = false} : vector<256x128xbf16>, vector<128x128xbf16>, vector<256x128xf32> -> vector<256x128xf32>
    %add3A_254 = arith.addf %dot_general3A_251, %dot_general3A_253 : vector<256x128xf32>
    %add3A_255 = arith.addf %dot_general3A_249, %add3A_254 : vector<256x128xf32>
    %add3A_256 = arith.addf %add3A_181, %add3A_255 : vector<256x128xf32>
    %reduce_sum3A_257 = arith.constant dense<0.000000e+00> : vector<256xf32>
    %reduce_sum3A_258 = vector.multi_reduction <add>, %add3A_256, %reduce_sum3A_257 [1] : vector<256x128xf32> to vector<256xf32>
    %broadcast_in_dim3A_259 = vector.shape_cast %reduce_sum3A_258 : vector<256xf32> to vector<256x1xf32>
    %div3A_260 = arith.constant 1.280000e+02 : f32
    %div3A_261 = vector.broadcast %div3A_260 : f32 to vector<256x1xf32>
    %div3A_262 = arith.divf %broadcast_in_dim3A_259, %div3A_261 : vector<256x1xf32>
    %sub3A_263 = vector.broadcast %div3A_262 : vector<256x1xf32> to vector<256x128xf32>
    %sub3A_264 = arith.subf %add3A_256, %sub3A_263 : vector<256x128xf32>
    %integer_pow3A_265 = arith.mulf %sub3A_264, %sub3A_264 : vector<256x128xf32>
    %reduce_sum3A_266 = arith.constant dense<0.000000e+00> : vector<256xf32>
    %reduce_sum3A_267 = vector.multi_reduction <add>, %integer_pow3A_265, %reduce_sum3A_266 [1] : vector<256x128xf32> to vector<256xf32>
    %broadcast_in_dim3A_268 = vector.shape_cast %reduce_sum3A_267 : vector<256xf32> to vector<256x1xf32>
    %div3A_269 = arith.constant 1.280000e+02 : f32
    %div3A_270 = vector.broadcast %div3A_269 : f32 to vector<256x1xf32>
    %div3A_271 = arith.divf %broadcast_in_dim3A_268, %div3A_270 : vector<256x1xf32>
    %sub3A_272 = vector.broadcast %div3A_262 : vector<256x1xf32> to vector<256x128xf32>
    %sub3A_273 = arith.subf %add3A_256, %sub3A_272 : vector<256x128xf32>
    %add3A_274 = arith.constant 9.99999974E-6 : f32
    %add3A_275 = vector.broadcast %add3A_274 : f32 to vector<256x1xf32>
    %add3A_276 = arith.addf %div3A_271, %add3A_275 : vector<256x1xf32>
    %sqrt3A_277 = math.sqrt %add3A_276 : vector<256x1xf32>
    %div3A_278 = vector.broadcast %sqrt3A_277 : vector<256x1xf32> to vector<256x128xf32>
    %div3A_279 = arith.divf %sub3A_273, %div3A_278 : vector<256x128xf32>
    %mul3A_280 = vector.broadcast %slice3A_105 : vector<1x128xf32> to vector<256x128xf32>
    %mul3A_281 = arith.mulf %div3A_279, %mul3A_280 : vector<256x128xf32>
    %add3A_282 = vector.broadcast %slice3A_106 : vector<1x128xf32> to vector<256x128xf32>
    %add3A_283 = arith.addf %mul3A_281, %add3A_282 : vector<256x128xf32>
    %max3A_284 = arith.constant 0.000000e+00 : f32
    %max3A_285 = vector.broadcast %max3A_284 : f32 to vector<256x128xf32>
    %max3A_286 = arith.maximumf %add3A_283, %max3A_285 : vector<256x128xf32>
    %slice3A_287 = vector.extract_strided_slice %get3A_92 {offsets = [0, 0], sizes = [128, 128], strides = [1, 1]} : vector<256x128xbf16> to vector<128x128xbf16>
    %slice3A_288 = vector.extract_strided_slice %get3A_92 {offsets = [128, 0], sizes = [128, 128], strides = [1, 1]} : vector<256x128xbf16> to vector<128x128xbf16>
    %convert_element_type3A_289 = arith.truncf %max3A_286 : vector<256x128xf32> to vector<256x128xbf16>
    %convert_element_type3A_290 = arith.extf %convert_element_type3A_289 : vector<256x128xbf16> to vector<256x128xf32>
    %sub3A_291 = arith.subf %max3A_286, %convert_element_type3A_290 : vector<256x128xf32>
    %convert_element_type3A_292 = arith.truncf %sub3A_291 : vector<256x128xf32> to vector<256x128xbf16>
    %dot_general3A_293 = arith.constant dense<0.000000e+00> : vector<256x128xf32>
    %dot_general3A_294 = tpu.matmul %convert_element_type3A_289, %slice3A_287, %dot_general3A_293 {dimension_numbers = #tpu.dot_dimension_numbers<[1], [0], [0], [1], [0, 0, 1, 1], [], []>, transpose_lhs_hint = false} : vector<256x128xbf16>, vector<128x128xbf16>, vector<256x128xf32> -> vector<256x128xf32>
    %dot_general3A_295 = arith.constant dense<0.000000e+00> : vector<256x128xf32>
    %dot_general3A_296 = tpu.matmul %convert_element_type3A_289, %slice3A_288, %dot_general3A_295 {dimension_numbers = #tpu.dot_dimension_numbers<[1], [0], [0], [1], [0, 0, 1, 1], [], []>, transpose_lhs_hint = false} : vector<256x128xbf16>, vector<128x128xbf16>, vector<256x128xf32> -> vector<256x128xf32>
    %dot_general3A_297 = arith.constant dense<0.000000e+00> : vector<256x128xf32>
    %dot_general3A_298 = tpu.matmul %convert_element_type3A_292, %slice3A_287, %dot_general3A_297 {dimension_numbers = #tpu.dot_dimension_numbers<[1], [0], [0], [1], [0, 0, 1, 1], [], []>, transpose_lhs_hint = false} : vector<256x128xbf16>, vector<128x128xbf16>, vector<256x128xf32> -> vector<256x128xf32>
    %add3A_299 = arith.addf %dot_general3A_296, %dot_general3A_298 : vector<256x128xf32>
    %add3A_300 = arith.addf %dot_general3A_294, %add3A_299 : vector<256x128xf32>
    %reduce_sum3A_301 = arith.constant dense<0.000000e+00> : vector<256xf32>
    %reduce_sum3A_302 = vector.multi_reduction <add>, %add3A_300, %reduce_sum3A_301 [1] : vector<256x128xf32> to vector<256xf32>
    %broadcast_in_dim3A_303 = vector.shape_cast %reduce_sum3A_302 : vector<256xf32> to vector<256x1xf32>
    %div3A_304 = arith.constant 1.280000e+02 : f32
    %div3A_305 = vector.broadcast %div3A_304 : f32 to vector<256x1xf32>
    %div3A_306 = arith.divf %broadcast_in_dim3A_303, %div3A_305 : vector<256x1xf32>
    %sub3A_307 = vector.broadcast %div3A_306 : vector<256x1xf32> to vector<256x128xf32>
    %sub3A_308 = arith.subf %add3A_300, %sub3A_307 : vector<256x128xf32>
    %integer_pow3A_309 = arith.mulf %sub3A_308, %sub3A_308 : vector<256x128xf32>
    %reduce_sum3A_310 = arith.constant dense<0.000000e+00> : vector<256xf32>
    %reduce_sum3A_311 = vector.multi_reduction <add>, %integer_pow3A_309, %reduce_sum3A_310 [1] : vector<256x128xf32> to vector<256xf32>
    %broadcast_in_dim3A_312 = vector.shape_cast %reduce_sum3A_311 : vector<256xf32> to vector<256x1xf32>
    %div3A_313 = arith.constant 1.280000e+02 : f32
    %div3A_314 = vector.broadcast %div3A_313 : f32 to vector<256x1xf32>
    %div3A_315 = arith.divf %broadcast_in_dim3A_312, %div3A_314 : vector<256x1xf32>
    %sub3A_316 = vector.broadcast %div3A_306 : vector<256x1xf32> to vector<256x128xf32>
    %sub3A_317 = arith.subf %add3A_300, %sub3A_316 : vector<256x128xf32>
    %add3A_318 = arith.constant 9.99999974E-6 : f32
    %add3A_319 = vector.broadcast %add3A_318 : f32 to vector<256x1xf32>
    %add3A_320 = arith.addf %div3A_315, %add3A_319 : vector<256x1xf32>
    %sqrt3A_321 = math.sqrt %add3A_320 : vector<256x1xf32>
    %div3A_322 = vector.broadcast %sqrt3A_321 : vector<256x1xf32> to vector<256x128xf32>
    %div3A_323 = arith.divf %sub3A_317, %div3A_322 : vector<256x128xf32>
    %mul3A_324 = vector.broadcast %slice3A_107 : vector<1x128xf32> to vector<256x128xf32>
    %mul3A_325 = arith.mulf %div3A_323, %mul3A_324 : vector<256x128xf32>
    %add3A_326 = vector.broadcast %slice3A_108 : vector<1x128xf32> to vector<256x128xf32>
    %add3A_327 = arith.addf %mul3A_325, %add3A_326 : vector<256x128xf32>
    %add3A_328 = arith.addf %add3A_327, %max3A_62 : vector<256x128xf32>
    %max3A_329 = arith.constant 0.000000e+00 : f32
    %max3A_330 = vector.broadcast %max3A_329 : f32 to vector<256x128xf32>
    %max3A_331 = arith.maximumf %add3A_328, %max3A_330 : vector<256x128xf32>
    %get3A_332 = arith.constant 0 : index
    %get3A_333 = arith.constant 0 : index
    %get3A_334 = vector.load %arg6[%get3A_332, %get3A_333] : memref<1024x2xf32, #tpu.memory_space<vmem>>, vector<1024x2xf32>
    %get3A_335 = arith.constant 0 : index
    %get3A_336 = arith.constant 0 : index
    %get3A_337 = vector.load %arg20[%get3A_335, %get3A_336] : memref<1024x128xf32, #tpu.memory_space<vmem>>, vector<1024x128xf32>
    %get3A_338 = arith.constant 0 : index
    %get3A_339 = arith.constant 0 : index
    %get3A_340 = vector.load %arg21[%get3A_338, %get3A_339] : memref<256x128xbf16, #tpu.memory_space<vmem>>, vector<256x128xbf16>
    %get3A_341 = arith.constant 0 : index
    %get3A_342 = arith.constant 0 : index
    %get3A_343 = vector.load %arg22[%get3A_341, %get3A_342] : memref<256x128xbf16, #tpu.memory_space<vmem>>, vector<256x128xbf16>
    %get3A_344 = arith.constant 0 : index
    %get3A_345 = arith.constant 0 : index
    %get3A_346 = vector.load %arg23[%get3A_344, %get3A_345] : memref<256x128xbf16, #tpu.memory_space<vmem>>, vector<256x128xbf16>
    %get3A_347 = arith.constant 0 : index
    %get3A_348 = arith.constant 0 : index
    %get3A_349 = vector.load %arg24[%get3A_347, %get3A_348] : memref<256x128xbf16, #tpu.memory_space<vmem>>, vector<256x128xbf16>
    %get3A_350 = arith.constant 0 : index
    %get3A_351 = arith.constant 0 : index
    %get3A_352 = vector.load %arg25[%get3A_350, %get3A_351] : memref<256x128xbf16, #tpu.memory_space<vmem>>, vector<256x128xbf16>
    %get3A_353 = arith.constant 0 : index
    %get3A_354 = arith.constant 0 : index
    %get3A_355 = vector.load %arg26[%get3A_353, %get3A_354] : memref<256x128xbf16, #tpu.memory_space<vmem>>, vector<256x128xbf16>
    %get3A_356 = arith.constant 0 : index
    %get3A_357 = arith.constant 0 : index
    %get3A_358 = vector.load %arg27[%get3A_356, %get3A_357] : memref<256x128xbf16, #tpu.memory_space<vmem>>, vector<256x128xbf16>
    %get3A_359 = arith.constant 0 : index
    %get3A_360 = arith.constant 0 : index
    %get3A_361 = vector.load %arg28[%get3A_359, %get3A_360] : memref<2x128xf32, #tpu.memory_space<vmem>>, vector<2x128xf32>
    %get3A_362 = arith.constant 0 : index
    %get3A_363 = arith.constant 0 : index
    %get3A_364 = vector.load %arg29[%get3A_362, %get3A_363] : memref<16x128xf32, #tpu.memory_space<vmem>>, vector<16x128xf32>
    %slice3A_365 = vector.extract_strided_slice %get3A_364 {offsets = [0, 0], sizes = [1, 128], strides = [1, 1]} : vector<16x128xf32> to vector<1x128xf32>
    %slice3A_366 = vector.extract_strided_slice %get3A_364 {offsets = [1, 0], sizes = [1, 128], strides = [1, 1]} : vector<16x128xf32> to vector<1x128xf32>
    %slice3A_367 = vector.extract_strided_slice %get3A_364 {offsets = [2, 0], sizes = [1, 128], strides = [1, 1]} : vector<16x128xf32> to vector<1x128xf32>
    %slice3A_368 = vector.extract_strided_slice %get3A_364 {offsets = [3, 0], sizes = [1, 128], strides = [1, 1]} : vector<16x128xf32> to vector<1x128xf32>
    %slice3A_369 = vector.extract_strided_slice %get3A_364 {offsets = [4, 0], sizes = [1, 128], strides = [1, 1]} : vector<16x128xf32> to vector<1x128xf32>
    %slice3A_370 = vector.extract_strided_slice %get3A_364 {offsets = [5, 0], sizes = [1, 128], strides = [1, 1]} : vector<16x128xf32> to vector<1x128xf32>
    %slice3A_371 = vector.extract_strided_slice %get3A_364 {offsets = [6, 0], sizes = [1, 128], strides = [1, 1]} : vector<16x128xf32> to vector<1x128xf32>
    %slice3A_372 = vector.extract_strided_slice %get3A_364 {offsets = [7, 0], sizes = [1, 128], strides = [1, 1]} : vector<16x128xf32> to vector<1x128xf32>
    %slice3A_373 = vector.extract_strided_slice %get3A_364 {offsets = [8, 0], sizes = [1, 128], strides = [1, 1]} : vector<16x128xf32> to vector<1x128xf32>
    %slice3A_374 = vector.extract_strided_slice %get3A_364 {offsets = [9, 0], sizes = [1, 128], strides = [1, 1]} : vector<16x128xf32> to vector<1x128xf32>
    %slice3A_375 = vector.extract_strided_slice %get3A_364 {offsets = [10, 0], sizes = [1, 128], strides = [1, 1]} : vector<16x128xf32> to vector<1x128xf32>
    %slice3A_376 = vector.extract_strided_slice %get3A_340 {offsets = [0, 0], sizes = [128, 128], strides = [1, 1]} : vector<256x128xbf16> to vector<128x128xbf16>
    %slice3A_377 = vector.extract_strided_slice %get3A_340 {offsets = [128, 0], sizes = [128, 128], strides = [1, 1]} : vector<256x128xbf16> to vector<128x128xbf16>
    %convert_element_type3A_378 = arith.truncf %max3A_331 : vector<256x128xf32> to vector<256x128xbf16>
    %convert_element_type3A_379 = arith.extf %convert_element_type3A_378 : vector<256x128xbf16> to vector<256x128xf32>
    %sub3A_380 = arith.subf %max3A_331, %convert_element_type3A_379 : vector<256x128xf32>
    %convert_element_type3A_381 = arith.truncf %sub3A_380 : vector<256x128xf32> to vector<256x128xbf16>
    %dot_general3A_382 = arith.constant dense<0.000000e+00> : vector<256x128xf32>
    %dot_general3A_383 = tpu.matmul %convert_element_type3A_378, %slice3A_376, %dot_general3A_382 {dimension_numbers = #tpu.dot_dimension_numbers<[1], [0], [0], [1], [0, 0, 1, 1], [], []>, transpose_lhs_hint = false} : vector<256x128xbf16>, vector<128x128xbf16>, vector<256x128xf32> -> vector<256x128xf32>
    %dot_general3A_384 = arith.constant dense<0.000000e+00> : vector<256x128xf32>
    %dot_general3A_385 = tpu.matmul %convert_element_type3A_378, %slice3A_377, %dot_general3A_384 {dimension_numbers = #tpu.dot_dimension_numbers<[1], [0], [0], [1], [0, 0, 1, 1], [], []>, transpose_lhs_hint = false} : vector<256x128xbf16>, vector<128x128xbf16>, vector<256x128xf32> -> vector<256x128xf32>
    %dot_general3A_386 = arith.constant dense<0.000000e+00> : vector<256x128xf32>
    %dot_general3A_387 = tpu.matmul %convert_element_type3A_381, %slice3A_376, %dot_general3A_386 {dimension_numbers = #tpu.dot_dimension_numbers<[1], [0], [0], [1], [0, 0, 1, 1], [], []>, transpose_lhs_hint = false} : vector<256x128xbf16>, vector<128x128xbf16>, vector<256x128xf32> -> vector<256x128xf32>
    %add3A_388 = arith.addf %dot_general3A_385, %dot_general3A_387 : vector<256x128xf32>
    %add3A_389 = arith.addf %dot_general3A_383, %add3A_388 : vector<256x128xf32>
    %reduce_sum3A_390 = arith.constant dense<0.000000e+00> : vector<256xf32>
    %reduce_sum3A_391 = vector.multi_reduction <add>, %add3A_389, %reduce_sum3A_390 [1] : vector<256x128xf32> to vector<256xf32>
    %broadcast_in_dim3A_392 = vector.shape_cast %reduce_sum3A_391 : vector<256xf32> to vector<256x1xf32>
    %div3A_393 = arith.constant 1.280000e+02 : f32
    %div3A_394 = vector.broadcast %div3A_393 : f32 to vector<256x1xf32>
    %div3A_395 = arith.divf %broadcast_in_dim3A_392, %div3A_394 : vector<256x1xf32>
    %sub3A_396 = vector.broadcast %div3A_395 : vector<256x1xf32> to vector<256x128xf32>
    %sub3A_397 = arith.subf %add3A_389, %sub3A_396 : vector<256x128xf32>
    %integer_pow3A_398 = arith.mulf %sub3A_397, %sub3A_397 : vector<256x128xf32>
    %reduce_sum3A_399 = arith.constant dense<0.000000e+00> : vector<256xf32>
    %reduce_sum3A_400 = vector.multi_reduction <add>, %integer_pow3A_398, %reduce_sum3A_399 [1] : vector<256x128xf32> to vector<256xf32>
    %broadcast_in_dim3A_401 = vector.shape_cast %reduce_sum3A_400 : vector<256xf32> to vector<256x1xf32>
    %div3A_402 = arith.constant 1.280000e+02 : f32
    %div3A_403 = vector.broadcast %div3A_402 : f32 to vector<256x1xf32>
    %div3A_404 = arith.divf %broadcast_in_dim3A_401, %div3A_403 : vector<256x1xf32>
    %sub3A_405 = vector.broadcast %div3A_395 : vector<256x1xf32> to vector<256x128xf32>
    %sub3A_406 = arith.subf %add3A_389, %sub3A_405 : vector<256x128xf32>
    %add3A_407 = arith.constant 9.99999974E-6 : f32
    %add3A_408 = vector.broadcast %add3A_407 : f32 to vector<256x1xf32>
    %add3A_409 = arith.addf %div3A_404, %add3A_408 : vector<256x1xf32>
    %sqrt3A_410 = math.sqrt %add3A_409 : vector<256x1xf32>
    %div3A_411 = vector.broadcast %sqrt3A_410 : vector<256x1xf32> to vector<256x128xf32>
    %div3A_412 = arith.divf %sub3A_406, %div3A_411 : vector<256x128xf32>
    %mul3A_413 = vector.broadcast %slice3A_367 : vector<1x128xf32> to vector<256x128xf32>
    %mul3A_414 = arith.mulf %div3A_412, %mul3A_413 : vector<256x128xf32>
    %add3A_415 = vector.broadcast %slice3A_368 : vector<1x128xf32> to vector<256x128xf32>
    %add3A_416 = arith.addf %mul3A_414, %add3A_415 : vector<256x128xf32>
    %max3A_417 = arith.constant 0.000000e+00 : f32
    %max3A_418 = vector.broadcast %max3A_417 : f32 to vector<256x128xf32>
    %max3A_419 = arith.maximumf %add3A_416, %max3A_418 : vector<256x128xf32>
    %slice3A_420 = vector.extract_strided_slice %get3A_343 {offsets = [0, 0], sizes = [128, 128], strides = [1, 1]} : vector<256x128xbf16> to vector<128x128xbf16>
    %slice3A_421 = vector.extract_strided_slice %get3A_343 {offsets = [128, 0], sizes = [128, 128], strides = [1, 1]} : vector<256x128xbf16> to vector<128x128xbf16>
    %convert_element_type3A_422 = arith.truncf %max3A_419 : vector<256x128xf32> to vector<256x128xbf16>
    %convert_element_type3A_423 = arith.extf %convert_element_type3A_422 : vector<256x128xbf16> to vector<256x128xf32>
    %sub3A_424 = arith.subf %max3A_419, %convert_element_type3A_423 : vector<256x128xf32>
    %convert_element_type3A_425 = arith.truncf %sub3A_424 : vector<256x128xf32> to vector<256x128xbf16>
    %dot_general3A_426 = arith.constant dense<0.000000e+00> : vector<256x128xf32>
    %dot_general3A_427 = tpu.matmul %convert_element_type3A_422, %slice3A_420, %dot_general3A_426 {dimension_numbers = #tpu.dot_dimension_numbers<[1], [0], [0], [1], [0, 0, 1, 1], [], []>, transpose_lhs_hint = false} : vector<256x128xbf16>, vector<128x128xbf16>, vector<256x128xf32> -> vector<256x128xf32>
    %dot_general3A_428 = arith.constant dense<0.000000e+00> : vector<256x128xf32>
    %dot_general3A_429 = tpu.matmul %convert_element_type3A_422, %slice3A_421, %dot_general3A_428 {dimension_numbers = #tpu.dot_dimension_numbers<[1], [0], [0], [1], [0, 0, 1, 1], [], []>, transpose_lhs_hint = false} : vector<256x128xbf16>, vector<128x128xbf16>, vector<256x128xf32> -> vector<256x128xf32>
    %dot_general3A_430 = arith.constant dense<0.000000e+00> : vector<256x128xf32>
    %dot_general3A_431 = tpu.matmul %convert_element_type3A_425, %slice3A_420, %dot_general3A_430 {dimension_numbers = #tpu.dot_dimension_numbers<[1], [0], [0], [1], [0, 0, 1, 1], [], []>, transpose_lhs_hint = false} : vector<256x128xbf16>, vector<128x128xbf16>, vector<256x128xf32> -> vector<256x128xf32>
    %add3A_432 = arith.addf %dot_general3A_429, %dot_general3A_431 : vector<256x128xf32>
    %add3A_433 = arith.addf %dot_general3A_427, %add3A_432 : vector<256x128xf32>
    %slice3A_434 = vector.extract_strided_slice %get3A_355 {offsets = [0, 0], sizes = [128, 128], strides = [1, 1]} : vector<256x128xbf16> to vector<128x128xbf16>
    %slice3A_435 = vector.extract_strided_slice %get3A_355 {offsets = [128, 0], sizes = [128, 128], strides = [1, 1]} : vector<256x128xbf16> to vector<128x128xbf16>
    %convert_element_type3A_436 = arith.truncf %max3A_331 : vector<256x128xf32> to vector<256x128xbf16>
    %convert_element_type3A_437 = arith.extf %convert_element_type3A_436 : vector<256x128xbf16> to vector<256x128xf32>
    %sub3A_438 = arith.subf %max3A_331, %convert_element_type3A_437 : vector<256x128xf32>
    %convert_element_type3A_439 = arith.truncf %sub3A_438 : vector<256x128xf32> to vector<256x128xbf16>
    %dot_general3A_440 = arith.constant dense<0.000000e+00> : vector<256x128xf32>
    %dot_general3A_441 = tpu.matmul %convert_element_type3A_436, %slice3A_434, %dot_general3A_440 {dimension_numbers = #tpu.dot_dimension_numbers<[1], [0], [0], [1], [0, 0, 1, 1], [], []>, transpose_lhs_hint = false} : vector<256x128xbf16>, vector<128x128xbf16>, vector<256x128xf32> -> vector<256x128xf32>
    %dot_general3A_442 = arith.constant dense<0.000000e+00> : vector<256x128xf32>
    %dot_general3A_443 = tpu.matmul %convert_element_type3A_436, %slice3A_435, %dot_general3A_442 {dimension_numbers = #tpu.dot_dimension_numbers<[1], [0], [0], [1], [0, 0, 1, 1], [], []>, transpose_lhs_hint = false} : vector<256x128xbf16>, vector<128x128xbf16>, vector<256x128xf32> -> vector<256x128xf32>
    %dot_general3A_444 = arith.constant dense<0.000000e+00> : vector<256x128xf32>
    %dot_general3A_445 = tpu.matmul %convert_element_type3A_439, %slice3A_434, %dot_general3A_444 {dimension_numbers = #tpu.dot_dimension_numbers<[1], [0], [0], [1], [0, 0, 1, 1], [], []>, transpose_lhs_hint = false} : vector<256x128xbf16>, vector<128x128xbf16>, vector<256x128xf32> -> vector<256x128xf32>
    %add3A_446 = arith.addf %dot_general3A_443, %dot_general3A_445 : vector<256x128xf32>
    %add3A_447 = arith.addf %dot_general3A_441, %add3A_446 : vector<256x128xf32>
    %convert_element_type3A_448 = arith.truncf %add3A_433 : vector<256x128xf32> to vector<256x128xbf16>
    %convert_element_type3A_449 = arith.extf %convert_element_type3A_448 : vector<256x128xbf16> to vector<256x128xf32>
    %sub3A_450 = arith.subf %add3A_433, %convert_element_type3A_449 : vector<256x128xf32>
    %convert_element_type3A_451 = arith.truncf %sub3A_450 : vector<256x128xf32> to vector<256x128xbf16>
    %convert_element_type3A_452 = arith.truncf %get3A_337 : vector<1024x128xf32> to vector<1024x128xbf16>
    %convert_element_type3A_453 = arith.extf %convert_element_type3A_452 : vector<1024x128xbf16> to vector<1024x128xf32>
    %sub3A_454 = arith.subf %get3A_337, %convert_element_type3A_453 : vector<1024x128xf32>
    %convert_element_type3A_455 = arith.truncf %sub3A_454 : vector<1024x128xf32> to vector<1024x128xbf16>
    %convert_element_type3A_456 = arith.truncf %get3A_65 : vector<256x2xf32> to vector<256x2xbf16>
    %convert_element_type3A_457 = arith.extf %convert_element_type3A_456 : vector<256x2xbf16> to vector<256x2xf32>
    %sub3A_458 = arith.subf %get3A_65, %convert_element_type3A_457 : vector<256x2xf32>
    %convert_element_type3A_459 = arith.truncf %sub3A_458 : vector<256x2xf32> to vector<256x2xbf16>
    %convert_element_type3A_460 = arith.truncf %get3A_334 : vector<1024x2xf32> to vector<1024x2xbf16>
    %convert_element_type3A_461 = arith.extf %convert_element_type3A_460 : vector<1024x2xbf16> to vector<1024x2xf32>
    %sub3A_462 = arith.subf %get3A_334, %convert_element_type3A_461 : vector<1024x2xf32>
    %convert_element_type3A_463 = arith.truncf %sub3A_462 : vector<1024x2xf32> to vector<1024x2xbf16>
    %get3A_464 = arith.index_cast %arg0 : i32 to index
    %get3A_465 = memref.load %arg1[%get3A_464] : memref<197xi32, #tpu.memory_space<smem>>
    %add3A_466 = arith.constant 1 : i32
    %add3A_467 = arith.addi %arg0, %add3A_466 : i32
    %get3A_468 = arith.index_cast %add3A_467 : i32 to index
    %get3A_469 = memref.load %arg1[%get3A_468] : memref<197xi32, #tpu.memory_space<smem>>
    %sub3A_470 = arith.subi %get3A_469, %get3A_465 : i32
    %add3A_471 = arith.constant 1024 : i32
    %add3A_472 = arith.addi %sub3A_470, %add3A_471 : i32
    %sub3A_473 = arith.constant 1 : i32
    %sub3A_474 = arith.subi %add3A_472, %sub3A_473 : i32
    %jit3A_475 = arith.constant 1024 : i32
    %div3A_476 = arith.divsi %sub3A_474, %jit3A_475 : i32
    %sign3A_477 = arith.constant 0 : i32
    %sign3A_478 = arith.cmpi sgt, %sub3A_474, %sign3A_477 : i32
    %sign3A_479 = arith.extui %sign3A_478 : i1 to i32
    %sign3A_480 = arith.constant 0 : i32
    %sign3A_481 = arith.cmpi slt, %sub3A_474, %sign3A_480 : i32
    %sign3A_482 = arith.extui %sign3A_481 : i1 to i32
    %sign3A_483 = arith.subi %sign3A_479, %sign3A_482 : i32
    %sign3A_484 = arith.constant 0 : i32
    %sign3A_485 = arith.cmpi sgt, %jit3A_475, %sign3A_484 : i32
    %sign3A_486 = arith.extui %sign3A_485 : i1 to i32
    %sign3A_487 = arith.constant 0 : i32
    %sign3A_488 = arith.cmpi slt, %jit3A_475, %sign3A_487 : i32
    %sign3A_489 = arith.extui %sign3A_488 : i1 to i32
    %sign3A_490 = arith.subi %sign3A_486, %sign3A_489 : i32
    %ne3A_491 = arith.cmpi ne, %sign3A_483, %sign3A_490 : i32
    %rem3A_492 = arith.remsi %sub3A_474, %jit3A_475 : i32
    %ne3A_493 = arith.constant 0 : i32
    %ne3A_494 = arith.cmpi ne, %rem3A_492, %ne3A_493 : i32
    %and3A_495 = arith.andi %ne3A_491, %ne3A_494 : i1
    %sub3A_496 = arith.constant 1 : i32
    %sub3A_497 = arith.subi %div3A_476, %sub3A_496 : i32
    %select_n3A_498 = arith.select %and3A_495, %sub3A_497, %div3A_476 : i32
    %gt3A_499 = arith.constant 0 : i32
    %gt3A_500 = arith.cmpi sgt, %select_n3A_498, %gt3A_499 : i32
    %convert_element_type3A_501 = arith.extui %gt3A_500 : i1 to i32
    %cond3A_502 = arith.constant 0 : i32
    %cond3A_503 = arith.cmpi ne, %convert_element_type3A_501, %cond3A_502 : i32
    scf.if %cond3A_503 {
      %add3A_609 = arith.constant 0 : i32
      %add3A_610 = arith.addi %get3A_465, %add3A_609 : i32
      %dma_start3A = arith.constant 0 : i32
      %dma_start3A_611 = arith.constant 0 : i32
      %dma_start3A_612 = tpu.memref_slice %arg32[%dma_start3A_611] : memref<2x!tpu.dma_semaphore, #tpu.memory_space<semaphore_mem>> -> memref<1x!tpu.dma_semaphore, #tpu.memory_space<semaphore_mem>>
      %dma_start3A_613 = tpu.memref_squeeze %dma_start3A_612 : memref<1x!tpu.dma_semaphore, #tpu.memory_space<semaphore_mem>> -> memref<!tpu.dma_semaphore, #tpu.memory_space<semaphore_mem>>
      %dma_start3A_614 = arith.constant 0 : i32
      %dma_start3A_615 = arith.constant 0 : i32
      %dma_start3A_616 = tpu.memref_slice %arg31[%dma_start3A, %dma_start3A_614, %dma_start3A_615] : memref<2x1024x2xi32, #tpu.memory_space<vmem>> -> memref<1x1024x2xi32, #tpu.memory_space<vmem>>
      %dma_start3A_617 = tpu.memref_squeeze %dma_start3A_616 : memref<1x1024x2xi32, #tpu.memory_space<vmem>> -> memref<1024x2xi32, #tpu.memory_space<vmem>>
      %dma_start3A_618 = arith.constant 0 : i32
      %dma_start3A_619 = tpu.memref_slice %arg2[%add3A_610, %dma_start3A_618] : memref<525312x2xi32, #tpu.memory_space<hbm>> -> memref<1024x2xi32, #tpu.memory_space<hbm>>
      tpu.enqueue_dma source(%dma_start3A_619 : memref<1024x2xi32, #tpu.memory_space<hbm>>) target(%dma_start3A_617 : memref<1024x2xi32, #tpu.memory_space<vmem>>) target_semaphore(%dma_start3A_613 : memref<!tpu.dma_semaphore, #tpu.memory_space<semaphore_mem>>)
    } else {
    }
    %broadcast_in_dim3A_504 = arith.constant 0.000000e+00 : f32
    %broadcast_in_dim3A_505 = vector.broadcast %broadcast_in_dim3A_504 : f32 to vector<256x128xf32>
    %while3A_506 = arith.constant 0 : i32
    %while3A_507 = arith.subi %select_n3A_498, %while3A_506 : i32
    %while3A_508 = arith.addi %while3A_506, %while3A_507 : i32
    %while3A_509 = arith.constant 1 : i32
    %while3A_510 = arith.divsi %while3A_507, %while3A_509 : i32
    %while3A_511 = arith.muli %while3A_510, %while3A_509 : i32
    %while3A_512 = arith.addi %while3A_506, %while3A_511 : i32
    %while3A_513 = arith.constant 1 : i32
    %while3A_514 = scf.for %while3A_609 = %while3A_506 to %while3A_512 step %while3A_513 iter_args(%while3A_610 = %broadcast_in_dim3A_505) -> (vector<256x128xf32>)  : i32 {
      %rem3A_611 = arith.constant 2 : i32
      %rem3A_612 = arith.remsi %while3A_609, %rem3A_611 : i32
      %add3A_613 = arith.constant 1 : i32
      %add3A_614 = arith.addi %while3A_609, %add3A_613 : i32
      %lt3A = arith.cmpi slt, %add3A_614, %select_n3A_498 : i32
      %convert_element_type3A_615 = arith.extui %lt3A : i1 to i32
      %cond3A_616 = arith.constant 0 : i32
      %cond3A_617 = arith.cmpi ne, %convert_element_type3A_615, %cond3A_616 : i32
      scf.if %cond3A_617 {
        %add3A_776 = arith.constant 1 : i32
        %add3A_777 = arith.addi %while3A_609, %add3A_776 : i32
        %add3A_778 = arith.constant 1 : i32
        %add3A_779 = arith.addi %while3A_609, %add3A_778 : i32
        %rem3A_780 = arith.constant 2 : i32
        %rem3A_781 = arith.remsi %add3A_779, %rem3A_780 : i32
        %mul3A_782 = arith.constant 1024 : i32
        %mul3A_783 = arith.muli %add3A_777, %mul3A_782 : i32
        %add3A_784 = arith.addi %get3A_465, %mul3A_783 : i32
        %dma_start3A = tpu.memref_slice %arg32[%rem3A_781] : memref<2x!tpu.dma_semaphore, #tpu.memory_space<semaphore_mem>> -> memref<1x!tpu.dma_semaphore, #tpu.memory_space<semaphore_mem>>
        %dma_start3A_785 = tpu.memref_squeeze %dma_start3A : memref<1x!tpu.dma_semaphore, #tpu.memory_space<semaphore_mem>> -> memref<!tpu.dma_semaphore, #tpu.memory_space<semaphore_mem>>
        %dma_start3A_786 = arith.constant 0 : i32
        %dma_start3A_787 = arith.constant 0 : i32
        %dma_start3A_788 = tpu.memref_slice %arg31[%rem3A_781, %dma_start3A_786, %dma_start3A_787] : memref<2x1024x2xi32, #tpu.memory_space<vmem>> -> memref<1x1024x2xi32, #tpu.memory_space<vmem>>
        %dma_start3A_789 = tpu.memref_squeeze %dma_start3A_788 : memref<1x1024x2xi32, #tpu.memory_space<vmem>> -> memref<1024x2xi32, #tpu.memory_space<vmem>>
        %dma_start3A_790 = arith.constant 0 : i32
        %dma_start3A_791 = tpu.memref_slice %arg2[%add3A_784, %dma_start3A_790] : memref<525312x2xi32, #tpu.memory_space<hbm>> -> memref<1024x2xi32, #tpu.memory_space<hbm>>
        tpu.enqueue_dma source(%dma_start3A_791 : memref<1024x2xi32, #tpu.memory_space<hbm>>) target(%dma_start3A_789 : memref<1024x2xi32, #tpu.memory_space<vmem>>) target_semaphore(%dma_start3A_785 : memref<!tpu.dma_semaphore, #tpu.memory_space<semaphore_mem>>)
      } else {
      }
      %mul3A_618 = arith.constant 1024 : i32
      %mul3A_619 = arith.muli %while3A_609, %mul3A_618 : i32
      %add3A_620 = arith.addi %get3A_465, %mul3A_619 : i32
      %dma_wait3A = tpu.memref_slice %arg32[%rem3A_612] : memref<2x!tpu.dma_semaphore, #tpu.memory_space<semaphore_mem>> -> memref<1x!tpu.dma_semaphore, #tpu.memory_space<semaphore_mem>>
      %dma_wait3A_621 = tpu.memref_squeeze %dma_wait3A : memref<1x!tpu.dma_semaphore, #tpu.memory_space<semaphore_mem>> -> memref<!tpu.dma_semaphore, #tpu.memory_space<semaphore_mem>>
      %dma_wait3A_622 = arith.constant 0 : i32
      %dma_wait3A_623 = arith.constant 0 : i32
      %dma_wait3A_624 = tpu.memref_slice %arg31[%rem3A_612, %dma_wait3A_622, %dma_wait3A_623] : memref<2x1024x2xi32, #tpu.memory_space<vmem>> -> memref<1x1024x2xi32, #tpu.memory_space<vmem>>
      %dma_wait3A_625 = tpu.memref_squeeze %dma_wait3A_624 : memref<1x1024x2xi32, #tpu.memory_space<vmem>> -> memref<1024x2xi32, #tpu.memory_space<vmem>>
      %dma_wait3A_626 = arith.constant 0 : i32
      %dma_wait3A_627 = tpu.memref_slice %arg2[%add3A_620, %dma_wait3A_626] : memref<525312x2xi32, #tpu.memory_space<hbm>> -> memref<1024x2xi32, #tpu.memory_space<hbm>>
      tpu.wait_dma2 semaphore(%dma_wait3A_621 : memref<!tpu.dma_semaphore, #tpu.memory_space<semaphore_mem>>) src(%dma_wait3A_627 : memref<1024x2xi32, #tpu.memory_space<hbm>>) dst(%dma_wait3A_625 : memref<1024x2xi32, #tpu.memory_space<vmem>>)
      %get3A_628 = arith.index_cast %rem3A_612 : i32 to index
      %get3A_629 = arith.constant 0 : index
      %get3A_630 = arith.constant 0 : index
      %get3A_631 = vector.load %arg31[%get3A_628, %get3A_629, %get3A_630] : memref<2x1024x2xi32, #tpu.memory_space<vmem>>, vector<1x1024x2xi32>
      %get3A_632 = vector.shape_cast %get3A_631 : vector<1x1024x2xi32> to vector<1024x2xi32>
      %slice3A_633 = vector.extract_strided_slice %get3A_632 {offsets = [0, 0], sizes = [1024, 1], strides = [1, 1]} : vector<1024x2xi32> to vector<1024x1xi32>
      %mul3A_634 = arith.constant 256 : i32
      %mul3A_635 = arith.muli %arg0, %mul3A_634 : i32
      %sub3A_636 = vector.broadcast %mul3A_635 : i32 to vector<1024x1xi32>
      %sub3A_637 = arith.subi %slice3A_633, %sub3A_636 : vector<1024x1xi32>
      %convert_element_type3A_638 = arith.trunci %sub3A_637 : vector<1024x1xi32> to vector<1024x1xi16>
      %slice3A_639 = vector.extract_strided_slice %get3A_632 {offsets = [0, 1], sizes = [1024, 1], strides = [1, 1]} : vector<1024x2xi32> to vector<1024x1xi32>
      %convert_element_type3A_640 = arith.trunci %slice3A_639 : vector<1024x1xi32> to vector<1024x1xi16>
      %iota3A = tpu.iota {dimensions = array<i32: 1>} : vector<1024x256xi16>
      %eq3A = vector.broadcast %convert_element_type3A_638 : vector<1024x1xi16> to vector<1024x256xi16>
      %eq3A_641 = arith.cmpi eq, %eq3A, %iota3A : vector<1024x256xi16>
      %convert_element_type3A_642 = arith.extui %eq3A_641 : vector<1024x256xi1> to vector<1024x256xi32>
      %convert_element_type3A_643 = arith.sitofp %convert_element_type3A_642 : vector<1024x256xi32> to vector<1024x256xf32>
      %convert_element_type3A_644 = arith.truncf %convert_element_type3A_643 : vector<1024x256xf32> to vector<1024x256xbf16>
      %iota3A_645 = tpu.iota {dimensions = array<i32: 1>} : vector<1024x1024xi16>
      %eq3A_646 = vector.broadcast %convert_element_type3A_640 : vector<1024x1xi16> to vector<1024x1024xi16>
      %eq3A_647 = arith.cmpi eq, %eq3A_646, %iota3A_645 : vector<1024x1024xi16>
      %convert_element_type3A_648 = arith.extui %eq3A_647 : vector<1024x1024xi1> to vector<1024x1024xi32>
      %convert_element_type3A_649 = arith.sitofp %convert_element_type3A_648 : vector<1024x1024xi32> to vector<1024x1024xf32>
      %convert_element_type3A_650 = arith.truncf %convert_element_type3A_649 : vector<1024x1024xf32> to vector<1024x1024xbf16>
      %dot_general3A_651 = arith.constant dense<0.000000e+00> : vector<1024x2xf32>
      %dot_general3A_652 = tpu.matmul %convert_element_type3A_644, %convert_element_type3A_456, %dot_general3A_651 {dimension_numbers = #tpu.dot_dimension_numbers<[1], [0], [0], [1], [0, 0, 1, 1], [], []>, transpose_lhs_hint = false} : vector<1024x256xbf16>, vector<256x2xbf16>, vector<1024x2xf32> -> vector<1024x2xf32>
      %dot_general3A_653 = arith.constant dense<0.000000e+00> : vector<1024x2xf32>
      %dot_general3A_654 = tpu.matmul %convert_element_type3A_644, %convert_element_type3A_459, %dot_general3A_653 {dimension_numbers = #tpu.dot_dimension_numbers<[1], [0], [0], [1], [0, 0, 1, 1], [], []>, transpose_lhs_hint = false} : vector<1024x256xbf16>, vector<256x2xbf16>, vector<1024x2xf32> -> vector<1024x2xf32>
      %add3A_655 = arith.addf %dot_general3A_652, %dot_general3A_654 : vector<1024x2xf32>
      %dot_general3A_656 = arith.constant dense<0.000000e+00> : vector<1024x2xf32>
      %dot_general3A_657 = tpu.matmul %convert_element_type3A_650, %convert_element_type3A_460, %dot_general3A_656 {dimension_numbers = #tpu.dot_dimension_numbers<[1], [0], [0], [1], [0, 0, 1, 1], [], []>, transpose_lhs_hint = false} : vector<1024x1024xbf16>, vector<1024x2xbf16>, vector<1024x2xf32> -> vector<1024x2xf32>
      %dot_general3A_658 = arith.constant dense<0.000000e+00> : vector<1024x2xf32>
      %dot_general3A_659 = tpu.matmul %convert_element_type3A_650, %convert_element_type3A_463, %dot_general3A_658 {dimension_numbers = #tpu.dot_dimension_numbers<[1], [0], [0], [1], [0, 0, 1, 1], [], []>, transpose_lhs_hint = false} : vector<1024x1024xbf16>, vector<1024x2xbf16>, vector<1024x2xf32> -> vector<1024x2xf32>
      %add3A_660 = arith.addf %dot_general3A_657, %dot_general3A_659 : vector<1024x2xf32>
      %sub3A_661 = arith.subf %add3A_655, %add3A_660 : vector<1024x2xf32>
      %slice3A_662 = vector.extract_strided_slice %sub3A_661 {offsets = [0, 0], sizes = [1024, 1], strides = [1, 1]} : vector<1024x2xf32> to vector<1024x1xf32>
      %slice3A_663 = vector.extract_strided_slice %get3A_361 {offsets = [0, 0], sizes = [1, 128], strides = [1, 1]} : vector<2x128xf32> to vector<1x128xf32>
      %mul3A_664 = vector.broadcast %slice3A_662 : vector<1024x1xf32> to vector<1024x128xf32>
      %mul3A_665 = vector.broadcast %slice3A_663 : vector<1x128xf32> to vector<1024x128xf32>
      %mul3A_666 = arith.mulf %mul3A_664, %mul3A_665 : vector<1024x128xf32>
      %slice3A_667 = vector.extract_strided_slice %sub3A_661 {offsets = [0, 1], sizes = [1024, 1], strides = [1, 1]} : vector<1024x2xf32> to vector<1024x1xf32>
      %slice3A_668 = vector.extract_strided_slice %get3A_361 {offsets = [1, 0], sizes = [1, 128], strides = [1, 1]} : vector<2x128xf32> to vector<1x128xf32>
      %mul3A_669 = vector.broadcast %slice3A_667 : vector<1024x1xf32> to vector<1024x128xf32>
      %mul3A_670 = vector.broadcast %slice3A_668 : vector<1x128xf32> to vector<1024x128xf32>
      %mul3A_671 = arith.mulf %mul3A_669, %mul3A_670 : vector<1024x128xf32>
      %add3A_672 = arith.addf %mul3A_666, %mul3A_671 : vector<1024x128xf32>
      %add3A_673 = vector.broadcast %slice3A_375 : vector<1x128xf32> to vector<1024x128xf32>
      %add3A_674 = arith.addf %add3A_672, %add3A_673 : vector<1024x128xf32>
      %max3A_675 = arith.constant 0.000000e+00 : f32
      %max3A_676 = vector.broadcast %max3A_675 : f32 to vector<1024x128xf32>
      %max3A_677 = arith.maximumf %add3A_674, %max3A_676 : vector<1024x128xf32>
      %slice3A_678 = vector.extract_strided_slice %get3A_349 {offsets = [0, 0], sizes = [128, 128], strides = [1, 1]} : vector<256x128xbf16> to vector<128x128xbf16>
      %slice3A_679 = vector.extract_strided_slice %get3A_349 {offsets = [128, 0], sizes = [128, 128], strides = [1, 1]} : vector<256x128xbf16> to vector<128x128xbf16>
      %convert_element_type3A_680 = arith.truncf %max3A_677 : vector<1024x128xf32> to vector<1024x128xbf16>
      %dot_general3A_681 = arith.constant dense<0.000000e+00> : vector<1024x128xf32>
      %dot_general3A_682 = tpu.matmul %convert_element_type3A_680, %slice3A_678, %dot_general3A_681 {dimension_numbers = #tpu.dot_dimension_numbers<[1], [0], [0], [1], [0, 0, 1, 1], [], []>, transpose_lhs_hint = false} : vector<1024x128xbf16>, vector<128x128xbf16>, vector<1024x128xf32> -> vector<1024x128xf32>
      %dot_general3A_683 = arith.constant dense<0.000000e+00> : vector<1024x128xf32>
      %dot_general3A_684 = tpu.matmul %convert_element_type3A_680, %slice3A_679, %dot_general3A_683 {dimension_numbers = #tpu.dot_dimension_numbers<[1], [0], [0], [1], [0, 0, 1, 1], [], []>, transpose_lhs_hint = false} : vector<1024x128xbf16>, vector<128x128xbf16>, vector<1024x128xf32> -> vector<1024x128xf32>
      %add3A_685 = arith.addf %dot_general3A_682, %dot_general3A_684 : vector<1024x128xf32>
      %reduce_sum3A_686 = arith.constant dense<0.000000e+00> : vector<1024xf32>
      %reduce_sum3A_687 = vector.multi_reduction <add>, %add3A_685, %reduce_sum3A_686 [1] : vector<1024x128xf32> to vector<1024xf32>
      %broadcast_in_dim3A_688 = vector.shape_cast %reduce_sum3A_687 : vector<1024xf32> to vector<1024x1xf32>
      %div3A_689 = arith.constant 1.280000e+02 : f32
      %div3A_690 = vector.broadcast %div3A_689 : f32 to vector<1024x1xf32>
      %div3A_691 = arith.divf %broadcast_in_dim3A_688, %div3A_690 : vector<1024x1xf32>
      %sub3A_692 = vector.broadcast %div3A_691 : vector<1024x1xf32> to vector<1024x128xf32>
      %sub3A_693 = arith.subf %add3A_685, %sub3A_692 : vector<1024x128xf32>
      %integer_pow3A_694 = arith.mulf %sub3A_693, %sub3A_693 : vector<1024x128xf32>
      %reduce_sum3A_695 = arith.constant dense<0.000000e+00> : vector<1024xf32>
      %reduce_sum3A_696 = vector.multi_reduction <add>, %integer_pow3A_694, %reduce_sum3A_695 [1] : vector<1024x128xf32> to vector<1024xf32>
      %broadcast_in_dim3A_697 = vector.shape_cast %reduce_sum3A_696 : vector<1024xf32> to vector<1024x1xf32>
      %div3A_698 = arith.constant 1.280000e+02 : f32
      %div3A_699 = vector.broadcast %div3A_698 : f32 to vector<1024x1xf32>
      %div3A_700 = arith.divf %broadcast_in_dim3A_697, %div3A_699 : vector<1024x1xf32>
      %sub3A_701 = vector.broadcast %div3A_691 : vector<1024x1xf32> to vector<1024x128xf32>
      %sub3A_702 = arith.subf %add3A_685, %sub3A_701 : vector<1024x128xf32>
      %add3A_703 = arith.constant 9.99999974E-6 : f32
      %add3A_704 = vector.broadcast %add3A_703 : f32 to vector<1024x1xf32>
      %add3A_705 = arith.addf %div3A_700, %add3A_704 : vector<1024x1xf32>
      %sqrt3A_706 = math.sqrt %add3A_705 : vector<1024x1xf32>
      %div3A_707 = vector.broadcast %sqrt3A_706 : vector<1024x1xf32> to vector<1024x128xf32>
      %div3A_708 = arith.divf %sub3A_702, %div3A_707 : vector<1024x128xf32>
      %mul3A_709 = vector.broadcast %slice3A_365 : vector<1x128xf32> to vector<1024x128xf32>
      %mul3A_710 = arith.mulf %div3A_708, %mul3A_709 : vector<1024x128xf32>
      %add3A_711 = vector.broadcast %slice3A_366 : vector<1x128xf32> to vector<1024x128xf32>
      %add3A_712 = arith.addf %mul3A_710, %add3A_711 : vector<1024x128xf32>
      %max3A_713 = arith.constant 0.000000e+00 : f32
      %max3A_714 = vector.broadcast %max3A_713 : f32 to vector<1024x128xf32>
      %max3A_715 = arith.maximumf %add3A_712, %max3A_714 : vector<1024x128xf32>
      %slice3A_716 = vector.extract_strided_slice %get3A_346 {offsets = [0, 0], sizes = [128, 128], strides = [1, 1]} : vector<256x128xbf16> to vector<128x128xbf16>
      %slice3A_717 = vector.extract_strided_slice %get3A_346 {offsets = [128, 0], sizes = [128, 128], strides = [1, 1]} : vector<256x128xbf16> to vector<128x128xbf16>
      %convert_element_type3A_718 = arith.truncf %max3A_715 : vector<1024x128xf32> to vector<1024x128xbf16>
      %dot_general3A_719 = arith.constant dense<0.000000e+00> : vector<1024x128xf32>
      %dot_general3A_720 = tpu.matmul %convert_element_type3A_718, %slice3A_716, %dot_general3A_719 {dimension_numbers = #tpu.dot_dimension_numbers<[1], [0], [0], [1], [0, 0, 1, 1], [], []>, transpose_lhs_hint = false} : vector<1024x128xbf16>, vector<128x128xbf16>, vector<1024x128xf32> -> vector<1024x128xf32>
      %dot_general3A_721 = arith.constant dense<0.000000e+00> : vector<1024x128xf32>
      %dot_general3A_722 = tpu.matmul %convert_element_type3A_718, %slice3A_717, %dot_general3A_721 {dimension_numbers = #tpu.dot_dimension_numbers<[1], [0], [0], [1], [0, 0, 1, 1], [], []>, transpose_lhs_hint = false} : vector<1024x128xbf16>, vector<128x128xbf16>, vector<1024x128xf32> -> vector<1024x128xf32>
      %add3A_723 = arith.addf %dot_general3A_720, %dot_general3A_722 : vector<1024x128xf32>
      %dot_general3A_724 = arith.constant dense<0.000000e+00> : vector<1024x128xf32>
      %dot_general3A_725 = tpu.matmul %convert_element_type3A_644, %convert_element_type3A_448, %dot_general3A_724 {dimension_numbers = #tpu.dot_dimension_numbers<[1], [0], [0], [1], [0, 0, 1, 1], [], []>, transpose_lhs_hint = false} : vector<1024x256xbf16>, vector<256x128xbf16>, vector<1024x128xf32> -> vector<1024x128xf32>
      %dot_general3A_726 = arith.constant dense<0.000000e+00> : vector<1024x128xf32>
      %dot_general3A_727 = tpu.matmul %convert_element_type3A_644, %convert_element_type3A_451, %dot_general3A_726 {dimension_numbers = #tpu.dot_dimension_numbers<[1], [0], [0], [1], [0, 0, 1, 1], [], []>, transpose_lhs_hint = false} : vector<1024x256xbf16>, vector<256x128xbf16>, vector<1024x128xf32> -> vector<1024x128xf32>
      %add3A_728 = arith.addf %dot_general3A_725, %dot_general3A_727 : vector<1024x128xf32>
      %add3A_729 = arith.addf %add3A_723, %add3A_728 : vector<1024x128xf32>
      %dot_general3A_730 = arith.constant dense<0.000000e+00> : vector<1024x128xf32>
      %dot_general3A_731 = tpu.matmul %convert_element_type3A_650, %convert_element_type3A_452, %dot_general3A_730 {dimension_numbers = #tpu.dot_dimension_numbers<[1], [0], [0], [1], [0, 0, 1, 1], [], []>, transpose_lhs_hint = false} : vector<1024x1024xbf16>, vector<1024x128xbf16>, vector<1024x128xf32> -> vector<1024x128xf32>
      %dot_general3A_732 = arith.constant dense<0.000000e+00> : vector<1024x128xf32>
      %dot_general3A_733 = tpu.matmul %convert_element_type3A_650, %convert_element_type3A_455, %dot_general3A_732 {dimension_numbers = #tpu.dot_dimension_numbers<[1], [0], [0], [1], [0, 0, 1, 1], [], []>, transpose_lhs_hint = false} : vector<1024x1024xbf16>, vector<1024x128xbf16>, vector<1024x128xf32> -> vector<1024x128xf32>
      %add3A_734 = arith.addf %dot_general3A_731, %dot_general3A_733 : vector<1024x128xf32>
      %add3A_735 = arith.addf %add3A_729, %add3A_734 : vector<1024x128xf32>
      %reduce_sum3A_736 = arith.constant dense<0.000000e+00> : vector<1024xf32>
      %reduce_sum3A_737 = vector.multi_reduction <add>, %add3A_735, %reduce_sum3A_736 [1] : vector<1024x128xf32> to vector<1024xf32>
      %broadcast_in_dim3A_738 = vector.shape_cast %reduce_sum3A_737 : vector<1024xf32> to vector<1024x1xf32>
      %div3A_739 = arith.constant 1.280000e+02 : f32
      %div3A_740 = vector.broadcast %div3A_739 : f32 to vector<1024x1xf32>
      %div3A_741 = arith.divf %broadcast_in_dim3A_738, %div3A_740 : vector<1024x1xf32>
      %sub3A_742 = vector.broadcast %div3A_741 : vector<1024x1xf32> to vector<1024x128xf32>
      %sub3A_743 = arith.subf %add3A_735, %sub3A_742 : vector<1024x128xf32>
      %integer_pow3A_744 = arith.mulf %sub3A_743, %sub3A_743 : vector<1024x128xf32>
      %reduce_sum3A_745 = arith.constant dense<0.000000e+00> : vector<1024xf32>
      %reduce_sum3A_746 = vector.multi_reduction <add>, %integer_pow3A_744, %reduce_sum3A_745 [1] : vector<1024x128xf32> to vector<1024xf32>
      %broadcast_in_dim3A_747 = vector.shape_cast %reduce_sum3A_746 : vector<1024xf32> to vector<1024x1xf32>
      %div3A_748 = arith.constant 1.280000e+02 : f32
      %div3A_749 = vector.broadcast %div3A_748 : f32 to vector<1024x1xf32>
      %div3A_750 = arith.divf %broadcast_in_dim3A_747, %div3A_749 : vector<1024x1xf32>
      %sub3A_751 = vector.broadcast %div3A_741 : vector<1024x1xf32> to vector<1024x128xf32>
      %sub3A_752 = arith.subf %add3A_735, %sub3A_751 : vector<1024x128xf32>
      %add3A_753 = arith.constant 9.99999974E-6 : f32
      %add3A_754 = vector.broadcast %add3A_753 : f32 to vector<1024x1xf32>
      %add3A_755 = arith.addf %div3A_750, %add3A_754 : vector<1024x1xf32>
      %sqrt3A_756 = math.sqrt %add3A_755 : vector<1024x1xf32>
      %div3A_757 = vector.broadcast %sqrt3A_756 : vector<1024x1xf32> to vector<1024x128xf32>
      %div3A_758 = arith.divf %sub3A_752, %div3A_757 : vector<1024x128xf32>
      %mul3A_759 = vector.broadcast %slice3A_369 : vector<1x128xf32> to vector<1024x128xf32>
      %mul3A_760 = arith.mulf %div3A_758, %mul3A_759 : vector<1024x128xf32>
      %add3A_761 = vector.broadcast %slice3A_370 : vector<1x128xf32> to vector<1024x128xf32>
      %add3A_762 = arith.addf %mul3A_760, %add3A_761 : vector<1024x128xf32>
      %max3A_763 = arith.constant 0.000000e+00 : f32
      %max3A_764 = vector.broadcast %max3A_763 : f32 to vector<1024x128xf32>
      %max3A_765 = arith.maximumf %add3A_762, %max3A_764 : vector<1024x128xf32>
      %convert_element_type3A_766 = arith.truncf %max3A_765 : vector<1024x128xf32> to vector<1024x128xbf16>
      %convert_element_type3A_767 = arith.extf %convert_element_type3A_766 : vector<1024x128xbf16> to vector<1024x128xf32>
      %sub3A_768 = arith.subf %max3A_765, %convert_element_type3A_767 : vector<1024x128xf32>
      %convert_element_type3A_769 = arith.truncf %sub3A_768 : vector<1024x128xf32> to vector<1024x128xbf16>
      %dot_general3A_770 = arith.constant dense<0.000000e+00> : vector<256x128xf32>
      %dot_general3A_771 = tpu.matmul %convert_element_type3A_644, %convert_element_type3A_766, %dot_general3A_770 {dimension_numbers = #tpu.dot_dimension_numbers<[0], [0], [1], [1], [0, 1, 1, 1], [], []>, transpose_lhs_hint = false} : vector<1024x256xbf16>, vector<1024x128xbf16>, vector<256x128xf32> -> vector<256x128xf32>
      %dot_general3A_772 = arith.constant dense<0.000000e+00> : vector<256x128xf32>
      %dot_general3A_773 = tpu.matmul %convert_element_type3A_644, %convert_element_type3A_769, %dot_general3A_772 {dimension_numbers = #tpu.dot_dimension_numbers<[0], [0], [1], [1], [0, 1, 1, 1], [], []>, transpose_lhs_hint = false} : vector<1024x256xbf16>, vector<1024x128xbf16>, vector<256x128xf32> -> vector<256x128xf32>
      %add3A_774 = arith.addf %dot_general3A_771, %dot_general3A_773 : vector<256x128xf32>
      %add3A_775 = arith.addf %while3A_610, %add3A_774 : vector<256x128xf32>
      scf.yield %add3A_775 : vector<256x128xf32>
    }
    %while3A_515 = arith.constant 1 : i32
    %while3A_516 = scf.for %while3A_609 = %while3A_512 to %while3A_508 step %while3A_515 iter_args(%while3A_610 = %while3A_514) -> (vector<256x128xf32>)  : i32 {
      %rem3A_611 = arith.constant 2 : i32
      %rem3A_612 = arith.remsi %while3A_609, %rem3A_611 : i32
      %add3A_613 = arith.constant 1 : i32
      %add3A_614 = arith.addi %while3A_609, %add3A_613 : i32
      %lt3A = arith.cmpi slt, %add3A_614, %select_n3A_498 : i32
      %convert_element_type3A_615 = arith.extui %lt3A : i1 to i32
      %cond3A_616 = arith.constant 0 : i32
      %cond3A_617 = arith.cmpi ne, %convert_element_type3A_615, %cond3A_616 : i32
      scf.if %cond3A_617 {
        %add3A_776 = arith.constant 1 : i32
        %add3A_777 = arith.addi %while3A_609, %add3A_776 : i32
        %add3A_778 = arith.constant 1 : i32
        %add3A_779 = arith.addi %while3A_609, %add3A_778 : i32
        %rem3A_780 = arith.constant 2 : i32
        %rem3A_781 = arith.remsi %add3A_779, %rem3A_780 : i32
        %mul3A_782 = arith.constant 1024 : i32
        %mul3A_783 = arith.muli %add3A_777, %mul3A_782 : i32
        %add3A_784 = arith.addi %get3A_465, %mul3A_783 : i32
        %dma_start3A = tpu.memref_slice %arg32[%rem3A_781] : memref<2x!tpu.dma_semaphore, #tpu.memory_space<semaphore_mem>> -> memref<1x!tpu.dma_semaphore, #tpu.memory_space<semaphore_mem>>
        %dma_start3A_785 = tpu.memref_squeeze %dma_start3A : memref<1x!tpu.dma_semaphore, #tpu.memory_space<semaphore_mem>> -> memref<!tpu.dma_semaphore, #tpu.memory_space<semaphore_mem>>
        %dma_start3A_786 = arith.constant 0 : i32
        %dma_start3A_787 = arith.constant 0 : i32
        %dma_start3A_788 = tpu.memref_slice %arg31[%rem3A_781, %dma_start3A_786, %dma_start3A_787] : memref<2x1024x2xi32, #tpu.memory_space<vmem>> -> memref<1x1024x2xi32, #tpu.memory_space<vmem>>
        %dma_start3A_789 = tpu.memref_squeeze %dma_start3A_788 : memref<1x1024x2xi32, #tpu.memory_space<vmem>> -> memref<1024x2xi32, #tpu.memory_space<vmem>>
        %dma_start3A_790 = arith.constant 0 : i32
        %dma_start3A_791 = tpu.memref_slice %arg2[%add3A_784, %dma_start3A_790] : memref<525312x2xi32, #tpu.memory_space<hbm>> -> memref<1024x2xi32, #tpu.memory_space<hbm>>
        tpu.enqueue_dma source(%dma_start3A_791 : memref<1024x2xi32, #tpu.memory_space<hbm>>) target(%dma_start3A_789 : memref<1024x2xi32, #tpu.memory_space<vmem>>) target_semaphore(%dma_start3A_785 : memref<!tpu.dma_semaphore, #tpu.memory_space<semaphore_mem>>)
      } else {
      }
      %mul3A_618 = arith.constant 1024 : i32
      %mul3A_619 = arith.muli %while3A_609, %mul3A_618 : i32
      %add3A_620 = arith.addi %get3A_465, %mul3A_619 : i32
      %dma_wait3A = tpu.memref_slice %arg32[%rem3A_612] : memref<2x!tpu.dma_semaphore, #tpu.memory_space<semaphore_mem>> -> memref<1x!tpu.dma_semaphore, #tpu.memory_space<semaphore_mem>>
      %dma_wait3A_621 = tpu.memref_squeeze %dma_wait3A : memref<1x!tpu.dma_semaphore, #tpu.memory_space<semaphore_mem>> -> memref<!tpu.dma_semaphore, #tpu.memory_space<semaphore_mem>>
      %dma_wait3A_622 = arith.constant 0 : i32
      %dma_wait3A_623 = arith.constant 0 : i32
      %dma_wait3A_624 = tpu.memref_slice %arg31[%rem3A_612, %dma_wait3A_622, %dma_wait3A_623] : memref<2x1024x2xi32, #tpu.memory_space<vmem>> -> memref<1x1024x2xi32, #tpu.memory_space<vmem>>
      %dma_wait3A_625 = tpu.memref_squeeze %dma_wait3A_624 : memref<1x1024x2xi32, #tpu.memory_space<vmem>> -> memref<1024x2xi32, #tpu.memory_space<vmem>>
      %dma_wait3A_626 = arith.constant 0 : i32
      %dma_wait3A_627 = tpu.memref_slice %arg2[%add3A_620, %dma_wait3A_626] : memref<525312x2xi32, #tpu.memory_space<hbm>> -> memref<1024x2xi32, #tpu.memory_space<hbm>>
      tpu.wait_dma2 semaphore(%dma_wait3A_621 : memref<!tpu.dma_semaphore, #tpu.memory_space<semaphore_mem>>) src(%dma_wait3A_627 : memref<1024x2xi32, #tpu.memory_space<hbm>>) dst(%dma_wait3A_625 : memref<1024x2xi32, #tpu.memory_space<vmem>>)
      %get3A_628 = arith.index_cast %rem3A_612 : i32 to index
      %get3A_629 = arith.constant 0 : index
      %get3A_630 = arith.constant 0 : index
      %get3A_631 = vector.load %arg31[%get3A_628, %get3A_629, %get3A_630] : memref<2x1024x2xi32, #tpu.memory_space<vmem>>, vector<1x1024x2xi32>
      %get3A_632 = vector.shape_cast %get3A_631 : vector<1x1024x2xi32> to vector<1024x2xi32>
      %slice3A_633 = vector.extract_strided_slice %get3A_632 {offsets = [0, 0], sizes = [1024, 1], strides = [1, 1]} : vector<1024x2xi32> to vector<1024x1xi32>
      %mul3A_634 = arith.constant 256 : i32
      %mul3A_635 = arith.muli %arg0, %mul3A_634 : i32
      %sub3A_636 = vector.broadcast %mul3A_635 : i32 to vector<1024x1xi32>
      %sub3A_637 = arith.subi %slice3A_633, %sub3A_636 : vector<1024x1xi32>
      %convert_element_type3A_638 = arith.trunci %sub3A_637 : vector<1024x1xi32> to vector<1024x1xi16>
      %slice3A_639 = vector.extract_strided_slice %get3A_632 {offsets = [0, 1], sizes = [1024, 1], strides = [1, 1]} : vector<1024x2xi32> to vector<1024x1xi32>
      %convert_element_type3A_640 = arith.trunci %slice3A_639 : vector<1024x1xi32> to vector<1024x1xi16>
      %iota3A = tpu.iota {dimensions = array<i32: 1>} : vector<1024x256xi16>
      %eq3A = vector.broadcast %convert_element_type3A_638 : vector<1024x1xi16> to vector<1024x256xi16>
      %eq3A_641 = arith.cmpi eq, %eq3A, %iota3A : vector<1024x256xi16>
      %convert_element_type3A_642 = arith.extui %eq3A_641 : vector<1024x256xi1> to vector<1024x256xi32>
      %convert_element_type3A_643 = arith.sitofp %convert_element_type3A_642 : vector<1024x256xi32> to vector<1024x256xf32>
      %convert_element_type3A_644 = arith.truncf %convert_element_type3A_643 : vector<1024x256xf32> to vector<1024x256xbf16>
      %iota3A_645 = tpu.iota {dimensions = array<i32: 1>} : vector<1024x1024xi16>
      %eq3A_646 = vector.broadcast %convert_element_type3A_640 : vector<1024x1xi16> to vector<1024x1024xi16>
      %eq3A_647 = arith.cmpi eq, %eq3A_646, %iota3A_645 : vector<1024x1024xi16>
      %convert_element_type3A_648 = arith.extui %eq3A_647 : vector<1024x1024xi1> to vector<1024x1024xi32>
      %convert_element_type3A_649 = arith.sitofp %convert_element_type3A_648 : vector<1024x1024xi32> to vector<1024x1024xf32>
      %convert_element_type3A_650 = arith.truncf %convert_element_type3A_649 : vector<1024x1024xf32> to vector<1024x1024xbf16>
      %dot_general3A_651 = arith.constant dense<0.000000e+00> : vector<1024x2xf32>
      %dot_general3A_652 = tpu.matmul %convert_element_type3A_644, %convert_element_type3A_456, %dot_general3A_651 {dimension_numbers = #tpu.dot_dimension_numbers<[1], [0], [0], [1], [0, 0, 1, 1], [], []>, transpose_lhs_hint = false} : vector<1024x256xbf16>, vector<256x2xbf16>, vector<1024x2xf32> -> vector<1024x2xf32>
      %dot_general3A_653 = arith.constant dense<0.000000e+00> : vector<1024x2xf32>
      %dot_general3A_654 = tpu.matmul %convert_element_type3A_644, %convert_element_type3A_459, %dot_general3A_653 {dimension_numbers = #tpu.dot_dimension_numbers<[1], [0], [0], [1], [0, 0, 1, 1], [], []>, transpose_lhs_hint = false} : vector<1024x256xbf16>, vector<256x2xbf16>, vector<1024x2xf32> -> vector<1024x2xf32>
      %add3A_655 = arith.addf %dot_general3A_652, %dot_general3A_654 : vector<1024x2xf32>
      %dot_general3A_656 = arith.constant dense<0.000000e+00> : vector<1024x2xf32>
      %dot_general3A_657 = tpu.matmul %convert_element_type3A_650, %convert_element_type3A_460, %dot_general3A_656 {dimension_numbers = #tpu.dot_dimension_numbers<[1], [0], [0], [1], [0, 0, 1, 1], [], []>, transpose_lhs_hint = false} : vector<1024x1024xbf16>, vector<1024x2xbf16>, vector<1024x2xf32> -> vector<1024x2xf32>
      %dot_general3A_658 = arith.constant dense<0.000000e+00> : vector<1024x2xf32>
      %dot_general3A_659 = tpu.matmul %convert_element_type3A_650, %convert_element_type3A_463, %dot_general3A_658 {dimension_numbers = #tpu.dot_dimension_numbers<[1], [0], [0], [1], [0, 0, 1, 1], [], []>, transpose_lhs_hint = false} : vector<1024x1024xbf16>, vector<1024x2xbf16>, vector<1024x2xf32> -> vector<1024x2xf32>
      %add3A_660 = arith.addf %dot_general3A_657, %dot_general3A_659 : vector<1024x2xf32>
      %sub3A_661 = arith.subf %add3A_655, %add3A_660 : vector<1024x2xf32>
      %slice3A_662 = vector.extract_strided_slice %sub3A_661 {offsets = [0, 0], sizes = [1024, 1], strides = [1, 1]} : vector<1024x2xf32> to vector<1024x1xf32>
      %slice3A_663 = vector.extract_strided_slice %get3A_361 {offsets = [0, 0], sizes = [1, 128], strides = [1, 1]} : vector<2x128xf32> to vector<1x128xf32>
      %mul3A_664 = vector.broadcast %slice3A_662 : vector<1024x1xf32> to vector<1024x128xf32>
      %mul3A_665 = vector.broadcast %slice3A_663 : vector<1x128xf32> to vector<1024x128xf32>
      %mul3A_666 = arith.mulf %mul3A_664, %mul3A_665 : vector<1024x128xf32>
      %slice3A_667 = vector.extract_strided_slice %sub3A_661 {offsets = [0, 1], sizes = [1024, 1], strides = [1, 1]} : vector<1024x2xf32> to vector<1024x1xf32>
      %slice3A_668 = vector.extract_strided_slice %get3A_361 {offsets = [1, 0], sizes = [1, 128], strides = [1, 1]} : vector<2x128xf32> to vector<1x128xf32>
      %mul3A_669 = vector.broadcast %slice3A_667 : vector<1024x1xf32> to vector<1024x128xf32>
      %mul3A_670 = vector.broadcast %slice3A_668 : vector<1x128xf32> to vector<1024x128xf32>
      %mul3A_671 = arith.mulf %mul3A_669, %mul3A_670 : vector<1024x128xf32>
      %add3A_672 = arith.addf %mul3A_666, %mul3A_671 : vector<1024x128xf32>
      %add3A_673 = vector.broadcast %slice3A_375 : vector<1x128xf32> to vector<1024x128xf32>
      %add3A_674 = arith.addf %add3A_672, %add3A_673 : vector<1024x128xf32>
      %max3A_675 = arith.constant 0.000000e+00 : f32
      %max3A_676 = vector.broadcast %max3A_675 : f32 to vector<1024x128xf32>
      %max3A_677 = arith.maximumf %add3A_674, %max3A_676 : vector<1024x128xf32>
      %slice3A_678 = vector.extract_strided_slice %get3A_349 {offsets = [0, 0], sizes = [128, 128], strides = [1, 1]} : vector<256x128xbf16> to vector<128x128xbf16>
      %slice3A_679 = vector.extract_strided_slice %get3A_349 {offsets = [128, 0], sizes = [128, 128], strides = [1, 1]} : vector<256x128xbf16> to vector<128x128xbf16>
      %convert_element_type3A_680 = arith.truncf %max3A_677 : vector<1024x128xf32> to vector<1024x128xbf16>
      %dot_general3A_681 = arith.constant dense<0.000000e+00> : vector<1024x128xf32>
      %dot_general3A_682 = tpu.matmul %convert_element_type3A_680, %slice3A_678, %dot_general3A_681 {dimension_numbers = #tpu.dot_dimension_numbers<[1], [0], [0], [1], [0, 0, 1, 1], [], []>, transpose_lhs_hint = false} : vector<1024x128xbf16>, vector<128x128xbf16>, vector<1024x128xf32> -> vector<1024x128xf32>
      %dot_general3A_683 = arith.constant dense<0.000000e+00> : vector<1024x128xf32>
      %dot_general3A_684 = tpu.matmul %convert_element_type3A_680, %slice3A_679, %dot_general3A_683 {dimension_numbers = #tpu.dot_dimension_numbers<[1], [0], [0], [1], [0, 0, 1, 1], [], []>, transpose_lhs_hint = false} : vector<1024x128xbf16>, vector<128x128xbf16>, vector<1024x128xf32> -> vector<1024x128xf32>
      %add3A_685 = arith.addf %dot_general3A_682, %dot_general3A_684 : vector<1024x128xf32>
      %reduce_sum3A_686 = arith.constant dense<0.000000e+00> : vector<1024xf32>
      %reduce_sum3A_687 = vector.multi_reduction <add>, %add3A_685, %reduce_sum3A_686 [1] : vector<1024x128xf32> to vector<1024xf32>
      %broadcast_in_dim3A_688 = vector.shape_cast %reduce_sum3A_687 : vector<1024xf32> to vector<1024x1xf32>
      %div3A_689 = arith.constant 1.280000e+02 : f32
      %div3A_690 = vector.broadcast %div3A_689 : f32 to vector<1024x1xf32>
      %div3A_691 = arith.divf %broadcast_in_dim3A_688, %div3A_690 : vector<1024x1xf32>
      %sub3A_692 = vector.broadcast %div3A_691 : vector<1024x1xf32> to vector<1024x128xf32>
      %sub3A_693 = arith.subf %add3A_685, %sub3A_692 : vector<1024x128xf32>
      %integer_pow3A_694 = arith.mulf %sub3A_693, %sub3A_693 : vector<1024x128xf32>
      %reduce_sum3A_695 = arith.constant dense<0.000000e+00> : vector<1024xf32>
      %reduce_sum3A_696 = vector.multi_reduction <add>, %integer_pow3A_694, %reduce_sum3A_695 [1] : vector<1024x128xf32> to vector<1024xf32>
      %broadcast_in_dim3A_697 = vector.shape_cast %reduce_sum3A_696 : vector<1024xf32> to vector<1024x1xf32>
      %div3A_698 = arith.constant 1.280000e+02 : f32
      %div3A_699 = vector.broadcast %div3A_698 : f32 to vector<1024x1xf32>
      %div3A_700 = arith.divf %broadcast_in_dim3A_697, %div3A_699 : vector<1024x1xf32>
      %sub3A_701 = vector.broadcast %div3A_691 : vector<1024x1xf32> to vector<1024x128xf32>
      %sub3A_702 = arith.subf %add3A_685, %sub3A_701 : vector<1024x128xf32>
      %add3A_703 = arith.constant 9.99999974E-6 : f32
      %add3A_704 = vector.broadcast %add3A_703 : f32 to vector<1024x1xf32>
      %add3A_705 = arith.addf %div3A_700, %add3A_704 : vector<1024x1xf32>
      %sqrt3A_706 = math.sqrt %add3A_705 : vector<1024x1xf32>
      %div3A_707 = vector.broadcast %sqrt3A_706 : vector<1024x1xf32> to vector<1024x128xf32>
      %div3A_708 = arith.divf %sub3A_702, %div3A_707 : vector<1024x128xf32>
      %mul3A_709 = vector.broadcast %slice3A_365 : vector<1x128xf32> to vector<1024x128xf32>
      %mul3A_710 = arith.mulf %div3A_708, %mul3A_709 : vector<1024x128xf32>
      %add3A_711 = vector.broadcast %slice3A_366 : vector<1x128xf32> to vector<1024x128xf32>
      %add3A_712 = arith.addf %mul3A_710, %add3A_711 : vector<1024x128xf32>
      %max3A_713 = arith.constant 0.000000e+00 : f32
      %max3A_714 = vector.broadcast %max3A_713 : f32 to vector<1024x128xf32>
      %max3A_715 = arith.maximumf %add3A_712, %max3A_714 : vector<1024x128xf32>
      %slice3A_716 = vector.extract_strided_slice %get3A_346 {offsets = [0, 0], sizes = [128, 128], strides = [1, 1]} : vector<256x128xbf16> to vector<128x128xbf16>
      %slice3A_717 = vector.extract_strided_slice %get3A_346 {offsets = [128, 0], sizes = [128, 128], strides = [1, 1]} : vector<256x128xbf16> to vector<128x128xbf16>
      %convert_element_type3A_718 = arith.truncf %max3A_715 : vector<1024x128xf32> to vector<1024x128xbf16>
      %dot_general3A_719 = arith.constant dense<0.000000e+00> : vector<1024x128xf32>
      %dot_general3A_720 = tpu.matmul %convert_element_type3A_718, %slice3A_716, %dot_general3A_719 {dimension_numbers = #tpu.dot_dimension_numbers<[1], [0], [0], [1], [0, 0, 1, 1], [], []>, transpose_lhs_hint = false} : vector<1024x128xbf16>, vector<128x128xbf16>, vector<1024x128xf32> -> vector<1024x128xf32>
      %dot_general3A_721 = arith.constant dense<0.000000e+00> : vector<1024x128xf32>
      %dot_general3A_722 = tpu.matmul %convert_element_type3A_718, %slice3A_717, %dot_general3A_721 {dimension_numbers = #tpu.dot_dimension_numbers<[1], [0], [0], [1], [0, 0, 1, 1], [], []>, transpose_lhs_hint = false} : vector<1024x128xbf16>, vector<128x128xbf16>, vector<1024x128xf32> -> vector<1024x128xf32>
      %add3A_723 = arith.addf %dot_general3A_720, %dot_general3A_722 : vector<1024x128xf32>
      %dot_general3A_724 = arith.constant dense<0.000000e+00> : vector<1024x128xf32>
      %dot_general3A_725 = tpu.matmul %convert_element_type3A_644, %convert_element_type3A_448, %dot_general3A_724 {dimension_numbers = #tpu.dot_dimension_numbers<[1], [0], [0], [1], [0, 0, 1, 1], [], []>, transpose_lhs_hint = false} : vector<1024x256xbf16>, vector<256x128xbf16>, vector<1024x128xf32> -> vector<1024x128xf32>
      %dot_general3A_726 = arith.constant dense<0.000000e+00> : vector<1024x128xf32>
      %dot_general3A_727 = tpu.matmul %convert_element_type3A_644, %convert_element_type3A_451, %dot_general3A_726 {dimension_numbers = #tpu.dot_dimension_numbers<[1], [0], [0], [1], [0, 0, 1, 1], [], []>, transpose_lhs_hint = false} : vector<1024x256xbf16>, vector<256x128xbf16>, vector<1024x128xf32> -> vector<1024x128xf32>
      %add3A_728 = arith.addf %dot_general3A_725, %dot_general3A_727 : vector<1024x128xf32>
      %add3A_729 = arith.addf %add3A_723, %add3A_728 : vector<1024x128xf32>
      %dot_general3A_730 = arith.constant dense<0.000000e+00> : vector<1024x128xf32>
      %dot_general3A_731 = tpu.matmul %convert_element_type3A_650, %convert_element_type3A_452, %dot_general3A_730 {dimension_numbers = #tpu.dot_dimension_numbers<[1], [0], [0], [1], [0, 0, 1, 1], [], []>, transpose_lhs_hint = false} : vector<1024x1024xbf16>, vector<1024x128xbf16>, vector<1024x128xf32> -> vector<1024x128xf32>
      %dot_general3A_732 = arith.constant dense<0.000000e+00> : vector<1024x128xf32>
      %dot_general3A_733 = tpu.matmul %convert_element_type3A_650, %convert_element_type3A_455, %dot_general3A_732 {dimension_numbers = #tpu.dot_dimension_numbers<[1], [0], [0], [1], [0, 0, 1, 1], [], []>, transpose_lhs_hint = false} : vector<1024x1024xbf16>, vector<1024x128xbf16>, vector<1024x128xf32> -> vector<1024x128xf32>
      %add3A_734 = arith.addf %dot_general3A_731, %dot_general3A_733 : vector<1024x128xf32>
      %add3A_735 = arith.addf %add3A_729, %add3A_734 : vector<1024x128xf32>
      %reduce_sum3A_736 = arith.constant dense<0.000000e+00> : vector<1024xf32>
      %reduce_sum3A_737 = vector.multi_reduction <add>, %add3A_735, %reduce_sum3A_736 [1] : vector<1024x128xf32> to vector<1024xf32>
      %broadcast_in_dim3A_738 = vector.shape_cast %reduce_sum3A_737 : vector<1024xf32> to vector<1024x1xf32>
      %div3A_739 = arith.constant 1.280000e+02 : f32
      %div3A_740 = vector.broadcast %div3A_739 : f32 to vector<1024x1xf32>
      %div3A_741 = arith.divf %broadcast_in_dim3A_738, %div3A_740 : vector<1024x1xf32>
      %sub3A_742 = vector.broadcast %div3A_741 : vector<1024x1xf32> to vector<1024x128xf32>
      %sub3A_743 = arith.subf %add3A_735, %sub3A_742 : vector<1024x128xf32>
      %integer_pow3A_744 = arith.mulf %sub3A_743, %sub3A_743 : vector<1024x128xf32>
      %reduce_sum3A_745 = arith.constant dense<0.000000e+00> : vector<1024xf32>
      %reduce_sum3A_746 = vector.multi_reduction <add>, %integer_pow3A_744, %reduce_sum3A_745 [1] : vector<1024x128xf32> to vector<1024xf32>
      %broadcast_in_dim3A_747 = vector.shape_cast %reduce_sum3A_746 : vector<1024xf32> to vector<1024x1xf32>
      %div3A_748 = arith.constant 1.280000e+02 : f32
      %div3A_749 = vector.broadcast %div3A_748 : f32 to vector<1024x1xf32>
      %div3A_750 = arith.divf %broadcast_in_dim3A_747, %div3A_749 : vector<1024x1xf32>
      %sub3A_751 = vector.broadcast %div3A_741 : vector<1024x1xf32> to vector<1024x128xf32>
      %sub3A_752 = arith.subf %add3A_735, %sub3A_751 : vector<1024x128xf32>
      %add3A_753 = arith.constant 9.99999974E-6 : f32
      %add3A_754 = vector.broadcast %add3A_753 : f32 to vector<1024x1xf32>
      %add3A_755 = arith.addf %div3A_750, %add3A_754 : vector<1024x1xf32>
      %sqrt3A_756 = math.sqrt %add3A_755 : vector<1024x1xf32>
      %div3A_757 = vector.broadcast %sqrt3A_756 : vector<1024x1xf32> to vector<1024x128xf32>
      %div3A_758 = arith.divf %sub3A_752, %div3A_757 : vector<1024x128xf32>
      %mul3A_759 = vector.broadcast %slice3A_369 : vector<1x128xf32> to vector<1024x128xf32>
      %mul3A_760 = arith.mulf %div3A_758, %mul3A_759 : vector<1024x128xf32>
      %add3A_761 = vector.broadcast %slice3A_370 : vector<1x128xf32> to vector<1024x128xf32>
      %add3A_762 = arith.addf %mul3A_760, %add3A_761 : vector<1024x128xf32>
      %max3A_763 = arith.constant 0.000000e+00 : f32
      %max3A_764 = vector.broadcast %max3A_763 : f32 to vector<1024x128xf32>
      %max3A_765 = arith.maximumf %add3A_762, %max3A_764 : vector<1024x128xf32>
      %convert_element_type3A_766 = arith.truncf %max3A_765 : vector<1024x128xf32> to vector<1024x128xbf16>
      %convert_element_type3A_767 = arith.extf %convert_element_type3A_766 : vector<1024x128xbf16> to vector<1024x128xf32>
      %sub3A_768 = arith.subf %max3A_765, %convert_element_type3A_767 : vector<1024x128xf32>
      %convert_element_type3A_769 = arith.truncf %sub3A_768 : vector<1024x128xf32> to vector<1024x128xbf16>
      %dot_general3A_770 = arith.constant dense<0.000000e+00> : vector<256x128xf32>
      %dot_general3A_771 = tpu.matmul %convert_element_type3A_644, %convert_element_type3A_766, %dot_general3A_770 {dimension_numbers = #tpu.dot_dimension_numbers<[0], [0], [1], [1], [0, 1, 1, 1], [], []>, transpose_lhs_hint = false} : vector<1024x256xbf16>, vector<1024x128xbf16>, vector<256x128xf32> -> vector<256x128xf32>
      %dot_general3A_772 = arith.constant dense<0.000000e+00> : vector<256x128xf32>
      %dot_general3A_773 = tpu.matmul %convert_element_type3A_644, %convert_element_type3A_769, %dot_general3A_772 {dimension_numbers = #tpu.dot_dimension_numbers<[0], [0], [1], [1], [0, 1, 1, 1], [], []>, transpose_lhs_hint = false} : vector<1024x256xbf16>, vector<1024x128xbf16>, vector<256x128xf32> -> vector<256x128xf32>
      %add3A_774 = arith.addf %dot_general3A_771, %dot_general3A_773 : vector<256x128xf32>
      %add3A_775 = arith.addf %while3A_610, %add3A_774 : vector<256x128xf32>
      scf.yield %add3A_775 : vector<256x128xf32>
    }
    %slice3A_517 = vector.extract_strided_slice %get3A_352 {offsets = [0, 0], sizes = [128, 128], strides = [1, 1]} : vector<256x128xbf16> to vector<128x128xbf16>
    %slice3A_518 = vector.extract_strided_slice %get3A_352 {offsets = [128, 0], sizes = [128, 128], strides = [1, 1]} : vector<256x128xbf16> to vector<128x128xbf16>
    %convert_element_type3A_519 = arith.truncf %while3A_516 : vector<256x128xf32> to vector<256x128xbf16>
    %convert_element_type3A_520 = arith.extf %convert_element_type3A_519 : vector<256x128xbf16> to vector<256x128xf32>
    %sub3A_521 = arith.subf %while3A_516, %convert_element_type3A_520 : vector<256x128xf32>
    %convert_element_type3A_522 = arith.truncf %sub3A_521 : vector<256x128xf32> to vector<256x128xbf16>
    %dot_general3A_523 = arith.constant dense<0.000000e+00> : vector<256x128xf32>
    %dot_general3A_524 = tpu.matmul %convert_element_type3A_519, %slice3A_517, %dot_general3A_523 {dimension_numbers = #tpu.dot_dimension_numbers<[1], [0], [0], [1], [0, 0, 1, 1], [], []>, transpose_lhs_hint = false} : vector<256x128xbf16>, vector<128x128xbf16>, vector<256x128xf32> -> vector<256x128xf32>
    %dot_general3A_525 = arith.constant dense<0.000000e+00> : vector<256x128xf32>
    %dot_general3A_526 = tpu.matmul %convert_element_type3A_519, %slice3A_518, %dot_general3A_525 {dimension_numbers = #tpu.dot_dimension_numbers<[1], [0], [0], [1], [0, 0, 1, 1], [], []>, transpose_lhs_hint = false} : vector<256x128xbf16>, vector<128x128xbf16>, vector<256x128xf32> -> vector<256x128xf32>
    %dot_general3A_527 = arith.constant dense<0.000000e+00> : vector<256x128xf32>
    %dot_general3A_528 = tpu.matmul %convert_element_type3A_522, %slice3A_517, %dot_general3A_527 {dimension_numbers = #tpu.dot_dimension_numbers<[1], [0], [0], [1], [0, 0, 1, 1], [], []>, transpose_lhs_hint = false} : vector<256x128xbf16>, vector<128x128xbf16>, vector<256x128xf32> -> vector<256x128xf32>
    %add3A_529 = arith.addf %dot_general3A_526, %dot_general3A_528 : vector<256x128xf32>
    %add3A_530 = arith.addf %dot_general3A_524, %add3A_529 : vector<256x128xf32>
    %add3A_531 = arith.addf %add3A_447, %add3A_530 : vector<256x128xf32>
    %reduce_sum3A_532 = arith.constant dense<0.000000e+00> : vector<256xf32>
    %reduce_sum3A_533 = vector.multi_reduction <add>, %add3A_531, %reduce_sum3A_532 [1] : vector<256x128xf32> to vector<256xf32>
    %broadcast_in_dim3A_534 = vector.shape_cast %reduce_sum3A_533 : vector<256xf32> to vector<256x1xf32>
    %div3A_535 = arith.constant 1.280000e+02 : f32
    %div3A_536 = vector.broadcast %div3A_535 : f32 to vector<256x1xf32>
    %div3A_537 = arith.divf %broadcast_in_dim3A_534, %div3A_536 : vector<256x1xf32>
    %sub3A_538 = vector.broadcast %div3A_537 : vector<256x1xf32> to vector<256x128xf32>
    %sub3A_539 = arith.subf %add3A_531, %sub3A_538 : vector<256x128xf32>
    %integer_pow3A_540 = arith.mulf %sub3A_539, %sub3A_539 : vector<256x128xf32>
    %reduce_sum3A_541 = arith.constant dense<0.000000e+00> : vector<256xf32>
    %reduce_sum3A_542 = vector.multi_reduction <add>, %integer_pow3A_540, %reduce_sum3A_541 [1] : vector<256x128xf32> to vector<256xf32>
    %broadcast_in_dim3A_543 = vector.shape_cast %reduce_sum3A_542 : vector<256xf32> to vector<256x1xf32>
    %div3A_544 = arith.constant 1.280000e+02 : f32
    %div3A_545 = vector.broadcast %div3A_544 : f32 to vector<256x1xf32>
    %div3A_546 = arith.divf %broadcast_in_dim3A_543, %div3A_545 : vector<256x1xf32>
    %sub3A_547 = vector.broadcast %div3A_537 : vector<256x1xf32> to vector<256x128xf32>
    %sub3A_548 = arith.subf %add3A_531, %sub3A_547 : vector<256x128xf32>
    %add3A_549 = arith.constant 9.99999974E-6 : f32
    %add3A_550 = vector.broadcast %add3A_549 : f32 to vector<256x1xf32>
    %add3A_551 = arith.addf %div3A_546, %add3A_550 : vector<256x1xf32>
    %sqrt3A_552 = math.sqrt %add3A_551 : vector<256x1xf32>
    %div3A_553 = vector.broadcast %sqrt3A_552 : vector<256x1xf32> to vector<256x128xf32>
    %div3A_554 = arith.divf %sub3A_548, %div3A_553 : vector<256x128xf32>
    %mul3A_555 = vector.broadcast %slice3A_371 : vector<1x128xf32> to vector<256x128xf32>
    %mul3A_556 = arith.mulf %div3A_554, %mul3A_555 : vector<256x128xf32>
    %add3A_557 = vector.broadcast %slice3A_372 : vector<1x128xf32> to vector<256x128xf32>
    %add3A_558 = arith.addf %mul3A_556, %add3A_557 : vector<256x128xf32>
    %max3A_559 = arith.constant 0.000000e+00 : f32
    %max3A_560 = vector.broadcast %max3A_559 : f32 to vector<256x128xf32>
    %max3A_561 = arith.maximumf %add3A_558, %max3A_560 : vector<256x128xf32>
    %slice3A_562 = vector.extract_strided_slice %get3A_358 {offsets = [0, 0], sizes = [128, 128], strides = [1, 1]} : vector<256x128xbf16> to vector<128x128xbf16>
    %slice3A_563 = vector.extract_strided_slice %get3A_358 {offsets = [128, 0], sizes = [128, 128], strides = [1, 1]} : vector<256x128xbf16> to vector<128x128xbf16>
    %convert_element_type3A_564 = arith.truncf %max3A_561 : vector<256x128xf32> to vector<256x128xbf16>
    %convert_element_type3A_565 = arith.extf %convert_element_type3A_564 : vector<256x128xbf16> to vector<256x128xf32>
    %sub3A_566 = arith.subf %max3A_561, %convert_element_type3A_565 : vector<256x128xf32>
    %convert_element_type3A_567 = arith.truncf %sub3A_566 : vector<256x128xf32> to vector<256x128xbf16>
    %dot_general3A_568 = arith.constant dense<0.000000e+00> : vector<256x128xf32>
    %dot_general3A_569 = tpu.matmul %convert_element_type3A_564, %slice3A_562, %dot_general3A_568 {dimension_numbers = #tpu.dot_dimension_numbers<[1], [0], [0], [1], [0, 0, 1, 1], [], []>, transpose_lhs_hint = false} : vector<256x128xbf16>, vector<128x128xbf16>, vector<256x128xf32> -> vector<256x128xf32>
    %dot_general3A_570 = arith.constant dense<0.000000e+00> : vector<256x128xf32>
    %dot_general3A_571 = tpu.matmul %convert_element_type3A_564, %slice3A_563, %dot_general3A_570 {dimension_numbers = #tpu.dot_dimension_numbers<[1], [0], [0], [1], [0, 0, 1, 1], [], []>, transpose_lhs_hint = false} : vector<256x128xbf16>, vector<128x128xbf16>, vector<256x128xf32> -> vector<256x128xf32>
    %dot_general3A_572 = arith.constant dense<0.000000e+00> : vector<256x128xf32>
    %dot_general3A_573 = tpu.matmul %convert_element_type3A_567, %slice3A_562, %dot_general3A_572 {dimension_numbers = #tpu.dot_dimension_numbers<[1], [0], [0], [1], [0, 0, 1, 1], [], []>, transpose_lhs_hint = false} : vector<256x128xbf16>, vector<128x128xbf16>, vector<256x128xf32> -> vector<256x128xf32>
    %add3A_574 = arith.addf %dot_general3A_571, %dot_general3A_573 : vector<256x128xf32>
    %add3A_575 = arith.addf %dot_general3A_569, %add3A_574 : vector<256x128xf32>
    %reduce_sum3A_576 = arith.constant dense<0.000000e+00> : vector<256xf32>
    %reduce_sum3A_577 = vector.multi_reduction <add>, %add3A_575, %reduce_sum3A_576 [1] : vector<256x128xf32> to vector<256xf32>
    %broadcast_in_dim3A_578 = vector.shape_cast %reduce_sum3A_577 : vector<256xf32> to vector<256x1xf32>
    %div3A_579 = arith.constant 1.280000e+02 : f32
    %div3A_580 = vector.broadcast %div3A_579 : f32 to vector<256x1xf32>
    %div3A_581 = arith.divf %broadcast_in_dim3A_578, %div3A_580 : vector<256x1xf32>
    %sub3A_582 = vector.broadcast %div3A_581 : vector<256x1xf32> to vector<256x128xf32>
    %sub3A_583 = arith.subf %add3A_575, %sub3A_582 : vector<256x128xf32>
    %integer_pow3A_584 = arith.mulf %sub3A_583, %sub3A_583 : vector<256x128xf32>
    %reduce_sum3A_585 = arith.constant dense<0.000000e+00> : vector<256xf32>
    %reduce_sum3A_586 = vector.multi_reduction <add>, %integer_pow3A_584, %reduce_sum3A_585 [1] : vector<256x128xf32> to vector<256xf32>
    %broadcast_in_dim3A_587 = vector.shape_cast %reduce_sum3A_586 : vector<256xf32> to vector<256x1xf32>
    %div3A_588 = arith.constant 1.280000e+02 : f32
    %div3A_589 = vector.broadcast %div3A_588 : f32 to vector<256x1xf32>
    %div3A_590 = arith.divf %broadcast_in_dim3A_587, %div3A_589 : vector<256x1xf32>
    %sub3A_591 = vector.broadcast %div3A_581 : vector<256x1xf32> to vector<256x128xf32>
    %sub3A_592 = arith.subf %add3A_575, %sub3A_591 : vector<256x128xf32>
    %add3A_593 = arith.constant 9.99999974E-6 : f32
    %add3A_594 = vector.broadcast %add3A_593 : f32 to vector<256x1xf32>
    %add3A_595 = arith.addf %div3A_590, %add3A_594 : vector<256x1xf32>
    %sqrt3A_596 = math.sqrt %add3A_595 : vector<256x1xf32>
    %div3A_597 = vector.broadcast %sqrt3A_596 : vector<256x1xf32> to vector<256x128xf32>
    %div3A_598 = arith.divf %sub3A_592, %div3A_597 : vector<256x128xf32>
    %mul3A_599 = vector.broadcast %slice3A_373 : vector<1x128xf32> to vector<256x128xf32>
    %mul3A_600 = arith.mulf %div3A_598, %mul3A_599 : vector<256x128xf32>
    %add3A_601 = vector.broadcast %slice3A_374 : vector<1x128xf32> to vector<256x128xf32>
    %add3A_602 = arith.addf %mul3A_600, %add3A_601 : vector<256x128xf32>
    %add3A_603 = arith.addf %add3A_602, %max3A_331 : vector<256x128xf32>
    %max3A_604 = arith.constant 0.000000e+00 : f32
    %max3A_605 = vector.broadcast %max3A_604 : f32 to vector<256x128xf32>
    %max3A_606 = arith.maximumf %add3A_603, %max3A_605 : vector<256x128xf32>
    %swap3A = arith.constant 0 : index
    %swap3A_607 = arith.constant 0 : index
    %swap3A_608 = vector.load %arg30[%swap3A, %swap3A_607] : memref<256x128xf32, #tpu.memory_space<vmem>>, vector<256x128xf32>
    tpu.vector_store %arg30[%swap3A, %swap3A_607], %max3A_606 {strides = array<i32>} : memref<256x128xf32, #tpu.memory_space<vmem>>, vector<256x128xf32>,
    return
  }
  func.func @transform_1(%arg0: i32, %arg1: memref<197xi32, #tpu.memory_space<smem>>) -> (i32, i32) {
    %c0_i32 = arith.constant 0 : i32
    %c0_i32_0 = arith.constant 0 : i32
    return %arg0, %c0_i32 : i32, i32
  }
  func.func @transform_2(%arg0: i32, %arg1: memref<197xi32, #tpu.memory_space<smem>>) -> (i32, i32) {
    %c0_i32 = arith.constant 0 : i32
    %c0_i32_0 = arith.constant 0 : i32
    return %arg0, %c0_i32 : i32, i32
  }
  func.func @transform_3(%arg0: i32, %arg1: memref<197xi32, #tpu.memory_space<smem>>) -> (i32, i32) {
    %c0_i32 = arith.constant 0 : i32
    %c0_i32_0 = arith.constant 0 : i32
    return %arg0, %c0_i32 : i32, i32
  }
  func.func @transform_4(%arg0: i32, %arg1: memref<197xi32, #tpu.memory_space<smem>>) -> (i32, i32) {
    %c0_i32 = arith.constant 0 : i32
    %c0_i32_0 = arith.constant 0 : i32
    %c0_i32_1 = arith.constant 0 : i32
    return %c0_i32, %c0_i32_0 : i32, i32
  }
  func.func @transform_5(%arg0: i32, %arg1: memref<197xi32, #tpu.memory_space<smem>>) -> (i32, i32) {
    %c0_i32 = arith.constant 0 : i32
    %c0_i32_0 = arith.constant 0 : i32
    %c0_i32_1 = arith.constant 0 : i32
    return %c0_i32, %c0_i32_0 : i32, i32
  }
  func.func @transform_6(%arg0: i32, %arg1: memref<197xi32, #tpu.memory_space<smem>>) -> (i32, i32) {
    %c0_i32 = arith.constant 0 : i32
    %c0_i32_0 = arith.constant 0 : i32
    %c0_i32_1 = arith.constant 0 : i32
    return %c0_i32, %c0_i32_0 : i32, i32
  }
  func.func @transform_7(%arg0: i32, %arg1: memref<197xi32, #tpu.memory_space<smem>>) -> (i32, i32) {
    %c0_i32 = arith.constant 0 : i32
    %c0_i32_0 = arith.constant 0 : i32
    %c0_i32_1 = arith.constant 0 : i32
    return %c0_i32, %c0_i32_0 : i32, i32
  }
  func.func @transform_8(%arg0: i32, %arg1: memref<197xi32, #tpu.memory_space<smem>>) -> (i32, i32) {
    %c0_i32 = arith.constant 0 : i32
    %c0_i32_0 = arith.constant 0 : i32
    %c0_i32_1 = arith.constant 0 : i32
    return %c0_i32, %c0_i32_0 : i32, i32
  }
  func.func @transform_9(%arg0: i32, %arg1: memref<197xi32, #tpu.memory_space<smem>>) -> (i32, i32) {
    %c0_i32 = arith.constant 0 : i32
    %c0_i32_0 = arith.constant 0 : i32
    %c0_i32_1 = arith.constant 0 : i32
    return %c0_i32, %c0_i32_0 : i32, i32
  }
  func.func @transform_10(%arg0: i32, %arg1: memref<197xi32, #tpu.memory_space<smem>>) -> (i32, i32) {
    %c0_i32 = arith.constant 0 : i32
    %c0_i32_0 = arith.constant 0 : i32
    %c0_i32_1 = arith.constant 0 : i32
    return %c0_i32, %c0_i32_0 : i32, i32
  }
  func.func @transform_11(%arg0: i32, %arg1: memref<197xi32, #tpu.memory_space<smem>>) -> (i32, i32) {
    %c0_i32 = arith.constant 0 : i32
    %c0_i32_0 = arith.constant 0 : i32
    %c0_i32_1 = arith.constant 0 : i32
    return %c0_i32, %c0_i32_0 : i32, i32
  }
  func.func @transform_12(%arg0: i32, %arg1: memref<197xi32, #tpu.memory_space<smem>>) -> (i32, i32) {
    %c0_i32 = arith.constant 0 : i32
    %c0_i32_0 = arith.constant 0 : i32
    %c0_i32_1 = arith.constant 0 : i32
    return %c0_i32, %c0_i32_0 : i32, i32
  }
  func.func @transform_13(%arg0: i32, %arg1: memref<197xi32, #tpu.memory_space<smem>>) -> (i32, i32) {
    %c0_i32 = arith.constant 0 : i32
    %c0_i32_0 = arith.constant 0 : i32
    %c0_i32_1 = arith.constant 0 : i32
    return %c0_i32, %c0_i32_0 : i32, i32
  }
  func.func @transform_14(%arg0: i32, %arg1: memref<197xi32, #tpu.memory_space<smem>>) -> (i32, i32) {
    %c0_i32 = arith.constant 0 : i32
    %c0_i32_0 = arith.constant 0 : i32
    %c0_i32_1 = arith.constant 0 : i32
    return %c0_i32, %c0_i32_0 : i32, i32
  }
  func.func @transform_15(%arg0: i32, %arg1: memref<197xi32, #tpu.memory_space<smem>>) -> (i32, i32) {
    %c0_i32 = arith.constant 0 : i32
    %c0_i32_0 = arith.constant 0 : i32
    %c0_i32_1 = arith.constant 0 : i32
    return %c0_i32, %c0_i32_0 : i32, i32
  }
  func.func @transform_16(%arg0: i32, %arg1: memref<197xi32, #tpu.memory_space<smem>>) -> (i32, i32) {
    %c0_i32 = arith.constant 0 : i32
    %c0_i32_0 = arith.constant 0 : i32
    %c0_i32_1 = arith.constant 0 : i32
    return %c0_i32, %c0_i32_0 : i32, i32
  }
  func.func @transform_17(%arg0: i32, %arg1: memref<197xi32, #tpu.memory_space<smem>>) -> (i32, i32) {
    %c0_i32 = arith.constant 0 : i32
    %c0_i32_0 = arith.constant 0 : i32
    %c0_i32_1 = arith.constant 0 : i32
    return %c0_i32, %c0_i32_0 : i32, i32
  }
  func.func @transform_18(%arg0: i32, %arg1: memref<197xi32, #tpu.memory_space<smem>>) -> (i32, i32) {
    %c0_i32 = arith.constant 0 : i32
    %c0_i32_0 = arith.constant 0 : i32
    %c0_i32_1 = arith.constant 0 : i32
    return %c0_i32, %c0_i32_0 : i32, i32
  }
  func.func @transform_19(%arg0: i32, %arg1: memref<197xi32, #tpu.memory_space<smem>>) -> (i32, i32) {
    %c0_i32 = arith.constant 0 : i32
    %c0_i32_0 = arith.constant 0 : i32
    %c0_i32_1 = arith.constant 0 : i32
    return %c0_i32, %c0_i32_0 : i32, i32
  }
  func.func @transform_20(%arg0: i32, %arg1: memref<197xi32, #tpu.memory_space<smem>>) -> (i32, i32) {
    %c0_i32 = arith.constant 0 : i32
    %c0_i32_0 = arith.constant 0 : i32
    %c0_i32_1 = arith.constant 0 : i32
    return %c0_i32, %c0_i32_0 : i32, i32
  }
  func.func @transform_21(%arg0: i32, %arg1: memref<197xi32, #tpu.memory_space<smem>>) -> (i32, i32) {
    %c0_i32 = arith.constant 0 : i32
    %c0_i32_0 = arith.constant 0 : i32
    %c0_i32_1 = arith.constant 0 : i32
    return %c0_i32, %c0_i32_0 : i32, i32
  }
  func.func @transform_22(%arg0: i32, %arg1: memref<197xi32, #tpu.memory_space<smem>>) -> (i32, i32) {
    %c0_i32 = arith.constant 0 : i32
    %c0_i32_0 = arith.constant 0 : i32
    %c0_i32_1 = arith.constant 0 : i32
    return %c0_i32, %c0_i32_0 : i32, i32
  }
  func.func @transform_23(%arg0: i32, %arg1: memref<197xi32, #tpu.memory_space<smem>>) -> (i32, i32) {
    %c0_i32 = arith.constant 0 : i32
    %c0_i32_0 = arith.constant 0 : i32
    %c0_i32_1 = arith.constant 0 : i32
    return %c0_i32, %c0_i32_0 : i32, i32
  }
  func.func @transform_24(%arg0: i32, %arg1: memref<197xi32, #tpu.memory_space<smem>>) -> (i32, i32) {
    %c0_i32 = arith.constant 0 : i32
    %c0_i32_0 = arith.constant 0 : i32
    %c0_i32_1 = arith.constant 0 : i32
    return %c0_i32, %c0_i32_0 : i32, i32
  }
  func.func @transform_25(%arg0: i32, %arg1: memref<197xi32, #tpu.memory_space<smem>>) -> (i32, i32) {
    %c0_i32 = arith.constant 0 : i32
    %c0_i32_0 = arith.constant 0 : i32
    %c0_i32_1 = arith.constant 0 : i32
    return %c0_i32, %c0_i32_0 : i32, i32
  }
  func.func @transform_26(%arg0: i32, %arg1: memref<197xi32, #tpu.memory_space<smem>>) -> (i32, i32) {
    %c0_i32 = arith.constant 0 : i32
    %c0_i32_0 = arith.constant 0 : i32
    %c0_i32_1 = arith.constant 0 : i32
    return %c0_i32, %c0_i32_0 : i32, i32
  }
  func.func @transform_27(%arg0: i32, %arg1: memref<197xi32, #tpu.memory_space<smem>>) -> (i32, i32) {
    %c0_i32 = arith.constant 0 : i32
    %c0_i32_0 = arith.constant 0 : i32
    %c0_i32_1 = arith.constant 0 : i32
    return %c0_i32, %c0_i32_0 : i32, i32
  }
  func.func @transform_28(%arg0: i32, %arg1: memref<197xi32, #tpu.memory_space<smem>>) -> (i32, i32) {
    %c0_i32 = arith.constant 0 : i32
    %c0_i32_0 = arith.constant 0 : i32
    return %arg0, %c0_i32 : i32, i32
  }
}

</mosaic_0001>

<sc_bundles>
// kernel: scatter_offload_async_start
scs
__scs_entry_jumppad:
0x0: {  	(pc) =	sbr.rel $0x88, $3  }
0x1: {  	(tag) =	ssettag $0x0;
	lr =	simm.s32 $0x1  }
0x2: {  	[smem:$0x3F73] =	sst lr;
	_ =	strace $0xD0000000  }
0x3: {  	_ = 	snop  }
0x4: {  	_ = 	snop  }
0x5: {  	_ = 	snop  }
0x6: {  	_ = 	snop  }
0x7: {  	_ = 	snop  }
__scs_overlays_trampoline_lowered:
0x8: {  	[smem:$0x3F82] =	sst s0  }
0x9: {  	[smem:$0x3F83] =	sst s1  }
0xa: {  	[smem:$0x3F84] =	sst s2  }
0xb: {  	[smem:$0x3F85] =	sst s3  }
0xc: {  	[smem:$0x3F86] =	sst s4  }
0xd: {  	[smem:$0x3F87] =	sst s5  }
0xe: {  	[smem:$0x3F88] =	sst s6  }
0xf: {  	[smem:$0x3F89] =	sst s7  }
0x10: {  	[smem:$0x3F8A] =	sst s8  }
0x11: {  	[smem:$0x3F8B] =	sst s9;
	s0 =	simm.s32 @!p0 $0x0  }
0x12: {  	s1 =	sld [smem:$0x3F71];
	s0 =	simm.s32 @p0 $0x1  }
0x13: {  	[smem:$0x3F8C] =	sst s0;
	s0 =	simm.s32 @!p1 $0x0  }
0x14: {  	s2 =	sld [smem:$0x3F70];
	s0 =	simm.s32 @p1 $0x1  }
0x15: {  	[smem:$0x3F8D] =	sst s0;
	s0 =	simm.s32 @!p2 $0x0  }
0x16: {  	s3 =	sld [smem:$0x3FDB];
	s0 =	simm.s32 @p2 $0x1  }
0x17: {  	s4 =	simm.s32 $0x1BF5;
	[smem:$0x3F8F] =	sst s0  }
0x18: {  	s0 =	sld [smem:$0x3F72];
	_ =	swait.ge [sflag:s4], $0x0  }
0x19: {  	s7 =	sld [smem:$0x3F73]  }
0x1a: {  	s8 =	sadd.s32 $0xFFFFE003, lr  }
0x1b: {  	s9 =	sadd.s32 $0xFFFFFEF7, lr;
	s5 =	simm.s32 $0xFFFFFFFF;
	p2 =	slt.u32 s8, $0xFFFFF086  }
0x1c: {  	p1 =	slt.u32 s9, $0xF7A;
	s5 =	simm.s32 @!p2 $0x0  }
0x1d: {  	s5 =	simm.s32 @p1 $0x1;
	p0 =	seq.s32 s7, s2  }
0x1e: {  	s7 =	smul.u32 @!p0 $0xF7A, s2;
	p2 =	seq.s32 @!p0 s5, $0x0  }
0x1f: {  	s9 =	smul.u32 $0xF7A, s1;
	s8 =	simm.s32 @!p0 $0x1BF5;
	p2 =	por !p2, p0  }
0x20: {  	[sflag:s8] =	ssyncset.s32 @!p0 $0xFFFFF086;
	s6 =	sadd.s32 @!p0 s3, s7;
	s7 =	simm.s32 @!p0 $0x108  }
0x21: {  	s3 =	sadd.s32 s3, s9;
	s6 =	sadd.s32 @!p0 $0x88, s6;
	s7 =	simm.s32 @p2 $0x1082  }
0x22: {  	[simem:s7], [sflag:s8] =	dma.local @!p0 [hbm:s6], $0xF7A  }
0x23: {  	s9 =	sor.u32 $0xD0000000, s2;
	s6 =	simm.s32 $0x108;
	_ =	swait.ge @!p0 [sflag:s8], $0x0  }
0x24: {  	s3 =	sadd.s32 $0x88, s3;
	s6 =	simm.s32 @!p1 $0x1082;
	[sflag:s4] =	ssyncset.s32 $0xFFFFF086  }
0x25: {  	[simem:s6], [sflag:s4] =	dma.local [hbm:s3], $0xF7A  }
0x26: {  	[smem:$0x3F73] =	sst s1;
	(tag) =	ssettag s2;
	_ =	strace s9  }
0x27: {  	s1 =	sld [smem:$0x3F83]  }
0x28: {  	s2 =	sld [smem:$0x3F84]  }
0x29: {  	s4 =	sld [smem:$0x3F86]  }
0x2a: {  	p0 =	seq.s32 s5, $0x0;
	s5 =	sld [smem:$0x3F87]  }
0x2b: {  	s6 =	sld [smem:$0x3F88]  }
0x2c: {  	s7 =	sld [smem:$0x3F89]  }
0x2d: {  	s3 =	simm.s32 $0x108;
	s8 =	sld [smem:$0x3F8A]  }
0x2e: {  	s3 =	simm.s32 @!p0 $0x1082;
	s9 =	sld [smem:$0x3F8B]  }
0x2f: {  	lr =	sadd.s32 s0, s3;
	s0 =	sld [smem:$0x3F82]  }
0x30: {  	s3 =	sld [smem:$0x3F85]  }
0x31: {  	[smem:$0x3F8E] =	sst s10  }
0x32: {  	s10 =	sld [smem:$0x3F8C];
	_ =	sdelay $0x3  }
0x33: {  	p0 =	seq.s32 s10, $0x1;
	s10 =	sld [smem:$0x3F8E];
	_ =	sdelay $0x3  }
0x34: {  	[smem:$0x3F8E] =	sst s10  }
0x35: {  	s10 =	sld [smem:$0x3F8D];
	_ =	sdelay $0x3  }
0x36: {  	p1 =	seq.s32 s10, $0x1;
	s10 =	sld [smem:$0x3F8E];
	_ =	sdelay $0x3  }
0x37: {  	[smem:$0x3F8E] =	sst s10  }
0x38: {  	s10 =	sld [smem:$0x3F8F]  }
0x39: {  	_ = 	snop;
	(pc) =	sbr.ind lr, $3  }
0x3a: {  	_ = 	snop  }
0x3b: {  	_ = 	snop  }
0x3c: {  	p2 =	seq.s32 s10, $0x1;
	s10 =	sld [smem:$0x3F8E]  }
0x3d: {  	_ =	shalt  }
0x3e: {  	_ =	shalt  }
0x3f: {  	_ =	shalt  }
0x40: {  	_ =	shalt  }
0x41: {  	_ =	shalt  }
0x42: {  	_ =	shalt  }
0x43: {  	_ =	shalt  }
0x44: {  	_ =	shalt  }
0x45: {  	_ =	shalt  }
0x46: {  	_ =	shalt  }
0x47: {  	_ =	shalt  }
0x48: {  	_ =	shalt  }
0x49: {  	_ =	shalt  }
0x4a: {  	_ =	shalt  }
0x4b: {  	_ =	shalt  }
0x4c: {  	_ =	shalt  }
0x4d: {  	_ =	shalt  }
0x4e: {  	_ =	shalt  }
0x4f: {  	_ =	shalt  }
0x50: {  	_ =	shalt  }
0x51: {  	_ =	shalt  }
0x52: {  	_ =	shalt  }
0x53: {  	_ =	shalt  }
0x54: {  	_ =	shalt  }
0x55: {  	_ =	shalt  }
0x56: {  	_ =	shalt  }
0x57: {  	_ =	shalt  }
0x58: {  	_ =	shalt  }
0x59: {  	_ =	shalt  }
0x5a: {  	_ =	shalt  }
0x5b: {  	_ =	shalt  }
0x5c: {  	_ =	shalt  }
0x5d: {  	_ =	shalt  }
0x5e: {  	_ =	shalt  }
0x5f: {  	_ =	shalt  }
0x60: {  	_ =	shalt  }
0x61: {  	_ =	shalt  }
0x62: {  	_ =	shalt  }
0x63: {  	_ =	shalt  }
0x64: {  	_ =	shalt  }
0x65: {  	_ =	shalt  }
0x66: {  	_ =	shalt  }
0x67: {  	_ =	shalt  }
0x68: {  	_ =	shalt  }
0x69: {  	_ =	shalt  }
0x6a: {  	_ =	shalt  }
0x6b: {  	_ =	shalt  }
0x6c: {  	_ =	shalt  }
0x6d: {  	_ =	shalt  }
0x6e: {  	_ =	shalt  }
0x6f: {  	_ =	shalt  }
0x70: {  	_ =	shalt  }
0x71: {  	_ =	shalt  }
0x72: {  	_ =	shalt  }
0x73: {  	_ =	shalt  }
0x74: {  	_ =	shalt  }
0x75: {  	_ =	shalt  }
0x76: {  	_ =	shalt  }
0x77: {  	_ =	shalt  }
0x78: {  	_ =	shalt  }
0x79: {  	_ =	shalt  }
0x7a: {  	_ =	shalt  }
0x7b: {  	_ =	shalt  }
0x7c: {  	_ =	shalt  }
0x7d: {  	_ =	shalt  }
0x7e: {  	_ =	shalt  }
0x7f: {  	_ =	shalt  }
0x80: {  	_ =	shalt  }
0x81: {  	_ =	shalt  }
0x82: {  	_ =	shalt  }
0x83: {  	_ =	shalt  }
0x84: {  	_ =	shalt  }
0x85: {  	_ =	shalt  }
0x86: {  	_ =	shalt  }
0x87: {  	_ =	shalt  }
.Lfunc_end0:
.L_simem_size_0:
called_computation_lowered:
.L_overlay_start_0:
0x88: {  	s0 =	sld [smem:$0x3FD9]  }
0x89: {  	s1 =	sld [smem:$0x3FFE];
	_ =	sdelay $0x3  }
0x8a: {  	s0 =	sadd.s32 s1, s0  }
0x8b: {  	[smem:$0x3F9A] =	sst s0  }
0x8c: {  	_ = 	snop  }
0x8d: {  	s0 =	sld [smem:$0x3FD0];
	(tm) =	ssettm $0x1  }
0x8e: {  	s16 =	sld [smem:$0x3FFB];
	_ =	sdelay $0x3  }
0x8f: {  	_ =	strace s16  }
0x90: {  	s1 =	sld [smem:$0x3FFC];
	_ =	sdelay $0x3  }
0x91: {  	_ =	strace s1  }
0x92: {  	s1 =	sld [smem:$0x3FFD];
	_ =	sdelay $0x3  }
0x93: {  	_ =	strace s1  }
0x94: {  	_ =	strace $0x8FFFFFFF  }
0x95: {  	s17 =	sld [smem:$0x3FDB];
	_ =	sdelay $0x1  }
0x96: {  	s2 =	simm.s32 $_scs_section_size  }
0x97: {  	s3 =	simm.s32 $_size__tile_overlayer_lowered;
	s4 =	simm.s32 $_tile_overlayer_lowered  }
0x98: {  	s20 =	simm.s32 $0x1BFF;
	s19 =	sshll.u32 s4, $0x1;
	s1 =	sadd.s32 s2, s17  }
0x99: {  	s5 =	simm.s32 $0x0;
	s18 =	sshll.u32 s3, $0x1;
	s3 =	sadd.s32 s19, s1  }
0x9a: {  	[timem:s5], [sflag:s20] =	dma.local [hbm:s3], s18  }
0x9b: {  	_ =	swait.ge [sflag:s20], s18  }
0x9c: {  	s2 =	ssub.s32 $0x0, s18;
	[sflag:s20] =	ssyncset.done $0x0  }
0x9d: {  	[sflag:s20] =	ssyncadd.s32 s2;
	_ =	sdelay $0x1  }
0x9e: {  	s21 =	simm.s32 $0x1B8B  }
0x9f: {  	_ =	swait.ge [sflag:s21], $0x1  }
0xa0: {  	[sflag:s21] =	ssyncset.done $0x0  }
0xa1: {  	s23 =	simm.s32 $0x1B8E;
	s22 =	sld [smem:$0x3FFE];
	[sflag:s21] =	ssyncadd.s32 $0xFFFFFFFF  }
0xa2: {  	s24 =	simm.s32 $execute0_lowered;
	[smem:$0x3FD2] =	sst s23  }
0xa3: {  	s3 =	sshll.u32 s24, $0x1;
	_ =	strace $0x8000004C;
	[dreg:$0x1] =	wrdreg $0xFFFFFFFF  }
0xa4: {  	s25 =	simm.s32 $_size_execute0_lowered;
	s1 =	sadd.s32 s1, s3;
	[dreg:$0x0] =	wrdreg $0x0  }
0xa5: {  	s3 =	sshll.u32 s25, $0x1;
	[dreg:$0x2] =	wrdreg s1  }
0xa6: {  	[dreg:$0x3] =	wrdreg s3  }
0xa7: {  	[dreg:$0x4] =	wrdreg $0xC0  }
0xa8: {  	_ =	task [dreg:s5], $0x5FFFF  }
0xa9: {  	[dreg:$0x1] =	wrdreg $0xFFFFFFFF  }
0xaa: {  	[dreg:$0x0] =	wrdreg $0x60  }
0xab: {  	[dreg:$0x2] =	wrdreg s0  }
0xac: {  	[dreg:$0x3] =	wrdreg s22  }
0xad: {  	[dreg:$0x4] =	wrdreg $0x9  }
0xae: {  	_ =	task.clear_ibuf [dreg:s5], $0x5FFFF;
	_ =	strace $0x9000004C  }
0xaf: {  	s26 =	simm.s32 $0x9;
	_ =	strace $0x8000004E  }
0xb0: {  	_ =	swait.ge [sflag:s26], $0x1  }
0xb1: {  	[sflag:s26] =	ssyncadd.s32 $0xFFFFFFFF  }
0xb2: {  	_ =	strace $0x9000004E  }
0xb3: {  	_ =	sfence  }
0xb4: {  	s28 =	sld [smem:$0x0];
	_ =	sdelay $0x1  }
0xb5: {  	s29 =	srdreg.scid  }
0xb6: {  	s30 =	sshll.u32 s29, $0xD;
	s31 =	sshrl.u32 s29, $0x2  }
0xb7: {  	s2 =	sand.u32 $0x4000, s30;
	s1 =	sand.u32 $0x1, s29;
	s0 =	sadd.s32 s31, s28  }
0xb8: {  	s1 =	sor.u32 s2, s1;
	s0 =	sshll.u32 s0, $0x11  }
0xb9: {  	s0 =	sor.u32 s0, s1  }
0xba: {  	s0 =	sadd.s32 $0x8F2B, s0  }
0xbb: {  	[sflag:s0] =	ssyncadd.remote.s32 $0x1  }
0xbc: {  	_ =	sfence.sel $0xFFFF  }
0xbd: {  	[dreg:$0x0] =	wrdreg $0xFFFFFFFF;
	(pc) =	sbr.abs _section_cstart, $3  }
0xbe: {  	[dreg:$0x1] =	wrdreg $0xFFFFFFFF  }
0xbf: {  	_ =	task.clear_ibuf [dreg:s5], $0x2FFFF;
	_ =	strace $0x9FFFFFFF  }
0xc0: {  	(tm) =	ssettm $0x7FFFFFFF  }
0xc1: {  	_ =	shalt  }
tec
execute0_lowered:
.L_overlay_start_1:
0x0: {  	(tag) =	ssettag $0x1  }
0x1: {  	s1 =	rddreg [dreg:$0x0]  }
0x2: {  	s7 =	rddreg [dreg:$0x1]  }
0x3: {  	s0 =	rddreg [dreg:$0x2]  }
0x4: {  	s3 =	stileid.u32;
	_ =	strace $0x8000004D;
	s4 =	simm.s32 $0x3E  }
0x5: {  	p0 =	sne.s32 s3, $0x0;
	[sflag:s4] =	ssyncpa.u1 $0x0;
	s29 =	smul.u32 $0x186, s3  }
0x6: {  	s30 =	smin.u32 s3, $0xA;
	s2 =	simm.s32 @!p0 $0x1C3E;
	s5 =	simm.s32 @!p0 $0x0  }
0x7: {  	[spmem:s5], [sflag:s2] =	dma.local @!p0 [hbm:s1], $0x10000  }
0x8: {  	s2 =	sadd.s32 s30, s29  }
0x9: {  	p1 =	slt.u32 s3, $0xA;
	s3 =	simm.s32 $0x2FBAC0;
	s2 =	smul.u32 $0x1F40, s2  }
0xa: {  	s3 =	simm.s32 @!p1 $0x2F9B80  }
0xb: {  	s3 =	sadd.s32 s3, s2  }
0xc: {  	s3 =	smin.u32 s3, $0x2FAF080  }
0xd: {  	s8 =	ssub.s32 s3, s2  }
0xe: {  	p1 =	sgt.s32 s8, $0x0  }
0xf: {  	s8 =	simm.s32 @!p1 $0x0  }
0x10: {  	s5 =	simm.s32 @!p0 $0x3E;
	s31 =	smulhi.u32 $0x10624DD3, s8  }
0x11: {  	_ =	swait.ge @!p0 [sflag:s5], $0x10000  }
0x12: {  	s6 =	simm.s32 $0x2;
	[sflag:s5] =	ssyncset.done @!p0 $0x0;
	s9 =	sshrl.u32 s31, $0x9  }
0x13: {  	s11 =	simm.s32 $0x0;
	[sflag:s5] =	ssyncadd.s32 @!p0 $0xFFFF0000;
	s10 =	smul.u32 $0x1F40, s9  }
.Ltmp0:
0x14: {  	s5 =	sadd.s32 $0xB400, s7;
	[bflag:$0x0] =	sbarrier.arrive $0xFFFF;
	(pc) =	sbr.rel .LBB2_1-.Ltmp0, $4  }
0x15: {  	s7 =	sadd.s32 $0xC07400, s7;
	[sflag:s4] =	ssyncpa.u1 $0x1;
	s4 =	simm.s32 $0x1  }
0x16: {  	[sflag:s4] =	ssyncpa.u1 $0x0;
	p1 =	sne.s32 s8, s10;
	s8 =	simm.s32 $0x1  }
0x17: {  	(ifvalue) =	ssetifvalue $0x80000;
	[sflag:s6] =	ssyncpa.u1 $0x0;
	s8 =	simm.s32 @!p1 $0x0  }
0x18: {  	vm0 =	vmmov $0xffff;
	s10 =	smov.u32 s2;
	s8 =	sadd.s32 s8, s9;
	s9 =	simm.s32 $0x0  }
.LBB2_5:
0x19: {  	p2 =	sne.s32 s11, s8  }
.Ltmp1:
0x1a: {  	_ = 	snop;
	(pc) =	sbr.rel @!p2 .LBB2_6-.Ltmp1, $4  }
0x1b: {  	_ = 	snop  }
0x1c: {  	s12 =	sadd.s32 $0x1F40, s10  }
0x1d: {  	s10 =	smov.u32 s2;
	s13 =	sadd.s32 $0x1, s11;
	p1 =	slt.s32 s12, s3  }
0x1e: {  	s11 =	smov.u32 s13;
	s10 =	smov.u32 @p1 s12  }
.LBB2_1:
0x1f: {  	p1 =	sge.u32 s11, s8  }
0x20: {  	s12 =	sxor.u32 @!p1 $0xFFFFFFFF, s11  }
0x21: {  	s12 =	sand.u32 @!p1 $0x1, s12  }
0x22: {  	s12 =	smul.u32 @!p1 $0x1F40, s12  }
0x23: {  	s13 =	sshrl.u32 @!p1 s10, $0x3  }
0x24: {  	s16 =	sand.u32 @!p1 $0x7, s10;
	s14 =	sadd.s32 @!p1 s5, s13;
	s15 =	sor.u32 @!p1 $0x8000, s12  }
0x25: {  	[tilespmem:s15], [sflag:$0x2] =	stream.linear.gather @!p1 [hbm4b:s14+s16], $0x1F40, $0x38;
	[tilespmem:$0xFD00] =	vst v63  }
0x26: {  	s13 =	sadd.s32 @!p1 s7, s13;
	s12 =	sadd.s32 @!p1 $0xBE80, s12  }
0x27: {  	[tilespmem:s12], [sflag:$0x2] =	stream.linear.gather @!p1 [hbm4b:s13+s16], $0x1F40, $0x38;
	[tilespmem:$0xFD00] =	vst v63  }
0x28: {  	p1 =	seq.s32 s11, $0x0  }
.Ltmp2:
0x29: {  	_ = 	snop;
	(pc) =	sbr.rel @p1 .LBB2_5-.Ltmp2, $1  }
0x2a: {  	_ =	sdelay $0x3  }
0x2b: {  	s12 =	sand.u32 $0x1, s11  }
0x2c: {  	_ =	swait.ge [sflag:s6], $0x3E80;
	p1 =	seq.s32 s12, $0x1;
	s12 =	simm.s32 $0x1F40  }
0x2d: {  	[sflag:s6] =	ssyncset.done $0x0;
	s12 =	simm.s32 @!p1 $0x0  }
0x2e: {  	[sflag:s6] =	ssyncadd.s32 $0xFFFFC180;
	s14 =	sor.u32 $0x8000, s12  }
0x2f: {  	v0 =	vld.msk [tilespmem:s14+$0x0 ss:$0x1], $0xffff;
	_ =	sdelay $0x4  }
0x30: {  	v0 =	vmin.u32 v0, $0x80000;
	_ =	sdelay $0x3  }
0x31: {  	s13 =	simm.s32 $0x0;
	s12 =	sadd.s32 $0xBE80, s12;
	s14 =	sadd.s32 $0x10, s14  }
0x32: {  	[spmem:s9] =	stream.indirect_vreg.scatter.add.s32 [tilespmem:s12], [sflag:$0x1], $0x1, v0, vm0, $0x4038;
	[tilespmem:$0xFD00] =	vst v63  }
.LBB2_3:
0x33: {  	v0 =	vld.msk [tilespmem:s14+$0x0 ss:$0x1], $0xffff;
	s13 =	sadd.s32 $0x10, s13  }
0x34: {  	p1 =	slt.u32 s13, $0x1F30;
	_ =	sdelay $0x4  }
0x35: {  	v0 =	vmin.u32 v0, $0x80000  }
.Ltmp3:
0x36: {  	(pc) =	sbr.rel @p1 .LBB2_3-.Ltmp3, $3  }
0x37: {  	_ =	sdelay $0x1  }
0x38: {  	s14 =	sadd.s32 $0x10, s14;
	s12 =	sadd.s32 $0x10, s12  }
0x39: {  	[spmem:s9] =	stream.indirect_vreg.scatter.add.s32 [tilespmem:s12], [sflag:$0x1], $0x1, v0, vm0, $0x4038;
	[tilespmem:$0xFD00] =	vst v63  }
.Ltmp4:
0x3a: {  	(pc) =	sbr.rel .LBB2_5-.Ltmp4, $4  }
0x3b: {  	_ = 	snop  }
0x3c: {  	_ =	swait.ge [sflag:s4], $0x1F40  }
0x3d: {  	[sflag:s4] =	ssyncset.done $0x0  }
0x3e: {  	[sflag:s4] =	ssyncadd.s32 $0xFFFFE0C0  }
.LBB2_6:
0x3f: {  	_ =	sfence.sel $0x180000  }
0x40: {  	s2 =	simm.s32 $0x2;
	[bflag:$0x0] =	sbarrier.arrive $0xFFFF  }
0x41: {  	s30 =	simm.s32 $0x1;
	[sflag:s2] =	ssyncpa.u1 $0x1  }
0x42: {  	[sflag:s30] =	ssyncpa.u1 $0x1  }
0x43: {  	_ =	sfence.stream.spmem  }
0x44: {  	s31 =	simm.s32 $0x3D;
	[bflag:$0x0] =	sbarrier.arrive $0xFFFF  }
0x45: {  	s2 =	simm.s32 @p0 $0x3D;
	[sflag:s31] =	ssyncpa.u1 $0x0  }
0x46: {  	[sflag:s2] =	ssyncpa.u1 @p0 $0x1  }
0x47: {  	[bflag:$0x0] =	sbarrier.arrive @p0 $0xFFFF  }
0x48: {  	_ =	strace @p0 $0x9000004D  }
0x49: {  	s3 =	simm.s32 @!p0 $0x1C3D;
	s2 =	simm.s32 @!p0 $0x0;
	[bflag:$0x2] =	sbarrier.arrive @p0 $0xFFFF  }
0x4a: {  	[hbm:s1], [sflag:s3] =	dma.local @!p0 [spmem:s2], $0x10000  }
0x4b: {  	s1 =	simm.s32 @!p0 $0x3D  }
0x4c: {  	_ =	swait.ge @!p0 [sflag:s1], $0x10000  }
0x4d: {  	[sflag:s1] =	ssyncset.done @!p0 $0x0  }
0x4e: {  	[sflag:s1] =	ssyncadd.s32 @!p0 $0xFFFF0000  }
0x4f: {  	[sflag:s1] =	ssyncpa.u1 @!p0 $0x1  }
0x50: {  	[bflag:$0x0] =	sbarrier.arrive @!p0 $0xFFFF  }
0x51: {  	_ =	strace @!p0 $0x9000004D  }
0x52: {  	s0 =	sadd.s32 @!p0 $0x100000, s0;
	[bflag:$0x2] =	sbarrier.arrive @!p0 $0xFFFF  }
0x53: {  	[sflag:s0] =	ssyncadd.tile.s32 @!p0 $0x1;
	_ =	shalt  }
.Lfunc_end2:
_tile_overlayer_lowered:
.L_overlay_start_2:
0x54: {  	(tag) =	ssettag $0x2  }
0x55: {  	s0 =	rddreg [dreg:$0x0];
	s2 =	stileid.u32  }
0x56: {  	s1 =	rddreg [dreg:$0x1];
	p0 =	sne.s32 s2, $0x0  }
0x57: {  	s3 =	rddreg [dreg:$0x2];
	[bflag:$0x3] =	sbarrier.arrive $0xFFFF;
	s2 =	simm.s32 @!p0 $0x1C01  }
0x58: {  	[timem:s3], [sflag:s2] =	dma.local @!p0 [hbm:s0], s1  }
0x59: {  	s0 =	simm.s32 @!p0 $0x1  }
0x5a: {  	_ =	swait.ge @!p0 [sflag:s0], s1  }
0x5b: {  	s1 =	ssub.s32 @!p0 $0x0, s1;
	[sflag:s0] =	ssyncset.done @!p0 $0x0  }
0x5c: {  	[sflag:s0] =	ssyncadd.s32 @!p0 s1  }
0x5d: {  	[bflag:$0x3] =	sbarrier.arrive $0xFFFF  }
0x5e: {  	_ =	shalt  }

// kernel: sparse-core-data-format-call.1.cloned.1.call-start
scs
called_computation.2_lowered:
.L_overlay_start_0:
0x0: {  	s1 =	sld [smem:$0x3FD9]  }
0x1: {  	s2 =	sld [smem:$0x3FFE];
	_ =	sdelay $0x1  }
0x2: {  	s3 =	srdreg.scid  }
0x3: {  	s0 =	sand.u32 $0x1, s3  }
0x4: {  	s17 =	sshll.u32 s0, $0xA;
	s1 =	sadd.s32 s2, s1  }
0x5: {  	s1 =	sadd.s32 s1, s17  }
0x6: {  	[smem:$0x3F9A] =	sst s1  }
0x7: {  	_ = 	snop  }
0x8: {  	(tm) =	ssettm $0x1  }
0x9: {  	s18 =	sld [smem:$0x3FFB];
	_ =	sdelay $0x3  }
0xa: {  	_ =	strace s18  }
0xb: {  	s1 =	sld [smem:$0x3FFC];
	_ =	sdelay $0x3  }
0xc: {  	_ =	strace s1  }
0xd: {  	s1 =	sld [smem:$0x3FFD];
	_ =	sdelay $0x3  }
0xe: {  	_ =	strace s1  }
0xf: {  	_ =	strace $0x8FFFFFFF  }
0x10: {  	s19 =	sld [smem:$0x3FDB];
	_ =	sdelay $0x1  }
0x11: {  	s20 =	simm.s32 $_scs_section_size  }
0x12: {  	s4 =	simm.s32 $_size__tile_overlayer_lowered;
	s5 =	simm.s32 $_tile_overlayer_lowered  }
0x13: {  	s23 =	simm.s32 $0x1BFF;
	s22 =	sshll.u32 s5, $0x1;
	s1 =	sadd.s32 s20, s19  }
0x14: {  	s6 =	simm.s32 $0x0;
	s21 =	sshll.u32 s4, $0x1;
	s4 =	sadd.s32 s22, s1  }
0x15: {  	[timem:s6], [sflag:s23] =	dma.local [hbm:s4], s21  }
0x16: {  	_ =	swait.ge [sflag:s23], s21  }
0x17: {  	s2 =	ssub.s32 $0x0, s21;
	[sflag:s23] =	ssyncset.done $0x0  }
0x18: {  	[sflag:s23] =	ssyncadd.s32 s2;
	_ =	sdelay $0x1  }
0x19: {  	s24 =	simm.s32 $0x1B8B  }
0x1a: {  	_ =	swait.ge [sflag:s24], $0x1  }
0x1b: {  	[sflag:s24] =	ssyncset.done $0x0  }
0x1c: {  	s26 =	simm.s32 $0x1B8E;
	s25 =	sld [smem:$0x3FFE];
	[sflag:s24] =	ssyncadd.s32 $0xFFFFFFFF  }
0x1d: {  	s27 =	simm.s32 $execute0_lowered;
	[smem:$0x3FD2] =	sst s26  }
0x1e: {  	s4 =	sshll.u32 s27, $0x1;
	_ =	strace $0x80000046;
	[dreg:$0x1] =	wrdreg $0xFFFFFFFF  }
0x1f: {  	s28 =	simm.s32 $_size_execute0_lowered;
	s1 =	sadd.s32 s1, s4;
	[dreg:$0x0] =	wrdreg $0x0  }
0x20: {  	s4 =	sshll.u32 s28, $0x1;
	[dreg:$0x2] =	wrdreg s1  }
0x21: {  	[dreg:$0x3] =	wrdreg s4  }
0x22: {  	[dreg:$0x4] =	wrdreg $0xC0  }
0x23: {  	_ =	task [dreg:s6], $0x5FFFF  }
0x24: {  	[dreg:$0x1] =	wrdreg $0xFFFFFFFF  }
0x25: {  	[dreg:$0x0] =	wrdreg $0x60  }
0x26: {  	[dreg:$0x2] =	wrdreg s25  }
0x27: {  	[dreg:$0x3] =	wrdreg $0x9  }
0x28: {  	_ =	task.clear_ibuf [dreg:s6], $0x4FFFF;
	_ =	strace $0x90000046  }
0x29: {  	s29 =	simm.s32 $0x9;
	_ =	strace $0x80000048  }
0x2a: {  	_ =	swait.ge [sflag:s29], $0x1  }
0x2b: {  	[sflag:s29] =	ssyncadd.s32 $0xFFFFFFFF  }
0x2c: {  	_ =	strace $0x90000048  }
0x2d: {  	_ =	sfence  }
0x2e: {  	s30 =	sld [smem:$0x0];
	_ =	sdelay $0x2  }
0x2f: {  	s31 =	sshll.u32 s3, $0xD;
	s3 =	sshrl.u32 s3, $0x2  }
0x30: {  	s2 =	sand.u32 $0x4000, s31;
	s1 =	sadd.s32 s3, s30  }
0x31: {  	s0 =	sor.u32 s2, s0;
	s1 =	sshll.u32 s1, $0x11  }
0x32: {  	s0 =	sor.u32 s1, s0  }
0x33: {  	s0 =	sadd.s32 $0x8F2B, s0  }
0x34: {  	[sflag:s0] =	ssyncadd.remote.s32 $0x1  }
0x35: {  	_ =	sfence.sel $0xFFFF  }
0x36: {  	[dreg:$0x0] =	wrdreg $0xFFFFFFFF;
	(pc) =	sbr.abs _section_cstart, $3  }
0x37: {  	[dreg:$0x1] =	wrdreg $0xFFFFFFFF  }
0x38: {  	_ =	task.clear_ibuf [dreg:s6], $0x2FFFF;
	_ =	strace $0x9FFFFFFF  }
0x39: {  	(tm) =	ssettm $0x7FFFFFFF  }
tec
execute0_lowered:
.L_overlay_start_1:
0x0: {  	(tag) =	ssettag $0x1  }
0x1: {  	s0 =	srdreg.scid  }
0x2: {  	s4 =	rddreg [dreg:$0x0];
	s1 =	stileid.u32  }
0x3: {  	s5 =	simm.s32 $0x1;
	s7 =	simm.s32 $0x2;
	s0 =	sshll.u32 s0, $0x4  }
0x4: {  	s11 =	simm.s32 $0x0;
	p0 =	por $0x0, $0x0;
	s2 =	sand.u32 $0x10, s0  }
.Ltmp0:
0x5: {  	s8 =	simm.s32 $0x2FB000;
	s3 =	sor.u32 s1, s2;
	(pc) =	sbr.rel .LBB1_1-.Ltmp0, $4  }
0x6: {  	s10 =	simm.s32 $0x0;
	s0 =	rddreg [dreg:$0x1];
	s3 =	sshll.u32 s3, $0x7  }
0x7: {  	_ =	strace $0x80000047;
	s2 =	sadd.s32 $0xB400, s4;
	s6 =	ssub.s32 $0x5F580, s3  }
0x8: {  	s4 =	sadd.s32 $0x602C00, s4;
	[sflag:s5] =	ssyncpa.u1 $0x0;
	s6 =	sshrl.u32 s6, $0xC  }
0x9: {  	[sflag:s7] =	ssyncpa.u1 $0x0;
	s9 =	smov.u32 s3;
	s7 =	sadd.s32 $0x2, s6  }
.LBB1_5:
0xa: {  	s13 =	sadd.s32 $0x1000, s9  }
0xb: {  	p2 =	sgt.s32 s13, $0x5F5E0  }
0xc: {  	s13 =	smov.u32 @p2 s3;
	p2 =	sne.s32 s10, s7  }
.Ltmp1:
0xd: {  	p1 =	slt.u32 s10, $0x2;
	(pc) =	sbr.rel @!p2 .LBB1_6-.Ltmp1, $4  }
0xe: {  	s12 =	simm.s32 @!p1 $0x2  }
0xf: {  	s14 =	sadd.s32 $0x1, s10;
	_ =	swait.ge @!p1 [sflag:s12], $0x4000  }
0x10: {  	s11 =	smov.u32 s9;
	p0 =	por !p0, !p0;
	[sflag:s12] =	ssyncset.done @!p1 $0x0  }
0x11: {  	s10 =	smov.u32 s14;
	s9 =	smov.u32 s13;
	[sflag:s12] =	ssyncadd.s32 @!p1 $0xFFFFC000  }
.LBB1_1:
0x12: {  	p1 =	sgt.u32 s10, s6  }
0x13: {  	s12 =	sand.u32 @!p1 $0x1FFFFFF, s9  }
0x14: {  	p2 =	sgt.s32 @!p1 s9, $0x5F568;
	s13 =	smulhi.u32 @!p1 $0x157975B, s12  }
0x15: {  	s14 =	smov.u32 s9;
	s15 =	sshra.s32 @!p1 s9, $0x1F;
	p2 =	por !p2, p1  }
0x16: {  	s15 =	sand.u32 @!p1 s15, s9;
	s14 =	simm.s32 @p2 $0x5F568;
	s13 =	sshrl.u32 @!p1 s13, $0xB  }
0x17: {  	s14 =	ssub.s32 @!p1 s14, s15;
	s13 =	smul.u32 @!p1 $0x5F5E8, s13  }
0x18: {  	s15 =	sxor.u32 @!p1 $0xFFFFFFFF, s10;
	s14 =	sadd.s32 @!p1 $0xFFFA0A98, s14  }
0x19: {  	s15 =	sshll.u32 @!p1 s15, $0xE;
	s12 =	ssub.s32 @!p1 s12, s13;
	s13 =	sshll.u32 @!p1 s14, $0x9  }
0x1a: {  	s15 =	sand.u32 @!p1 $0x4000, s15;
	p2 =	sgt.s32 @!p1 s14, $0x7F;
	s13 =	ssub.s32 @!p1 $0x10000, s13  }
0x1b: {  	p2 =	por !p2, p1;
	s12 =	sshll.u32 @!p1 s12, $0x4;
	s13 =	sshrl.u32 @!p1 s13, $0x2  }
0x1c: {  	s14 =	simm.s32 @!p1 $0x0;
	s12 =	sadd.s32 @!p1 s2, s12;
	s13 =	simm.s32 @!p2 $0x0  }
0x1d: {  	[tilespmem:s15], [sflag:$0x1] =	stream.linear.gather @!p1 [hbm4b:s12+s14], s13, $0x38;
	[tilespmem:$0x10100] =	vst v63  }
0x1e: {  	p1 =	seq.s32 s10, $0x0  }
0x1f: {  	p2 =	sge.u32 @!p1 s10, s7  }
0x20: {  	p1 =	por p1, p2  }
.Ltmp2:
0x21: {  	_ = 	snop;
	(pc) =	sbr.rel @p1 .LBB1_5-.Ltmp2, $1  }
0x22: {  	_ =	sdelay $0x3  }
0x23: {  	p1 =	sgt.s32 s11, $0x5F568;
	s12 =	smov.u32 s11;
	s13 =	sshra.s32 s11, $0x1F  }
0x24: {  	s12 =	simm.s32 @!p1 $0x5F568;
	s13 =	sand.u32 s13, s11  }
0x25: {  	s12 =	ssub.s32 s12, s13  }
0x26: {  	s12 =	sadd.s32 $0xFFFA0A98, s12  }
0x27: {  	s29 =	sshll.u32 s12, $0x9  }
0x28: {  	s13 =	ssub.s32 $0x10000, s29  }
0x29: {  	p1 =	sgt.s32 s12, $0x7F;
	s12 =	sshrl.u32 s13, $0x2  }
0x2a: {  	s13 =	simm.s32 $0x1;
	s12 =	simm.s32 @p1 $0x0  }
0x2b: {  	s13 =	simm.s32 @!p0 $0x0;
	_ =	swait.ge [sflag:s5], s12  }
0x2c: {  	s14 =	sshll.u32 s13, $0xE;
	s12 =	ssub.s32 $0x0, s12;
	[sflag:s5] =	ssyncset.done $0x0  }
0x2d: {  	s15 =	sor.u32 $0x40, s14;
	[sflag:s5] =	ssyncadd.s32 s12  }
0x2e: {  	s30 =	smul.u32 $0x10200, s13;
	v0 =	vld [tilespmem:s15+$0x30]  }
0x2f: {  	v1 =	vld [tilespmem:s15+$0xFFFFFFD0]  }
0x30: {  	s12 =	sshrl.u32 s30, $0x2;
	v5 =	vld [tilespmem:s15+$0xFFFFFFE0]  }
0x31: {  	s13 =	sor.u32 $0x8000, s12;
	v6 =	vld [tilespmem:s15+$0xFFFFFFF0]  }
0x32: {  	s31 =	sand.u32 $0x1, s10;
	v2 =	vld [tilespmem:s15+$0x0];
	s14 =	sadd.s32 $0x0, s13  }
0x33: {  	s12 =	smul.u32 $0x10200, s31;
	v4 =	vld [tilespmem:s15+$0x10];
	[tilespmem:s14+$0x3870 ss:$0x81] =	vst.msk $0xffff, v0  }
0x34: {  	v3 =	vld [tilespmem:s15+$0x20];
	[tilespmem:s14+$0x810 ss:$0x81] =	vst.msk $0xffff, v1  }
0x35: {  	s12 =	sshrl.u32 s12, $0x2;
	v0 =	vld [tilespmem:s15+$0xFFFFFFC0];
	[tilespmem:s14+$0x1020 ss:$0x81] =	vst.msk $0xffff, v5;
	s15 =	sadd.s32 $0x80, s15  }
0x36: {  	s16 =	simm.s32 $0x4;
	s17 =	simm.s32 $0x8;
	s12 =	sor.u32 $0x8000, s12;
	[tilespmem:s14+$0x1830 ss:$0x81] =	vst.msk $0xffff, v6;
	v1 =	vld [tilespmem:s15+$0x30]  }
.LBB1_3:
0x37: {  	p1 =	sne.s32 s17, $0x1FC;
	v5 =	vld [tilespmem:s15+$0xFFFFFFD0];
	[tilespmem:s14+$0x2040 ss:$0x81] =	vst.msk $0xffff, v2  }
0x38: {  	v6 =	vld [tilespmem:s15+$0xFFFFFFE0];
	[tilespmem:s14+$0x2850 ss:$0x81] =	vst.msk $0xffff, v4  }
0x39: {  	s18 =	sshra.s32 s16, $0x2;
	s16 =	smov.u32 s17;
	v7 =	vld [tilespmem:s15+$0xFFFFFFF0];
	[tilespmem:s14+$0x3060 ss:$0x81] =	vst.msk $0xffff, v3  }
.Ltmp3:
0x3a: {  	v2 =	vld [tilespmem:s15+$0x0];
	[tilespmem:s14+$0x0 ss:$0x81] =	vst.msk $0xffff, v0;
	s14 =	sadd.s32 s18, s13;
	(pc) =	sbr.rel @p1 .LBB1_3-.Ltmp3, $4  }
0x3b: {  	v4 =	vld [tilespmem:s15+$0x10];
	[tilespmem:s14+$0x3870 ss:$0x81] =	vst.msk $0xffff, v1  }
0x3c: {  	[tilespmem:s14+$0x810 ss:$0x81] =	vst.msk $0xffff, v5;
	v3 =	vld [tilespmem:s15+$0x20]  }
0x3d: {  	v0 =	vld [tilespmem:s15+$0xFFFFFFC0];
	[tilespmem:s14+$0x1020 ss:$0x81] =	vst.msk $0xffff, v6;
	s15 =	sadd.s32 $0x80, s15  }
0x3e: {  	s17 =	sadd.s32 $0x4, s17;
	v1 =	vld [tilespmem:s15+$0x30];
	[tilespmem:s14+$0x1830 ss:$0x81] =	vst.msk $0xffff, v7  }
0x3f: {  	v5 =	vld [tilespmem:s15+$0xFFFFFFD0];
	[tilespmem:s14+$0x2040 ss:$0x81] =	vst.msk $0xffff, v2  }
0x40: {  	v58 =	vld [tilespmem:s15+$0xFFFFFFE0];
	s17 =	sshll.u32 s11, $0x3;
	[tilespmem:s14+$0x2850 ss:$0x81] =	vst.msk $0xffff, v4  }
0x41: {  	s16 =	sshra.s32 s16, $0x2;
	v59 =	vld [tilespmem:s15+$0xFFFFFFF0];
	s17 =	sand.u32 $0xFFFFFC00, s17;
	[tilespmem:s14+$0x3060 ss:$0x81] =	vst.msk $0xffff, v3  }
0x42: {  	v60 =	vld [tilespmem:s15+$0x0];
	s13 =	sadd.s32 s16, s13;
	s28 =	sshrl.u32 s17, $0x9;
	[tilespmem:s14+$0x0 ss:$0x81] =	vst.msk $0xffff, v0  }
0x43: {  	v61 =	vld [tilespmem:s15+$0x10];
	s14 =	smulhi.u32 $0x55E47D, s28;
	[tilespmem:s13+$0x3870 ss:$0x81] =	vst.msk $0xffff, v1  }
0x44: {  	v62 =	vld [tilespmem:s15+$0x20];
	[tilespmem:s13+$0x810 ss:$0x81] =	vst.msk $0xffff, v5  }
0x45: {  	v63 =	vld [tilespmem:s15+$0xFFFFFFC0];
	s29 =	sand.u32 $0x7F, s11;
	[tilespmem:s13+$0x1020 ss:$0x81] =	vst.msk $0xffff, v58;
	s30 =	smul.u32 $0x5F600, s14  }
0x46: {  	s11 =	sor.u32 s29, s17;
	[tilespmem:s13+$0x1830 ss:$0x81] =	vst.msk $0xffff, v59  }
.Ltmp4:
0x47: {  	[tilespmem:s13+$0x2040 ss:$0x81] =	vst.msk $0xffff, v60;
	s14 =	sand.u32 $0x7F, s14;
	s11 =	ssub.s32 s11, s30;
	(pc) =	sbr.rel .LBB1_5-.Ltmp4, $4  }
0x48: {  	[tilespmem:s13+$0x2850 ss:$0x81] =	vst.msk $0xffff, v61;
	s14 =	smul.u32 $0xBEC0, s14;
	s15 =	sshrl.u32 s11, $0x3;
	s11 =	sand.u32 $0x7, s11  }
0x49: {  	[tilespmem:s13+$0x3060 ss:$0x81] =	vst.msk $0xffff, v62;
	s15 =	sadd.s32 s4, s15;
	s11 =	sshll.u32 s11, $0x12  }
0x4a: {  	[tilespmem:s13+$0x0 ss:$0x81] =	vst.msk $0xffff, v63;
	s31 =	sadd.s32 s14, s15;
	s11 =	sor.u32 $0x400, s11  }
0x4b: {  	[hbm4b:s31+s11] =	stream.strided.scatter [tilespmem:s12], [sflag:$0x2], $0x4000, s8, s11, $0x20;
	[tilespmem:$0x10100] =	vst v63  }
.LBB1_6:
0x4c: {  	_ =	sfence.sel $0x180000  }
0x4d: {  	s2 =	simm.s32 $0x1;
	[bflag:$0x0] =	sbarrier.arrive $0xFFFF  }
0x4e: {  	s31 =	simm.s32 $0x2;
	[sflag:s2] =	ssyncpa.u1 $0x1  }
0x4f: {  	[sflag:s31] =	ssyncpa.u1 $0x1  }
0x50: {  	p0 =	sne.s32 s1, $0x0;
	_ =	strace $0x90000047  }
0x51: {  	s0 =	sadd.s32 @!p0 $0x100000, s0;
	[bflag:$0x2] =	sbarrier.arrive $0xFFFF  }
0x52: {  	[sflag:s0] =	ssyncadd.tile.s32 @!p0 $0x1;
	_ =	shalt  }
.Lfunc_end1:
_tile_overlayer_lowered:
.L_overlay_start_2:
0x53: {  	(tag) =	ssettag $0x2  }
0x54: {  	s0 =	rddreg [dreg:$0x0];
	s2 =	stileid.u32  }
0x55: {  	s1 =	rddreg [dreg:$0x1];
	p0 =	sne.s32 s2, $0x0  }
0x56: {  	s3 =	rddreg [dreg:$0x2];
	[bflag:$0x3] =	sbarrier.arrive $0xFFFF;
	s2 =	simm.s32 @!p0 $0x1C01  }
0x57: {  	[timem:s3], [sflag:s2] =	dma.local @!p0 [hbm:s0], s1  }
0x58: {  	s0 =	simm.s32 @!p0 $0x1  }
0x59: {  	_ =	swait.ge @!p0 [sflag:s0], s1  }
0x5a: {  	s1 =	ssub.s32 @!p0 $0x0, s1;
	[sflag:s0] =	ssyncset.done @!p0 $0x0  }
0x5b: {  	[sflag:s0] =	ssyncadd.s32 @!p0 s1  }
0x5c: {  	[bflag:$0x3] =	sbarrier.arrive $0xFFFF  }
0x5d: {  	_ =	shalt  }

// kernel: sparse-core-data-format-call.cloned.1.call-start
scs
called_computation.1_lowered:
.L_overlay_start_0:
0x0: {  	s1 =	sld [smem:$0x3FD9]  }
0x1: {  	s2 =	sld [smem:$0x3FFE];
	_ =	sdelay $0x1  }
0x2: {  	s3 =	srdreg.scid  }
0x3: {  	s0 =	sand.u32 $0x1, s3  }
0x4: {  	s17 =	sshll.u32 s0, $0xA;
	s1 =	sadd.s32 s2, s1  }
0x5: {  	s1 =	sadd.s32 s1, s17  }
0x6: {  	[smem:$0x3F9A] =	sst s1  }
0x7: {  	_ = 	snop  }
0x8: {  	(tm) =	ssettm $0x1  }
0x9: {  	s18 =	sld [smem:$0x3FFB];
	_ =	sdelay $0x3  }
0xa: {  	_ =	strace s18  }
0xb: {  	s1 =	sld [smem:$0x3FFC];
	_ =	sdelay $0x3  }
0xc: {  	_ =	strace s1  }
0xd: {  	s1 =	sld [smem:$0x3FFD];
	_ =	sdelay $0x3  }
0xe: {  	_ =	strace s1  }
0xf: {  	_ =	strace $0x8FFFFFFF  }
0x10: {  	s19 =	sld [smem:$0x3FDB];
	_ =	sdelay $0x1  }
0x11: {  	s20 =	simm.s32 $_scs_section_size  }
0x12: {  	s4 =	simm.s32 $_size__tile_overlayer_lowered;
	s5 =	simm.s32 $_tile_overlayer_lowered  }
0x13: {  	s23 =	simm.s32 $0x1BFF;
	s22 =	sshll.u32 s5, $0x1;
	s1 =	sadd.s32 s20, s19  }
0x14: {  	s6 =	simm.s32 $0x0;
	s21 =	sshll.u32 s4, $0x1;
	s4 =	sadd.s32 s22, s1  }
0x15: {  	[timem:s6], [sflag:s23] =	dma.local [hbm:s4], s21  }
0x16: {  	_ =	swait.ge [sflag:s23], s21  }
0x17: {  	s2 =	ssub.s32 $0x0, s21;
	[sflag:s23] =	ssyncset.done $0x0  }
0x18: {  	[sflag:s23] =	ssyncadd.s32 s2;
	_ =	sdelay $0x1  }
0x19: {  	s24 =	simm.s32 $0x1B8B  }
0x1a: {  	_ =	swait.ge [sflag:s24], $0x1  }
0x1b: {  	[sflag:s24] =	ssyncset.done $0x0  }
0x1c: {  	s26 =	simm.s32 $0x1B8E;
	s25 =	sld [smem:$0x3FFE];
	[sflag:s24] =	ssyncadd.s32 $0xFFFFFFFF  }
0x1d: {  	s27 =	simm.s32 $execute0_lowered;
	[smem:$0x3FD2] =	sst s26  }
0x1e: {  	s4 =	sshll.u32 s27, $0x1;
	_ =	strace $0x80000049;
	[dreg:$0x1] =	wrdreg $0xFFFFFFFF  }
0x1f: {  	s28 =	simm.s32 $_size_execute0_lowered;
	s1 =	sadd.s32 s1, s4;
	[dreg:$0x0] =	wrdreg $0x0  }
0x20: {  	s4 =	sshll.u32 s28, $0x1;
	[dreg:$0x2] =	wrdreg s1  }
0x21: {  	[dreg:$0x3] =	wrdreg s4  }
0x22: {  	[dreg:$0x4] =	wrdreg $0xC0  }
0x23: {  	_ =	task [dreg:s6], $0x5FFFF  }
0x24: {  	[dreg:$0x1] =	wrdreg $0xFFFFFFFF  }
0x25: {  	[dreg:$0x0] =	wrdreg $0x60  }
0x26: {  	[dreg:$0x2] =	wrdreg s25  }
0x27: {  	[dreg:$0x3] =	wrdreg $0x9  }
0x28: {  	_ =	task.clear_ibuf [dreg:s6], $0x4FFFF;
	_ =	strace $0x90000049  }
0x29: {  	s29 =	simm.s32 $0x9;
	_ =	strace $0x8000004B  }
0x2a: {  	_ =	swait.ge [sflag:s29], $0x1  }
0x2b: {  	[sflag:s29] =	ssyncadd.s32 $0xFFFFFFFF  }
0x2c: {  	_ =	strace $0x9000004B  }
0x2d: {  	_ =	sfence  }
0x2e: {  	s30 =	sld [smem:$0x0];
	_ =	sdelay $0x2  }
0x2f: {  	s31 =	sshll.u32 s3, $0xD;
	s3 =	sshrl.u32 s3, $0x2  }
0x30: {  	s2 =	sand.u32 $0x4000, s31;
	s1 =	sadd.s32 s3, s30  }
0x31: {  	s0 =	sor.u32 s2, s0;
	s1 =	sshll.u32 s1, $0x11  }
0x32: {  	s0 =	sor.u32 s1, s0  }
0x33: {  	s0 =	sadd.s32 $0x8F2B, s0  }
0x34: {  	[sflag:s0] =	ssyncadd.remote.s32 $0x1  }
0x35: {  	_ =	sfence.sel $0xFFFF  }
0x36: {  	[dreg:$0x0] =	wrdreg $0xFFFFFFFF;
	(pc) =	sbr.abs _section_cstart, $3  }
0x37: {  	[dreg:$0x1] =	wrdreg $0xFFFFFFFF  }
0x38: {  	_ =	task.clear_ibuf [dreg:s6], $0x2FFFF;
	_ =	strace $0x9FFFFFFF  }
0x39: {  	(tm) =	ssettm $0x7FFFFFFF  }
tec
execute0_lowered:
.L_overlay_start_1:
0x0: {  	(tag) =	ssettag $0x1  }
0x1: {  	s0 =	srdreg.scid  }
0x2: {  	s4 =	rddreg [dreg:$0x0];
	s1 =	stileid.u32  }
0x3: {  	s5 =	simm.s32 $0x1;
	s7 =	simm.s32 $0x2;
	s14 =	simm.s32 $0x0  }
0x4: {  	p0 =	por $0x0, $0x0;
	s13 =	simm.s32 $0x0;
	s0 =	sshll.u32 s0, $0x4  }
0x5: {  	s8 =	simm.s32 $0x0;
	s9 =	simm.s32 $0x0;
	s2 =	sand.u32 $0x10, s0  }
.Ltmp0:
0x6: {  	s11 =	simm.s32 $0x0;
	s3 =	sor.u32 s1, s2;
	(pc) =	sbr.rel .LBB1_1-.Ltmp0, $4  }
0x7: {  	s0 =	rddreg [dreg:$0x1];
	_ =	strace $0x8000004A;
	s3 =	sshll.u32 s3, $0x7  }
0x8: {  	s12 =	simm.s32 $0x0;
	s2 =	sadd.s32 $0xC07800, s4;
	s6 =	ssub.s32 $0x5F580, s3  }
0x9: {  	s4 =	sadd.s32 $0xB400, s4;
	[sflag:s5] =	ssyncpa.u1 $0x0;
	s6 =	sshrl.u32 s6, $0xC  }
0xa: {  	[sflag:s7] =	ssyncpa.u1 $0x0;
	s10 =	smov.u32 s3;
	s7 =	sadd.s32 $0x2, s6  }
.LBB1_5:
0xb: {  	p1 =	slt.u32 s12, $0x2  }
0xc: {  	p2 =	sgt.s32 @!p1 s14, $0x5F568  }
0xd: {  	s15 =	smov.u32 s14;
	s16 =	sshra.s32 @!p1 s14, $0x1F;
	p2 =	por !p2, p1  }
0xe: {  	s14 =	sand.u32 @!p1 s16, s14;
	s15 =	simm.s32 @p2 $0x5F568  }
0xf: {  	s14 =	ssub.s32 @!p1 s15, s14;
	s15 =	ssub.s32 @!p1 $0x0, s13  }
0x10: {  	s17 =	smov.u32 s11;
	s16 =	sadd.s32 @!p1 $0xFFFA0A98, s14;
	s13 =	smin.u32 @!p1 s13, s15  }
0x11: {  	s14 =	ssub.s32 @!p1 $0x5F5E8, s14;
	p2 =	sgt.s32 @!p1 s16, $0x7F;
	p3 =	sgt.s32 @!p1 s13, $0x7F  }
0x12: {  	s13 =	ssub.s32 @!p1 $0x80, s13;
	p2 =	por !p2, p1;
	p3 =	por !p3, p1  }
0x13: {  	s15 =	sadd.s32 $0x1000, s10;
	s14 =	simm.s32 @!p2 $0x0;
	s13 =	simm.s32 @!p3 $0x0  }
0x14: {  	p2 =	sgt.s32 s15, $0x5F5E0;
	s13 =	smul.u32 @!p1 s13, s14;
	s14 =	sadd.s32 $0x80, s11  }
0x15: {  	s17 =	smov.u32 @p2 s14  }
0x16: {  	s15 =	smov.u32 @p2 s3;
	p2 =	sgt.s32 s17, $0x7F  }
0x17: {  	s17 =	simm.s32 @p2 $0x0;
	p2 =	sne.s32 s12, s7  }
.Ltmp1:
0x18: {  	p0 =	por !p0, !p0;
	s16 =	simm.s32 @!p1 $0x2;
	(pc) =	sbr.rel @!p2 .LBB1_6-.Ltmp1, $4  }
0x19: {  	s14 =	smov.u32 s8;
	s8 =	smov.u32 s10;
	s13 =	sand.u32 @!p1 $0x3FFFFFFF, s13  }
0x1a: {  	s10 =	smov.u32 s15;
	_ =	swait.ge @!p1 [sflag:s16], s13;
	s18 =	ssub.s32 @!p1 $0x0, s13  }
0x1b: {  	s13 =	smov.u32 s9;
	s12 =	sadd.s32 $0x1, s12;
	[sflag:s16] =	ssyncset.done @!p1 $0x0  }
0x1c: {  	s9 =	smov.u32 s11;
	s11 =	smov.u32 s17;
	[sflag:s16] =	ssyncadd.s32 @!p1 s18  }
.LBB1_1:
0x1d: {  	p1 =	sgt.u32 s12, s6  }
0x1e: {  	s15 =	sshrl.u32 @!p1 s11, $0x3  }
0x1f: {  	s16 =	sshll.u32 @!p1 s10, $0x3;
	s15 =	smul.u32 @!p1 $0x2FB000, s15  }
0x20: {  	s17 =	sshll.u32 @!p1 s11, $0x7;
	s16 =	sand.u32 @!p1 $0xFFFFFC00, s16  }
0x21: {  	s15 =	sadd.s32 @!p1 s15, s16;
	s16 =	sand.u32 @!p1 $0x380, s17  }
0x22: {  	s15 =	sor.u32 @!p1 s16, s15  }
0x23: {  	s16 =	sshrl.u32 @!p1 s15, $0x9  }
0x24: {  	s16 =	smulhi.u32 @!p1 $0x55E47D, s16;
	_ =	sdelay $0x1  }
0x25: {  	s17 =	sand.u32 @!p1 $0x7F, s10;
	s18 =	smul.u32 @!p1 $0x5F600, s16  }
0x26: {  	s15 =	sor.u32 @!p1 s17, s15;
	s17 =	sxor.u32 @!p1 $0xFFFFFFFF, s12  }
0x27: {  	s17 =	sshll.u32 @!p1 s17, $0xE;
	s16 =	sand.u32 @!p1 $0x7F, s16;
	s15 =	ssub.s32 @!p1 s15, s18  }
0x28: {  	s16 =	smul.u32 @!p1 $0xBEC0, s16;
	s18 =	sshrl.u32 @!p1 s15, $0x3;
	s15 =	sand.u32 @!p1 $0x7, s15  }
0x29: {  	s17 =	sand.u32 @!p1 $0x4000, s17;
	s18 =	sadd.s32 @!p1 s2, s18;
	s15 =	sshll.u32 @!p1 s15, $0x12  }
0x2a: {  	s16 =	sadd.s32 @!p1 s16, s18;
	s15 =	sor.u32 @!p1 $0x400, s15;
	s18 =	simm.s32 @!p1 $0x2FB000  }
0x2b: {  	[tilespmem:s17], [sflag:$0x1] =	stream.strided.gather @!p1 [hbm4b:s16+s15], $0x4000, s18, s15, $0x38;
	[tilespmem:$0x10100] =	vst v63  }
0x2c: {  	p1 =	seq.s32 s12, $0x0  }
0x2d: {  	p2 =	sge.u32 @!p1 s12, s7  }
0x2e: {  	p1 =	por p1, p2  }
.Ltmp2:
0x2f: {  	_ = 	snop;
	(pc) =	sbr.rel @p1 .LBB1_5-.Ltmp2, $1  }
0x30: {  	_ =	sdelay $0x3  }
0x31: {  	s15 =	simm.s32 $0x1  }
0x32: {  	_ =	swait.ge [sflag:s5], $0x4000;
	s15 =	simm.s32 @!p0 $0x0  }
0x33: {  	[sflag:s5] =	ssyncset.done $0x0;
	s16 =	sshll.u32 s15, $0xE  }
0x34: {  	[sflag:s5] =	ssyncadd.s32 $0xFFFFC000;
	s16 =	sor.u32 $0x40, s16  }
0x35: {  	s15 =	smul.u32 $0x10200, s15;
	v0 =	vld [tilespmem:s16+$0x30]  }
0x36: {  	v1 =	vld [tilespmem:s16+$0xFFFFFFD0]  }
0x37: {  	s15 =	sshrl.u32 s15, $0x2;
	v5 =	vld [tilespmem:s16+$0xFFFFFFE0]  }
0x38: {  	v6 =	vld [tilespmem:s16+$0xFFFFFFF0];
	s18 =	sor.u32 $0x8000, s15  }
0x39: {  	s31 =	sand.u32 $0x1, s12;
	v4 =	vld [tilespmem:s16+$0x0];
	s17 =	sadd.s32 $0x0, s18  }
0x3a: {  	v3 =	vld [tilespmem:s16+$0x10];
	s15 =	smul.u32 $0x10200, s31;
	[tilespmem:s17+$0x3870 ss:$0x81] =	vst.msk $0xffff, v0  }
0x3b: {  	v2 =	vld [tilespmem:s16+$0x20];
	[tilespmem:s17+$0x810 ss:$0x81] =	vst.msk $0xffff, v1  }
0x3c: {  	s15 =	sshrl.u32 s15, $0x2;
	v0 =	vld [tilespmem:s16+$0xFFFFFFC0];
	[tilespmem:s17+$0x1020 ss:$0x81] =	vst.msk $0xffff, v5;
	s16 =	sadd.s32 $0x80, s16  }
0x3d: {  	s19 =	simm.s32 $0x4;
	s20 =	simm.s32 $0x8;
	s15 =	sor.u32 $0x8000, s15;
	[tilespmem:s17+$0x1830 ss:$0x81] =	vst.msk $0xffff, v6;
	v1 =	vld [tilespmem:s16+$0x30]  }
.LBB1_3:
0x3e: {  	p1 =	sne.s32 s20, $0x1FC;
	v5 =	vld [tilespmem:s16+$0xFFFFFFD0];
	[tilespmem:s17+$0x2040 ss:$0x81] =	vst.msk $0xffff, v4  }
0x3f: {  	v6 =	vld [tilespmem:s16+$0xFFFFFFE0];
	[tilespmem:s17+$0x2850 ss:$0x81] =	vst.msk $0xffff, v3  }
0x40: {  	s21 =	sshra.s32 s19, $0x2;
	s19 =	smov.u32 s20;
	v7 =	vld [tilespmem:s16+$0xFFFFFFF0];
	[tilespmem:s17+$0x3060 ss:$0x81] =	vst.msk $0xffff, v2  }
.Ltmp3:
0x41: {  	v4 =	vld [tilespmem:s16+$0x0];
	[tilespmem:s17+$0x0 ss:$0x81] =	vst.msk $0xffff, v0;
	s17 =	sadd.s32 s21, s18;
	(pc) =	sbr.rel @p1 .LBB1_3-.Ltmp3, $4  }
0x42: {  	v3 =	vld [tilespmem:s16+$0x10];
	[tilespmem:s17+$0x3870 ss:$0x81] =	vst.msk $0xffff, v1  }
0x43: {  	[tilespmem:s17+$0x810 ss:$0x81] =	vst.msk $0xffff, v5;
	v2 =	vld [tilespmem:s16+$0x20]  }
0x44: {  	v0 =	vld [tilespmem:s16+$0xFFFFFFC0];
	[tilespmem:s17+$0x1020 ss:$0x81] =	vst.msk $0xffff, v6;
	s16 =	sadd.s32 $0x80, s16  }
0x45: {  	s20 =	sadd.s32 $0x4, s20;
	v1 =	vld [tilespmem:s16+$0x30];
	[tilespmem:s17+$0x1830 ss:$0x81] =	vst.msk $0xffff, v7  }
0x46: {  	s20 =	sshll.u32 s8, $0x7;
	s21 =	sshll.u32 s9, $0x3;
	s19 =	sshra.s32 s19, $0x2  }
0x47: {  	v5 =	vld [tilespmem:s16+$0xFFFFFFD0];
	[tilespmem:s17+$0x2040 ss:$0x81] =	vst.msk $0xffff, v4;
	p1 =	sgt.s32 s8, $0x5F568;
	s22 =	sand.u32 $0xFFFFFC00, s20;
	s21 =	sand.u32 $0xFFFFFC00, s21  }
0x48: {  	v58 =	vld [tilespmem:s16+$0xFFFFFFE0];
	s24 =	sshra.s32 s8, $0x1F;
	s20 =	sand.u32 $0x380, s20;
	[tilespmem:s17+$0x2850 ss:$0x81] =	vst.msk $0xffff, v3;
	s21 =	sadd.s32 s21, s22  }
0x49: {  	v59 =	vld [tilespmem:s16+$0xFFFFFFF0];
	s26 =	ssub.s32 $0x0, s9;
	s18 =	sadd.s32 s19, s18;
	[tilespmem:s17+$0x3060 ss:$0x81] =	vst.msk $0xffff, v2;
	s23 =	sor.u32 s20, s21  }
0x4a: {  	v60 =	vld [tilespmem:s16+$0x0];
	s28 =	smin.u32 s9, s26;
	s20 =	smov.u32 s8;
	[tilespmem:s17+$0x0 ss:$0x81] =	vst.msk $0xffff, v0;
	s19 =	sshrl.u32 s23, $0x7  }
0x4b: {  	v61 =	vld [tilespmem:s16+$0x10];
	s21 =	sand.u32 s24, s8;
	s20 =	simm.s32 @!p1 $0x5F568;
	[tilespmem:s18+$0x3870 ss:$0x81] =	vst.msk $0xffff, v1;
	s25 =	smulhi.u32 $0x157975B, s19  }
0x4c: {  	v62 =	vld [tilespmem:s16+$0x20];
	s29 =	sshrl.u32 s9, $0x3;
	p2 =	sgt.s32 s28, $0x7F;
	s20 =	ssub.s32 s20, s21;
	[tilespmem:s18+$0x810 ss:$0x81] =	vst.msk $0xffff, v5  }
0x4d: {  	v63 =	vld [tilespmem:s16+$0xFFFFFFC0];
	[tilespmem:s18+$0x1020 ss:$0x81] =	vst.msk $0xffff, v58;
	s21 =	sadd.s32 $0xFFFA0A98, s20;
	s20 =	ssub.s32 $0x5F5E8, s20;
	s17 =	sshrl.u32 s25, $0xB  }
0x4e: {  	[tilespmem:s18+$0x1830 ss:$0x81] =	vst.msk $0xffff, v59;
	p1 =	sgt.s32 s21, $0x7F;
	s27 =	smul.u32 $0x5F5E8, s17;
	s17 =	ssub.s32 $0x80, s28  }
.Ltmp4:
0x4f: {  	[tilespmem:s18+$0x2040 ss:$0x81] =	vst.msk $0xffff, v60;
	s20 =	simm.s32 @p1 $0x0;
	s17 =	simm.s32 @p2 $0x0;
	(pc) =	sbr.rel .LBB1_5-.Ltmp4, $4  }
0x50: {  	s30 =	sand.u32 $0xF, s29;
	[tilespmem:s18+$0x2850 ss:$0x81] =	vst.msk $0xffff, v61;
	s16 =	ssub.s32 s19, s27;
	s17 =	smul.u32 s17, s20  }
0x51: {  	[tilespmem:s18+$0x3060 ss:$0x81] =	vst.msk $0xffff, v62;
	s19 =	sadd.s32 s4, s30;
	s16 =	sshll.u32 s16, $0x4  }
0x52: {  	s31 =	sand.u32 $0x7, s9;
	[tilespmem:s18+$0x0 ss:$0x81] =	vst.msk $0xffff, v63;
	s17 =	sand.u32 $0x3FFFFFFF, s17;
	s16 =	sadd.s32 s16, s19  }
0x53: {  	[hbm4b:s16+s31] =	stream.linear.scatter [tilespmem:s15], [sflag:$0x2], s17, $0x20;
	[tilespmem:$0x10100] =	vst v63  }
.LBB1_6:
0x54: {  	_ =	sfence.sel $0x180000  }
0x55: {  	s2 =	simm.s32 $0x1;
	[bflag:$0x0] =	sbarrier.arrive $0xFFFF  }
0x56: {  	s31 =	simm.s32 $0x2;
	[sflag:s2] =	ssyncpa.u1 $0x1  }
0x57: {  	[sflag:s31] =	ssyncpa.u1 $0x1  }
0x58: {  	p0 =	sne.s32 s1, $0x0;
	_ =	strace $0x9000004A  }
0x59: {  	s0 =	sadd.s32 @!p0 $0x100000, s0;
	[bflag:$0x2] =	sbarrier.arrive $0xFFFF  }
0x5a: {  	[sflag:s0] =	ssyncadd.tile.s32 @!p0 $0x1;
	_ =	shalt  }
.Lfunc_end1:
_tile_overlayer_lowered:
.L_overlay_start_2:
0x5b: {  	(tag) =	ssettag $0x2  }
0x5c: {  	s0 =	rddreg [dreg:$0x0];
	s2 =	stileid.u32  }
0x5d: {  	s1 =	rddreg [dreg:$0x1];
	p0 =	sne.s32 s2, $0x0  }
0x5e: {  	s3 =	rddreg [dreg:$0x2];
	[bflag:$0x3] =	sbarrier.arrive $0xFFFF;
	s2 =	simm.s32 @!p0 $0x1C01  }
0x5f: {  	[timem:s3], [sflag:s2] =	dma.local @!p0 [hbm:s0], s1  }
0x60: {  	s0 =	simm.s32 @!p0 $0x1  }
0x61: {  	_ =	swait.ge @!p0 [sflag:s0], s1  }
0x62: {  	s1 =	ssub.s32 @!p0 $0x0, s1;
	[sflag:s0] =	ssyncset.done @!p0 $0x0  }
0x63: {  	[sflag:s0] =	ssyncadd.s32 @!p0 s1  }
0x64: {  	[bflag:$0x3] =	sbarrier.arrive $0xFFFF  }
0x65: {  	_ =	shalt  }

</sc_bundles>
